<compile_context>
chip_gen: v7x
topology: tpu7x:2x2x1
jax: 0.10.2.dev20260603
libtpu: 0.0.44.dev20260713+nightly
codegen_flags: <defaults>
</compile_context>

<pallas_src>
import functools

import jax
import jax.numpy as jnp
from jax import lax
from jax.experimental import pallas as pl
from jax.experimental.pallas import tpu as pltpu
from jax.experimental.pallas import tpu_sc as plsc

N = 10000
E = 320000
D = 128

NC = 2
NS = 16
NW = NC * NS

CH = 128
CPT = 80
CPP = 40
N0 = 152
N1 = 2 * CPT - N0
EPT = CH * CPT
E_PAD = EPT * NW
R = 10240
RPT = R // NS

_mesh = plsc.VectorSubcoreMesh(core_axis_name="c", subcore_axis_name="s")



DW = 128


@functools.partial(
    pl.kernel,
    out_type=jax.ShapeDtypeStruct((NC, R, DW), jnp.float32),
    mesh=_mesh,
    scratch_types=[
        pltpu.VMEM_SHARED((R, DW), jnp.float32),
        pltpu.VMEM((CPT, CH), jnp.int32),
        pltpu.VMEM((CH, DW), jnp.float32),
    ],
)
def _deg_kernel(dst_hbm, ones_hbm, z_hbm, out_hbm, accd, didx, ones_v):
    c = lax.axis_index("c")
    s = lax.axis_index("s")
    wid = c * NS + s
    pltpu.sync_copy(z_hbm, accd.at[pl.ds(s * RPT, RPT)])
    pltpu.sync_copy(ones_hbm, ones_v)
    pltpu.sync_copy(dst_hbm.at[pl.ds(wid * CPT, CPT)], didx)
    plsc.subcore_barrier()

    def body(j, carry):
        pltpu.sync_copy(ones_v, accd.at[didx.at[j]], add=True)
        return carry

    lax.fori_loop(0, CPT, body, 0)
    plsc.subcore_barrier()
    pltpu.sync_copy(accd.at[pl.ds(s * RPT, RPT)],
                    out_hbm.at[c, pl.ds(s * RPT, RPT)])


@functools.partial(
    pl.kernel,
    out_type=jax.ShapeDtypeStruct((NC, R, D), jnp.float32),
    mesh=_mesh,
    scratch_types=[
        pltpu.VMEM_SHARED((R, D), jnp.float32),
        pltpu.VMEM((CPP, CH), jnp.int32),
        pltpu.VMEM((CPP, CH), jnp.int32),
        pltpu.VMEM((CH, D), jnp.float32),
        pltpu.VMEM((CH, D), jnp.float32),
        pltpu.SemaphoreType.DMA,
        pltpu.SemaphoreType.DMA,
    ],
)
def _agg_kernel(g_hbm, src_hbm, dst_hbm, z_hbm, out_hbm,
                acc, sidx, didx, buf0, buf1, sem0, sem1):
    c = lax.axis_index("c")
    s = lax.axis_index("s")
    pltpu.sync_copy(z_hbm, acc.at[pl.ds(s * RPT, RPT)])
    plsc.subcore_barrier()

    def run_chunks(row0, n):
        done = 0
        while done < n:
            sz = min(CPP, n - done)
            base = row0 + done
            pltpu.sync_copy(src_hbm.at[pl.ds(base, sz)], sidx.at[pl.ds(0, sz)])
            pltpu.sync_copy(dst_hbm.at[pl.ds(base, sz)], didx.at[pl.ds(0, sz)])
            pltpu.async_copy(g_hbm.at[sidx.at[0]], buf0, sem0)

            def body(j, carry):
                pltpu.async_copy(g_hbm.at[sidx.at[j + 1]], buf1, sem1)
                pltpu.make_async_copy(g_hbm.at[sidx.at[j]], buf0, sem0).wait()
                pltpu.sync_copy(buf0, acc.at[didx.at[j]], add=True)

                @pl.when(j + 2 < sz)
                def _():
                    pltpu.async_copy(g_hbm.at[sidx.at[j + 2]], buf0, sem0)

                pltpu.make_async_copy(g_hbm.at[sidx.at[j + 1]], buf1, sem1).wait()
                pltpu.sync_copy(buf1, acc.at[didx.at[j + 1]], add=True)
                return carry

            lax.fori_loop(0, sz // 2, lambda i, cr: body(2 * i, cr), 0)
            done += sz

    if N0 > 0:
        @pl.when(c == 0)
        def _():
            run_chunks(s * N0, N0)
    if N1 > 0:
        @pl.when(c == 1)
        def _():
            run_chunks(NS * N0 + s * N1, N1)

    plsc.subcore_barrier()
    pltpu.sync_copy(acc.at[pl.ds(s * RPT, RPT)],
                    out_hbm.at[c, pl.ds(s * RPT, RPT)])



BM = 2000


def _mm1_body(x_ref, w_ref, da_ref, db_ref, g_ref, dv_ref):
    deg = da_ref[...] + db_ref[...] + 1.0
    dinv = lax.rsqrt(deg)
    h = jnp.dot(x_ref[...], w_ref[...], preferred_element_type=jnp.float32)
    g_ref[...] = h * dinv[:, :1]
    dv_ref[...] = dinv


_mm1 = pl.pallas_call(
    _mm1_body,
    grid=(N // BM,),
    in_specs=[
        pl.BlockSpec((BM, D), lambda i: (i, 0)),
        pl.BlockSpec((D, D), lambda i: (0, 0)),
        pl.BlockSpec((BM, 16), lambda i: (i, 0)),
        pl.BlockSpec((BM, 16), lambda i: (i, 0)),
    ],
    out_specs=[
        pl.BlockSpec((BM, D), lambda i: (i, 0)),
        pl.BlockSpec((BM, 16), lambda i: (i, 0)),
    ],
    out_shape=[
        jax.ShapeDtypeStruct((N, D), jnp.float32),
        jax.ShapeDtypeStruct((N, 16), jnp.float32),
    ],
)


def _mm2_body(aa_ref, ab_ref, g1_ref, dv_ref, b1_ref, w_ref, g2_ref):
    dv = dv_ref[...][:, :1]
    z = dv * (aa_ref[...] + ab_ref[...] + g1_ref[...]) + b1_ref[...]
    r = jnp.maximum(z, 0.0)
    h = jnp.dot(r, w_ref[...], preferred_element_type=jnp.float32)
    g2_ref[...] = h * dv


_mm2 = pl.pallas_call(
    _mm2_body,
    grid=(N // BM,),
    in_specs=[
        pl.BlockSpec((BM, D), lambda i: (i, 0)),
        pl.BlockSpec((BM, D), lambda i: (i, 0)),
        pl.BlockSpec((BM, D), lambda i: (i, 0)),
        pl.BlockSpec((BM, 16), lambda i: (i, 0)),
        pl.BlockSpec((1, D), lambda i: (0, 0)),
        pl.BlockSpec((D, D), lambda i: (0, 0)),
    ],
    out_specs=pl.BlockSpec((BM, D), lambda i: (i, 0)),
    out_shape=jax.ShapeDtypeStruct((N, D), jnp.float32),
)


def _final_body(aa_ref, ab_ref, g2_ref, dv_ref, b2_ref, o_ref):
    dv = dv_ref[...][:, :1]
    o_ref[...] = dv * (aa_ref[...] + ab_ref[...] + g2_ref[...]) + b2_ref[...]


_final = pl.pallas_call(
    _final_body,
    grid=(N // BM,),
    in_specs=[
        pl.BlockSpec((BM, D), lambda i: (i, 0)),
        pl.BlockSpec((BM, D), lambda i: (i, 0)),
        pl.BlockSpec((BM, D), lambda i: (i, 0)),
        pl.BlockSpec((BM, 16), lambda i: (i, 0)),
        pl.BlockSpec((1, D), lambda i: (0, 0)),
    ],
    out_specs=pl.BlockSpec((BM, D), lambda i: (i, 0)),
    out_shape=jax.ShapeDtypeStruct((N, D), jnp.float32),
)



def kernel(x, edge_index, W1, b1, W2, b2):
    src = edge_index[0]
    dst = edge_index[1]
    pad = E_PAD - E
    srcp = jnp.concatenate([src, jnp.zeros((pad,), jnp.int32)])
    dstp = jnp.concatenate([dst, jnp.full((pad,), N, jnp.int32)])
    src3 = srcp.reshape(NW * CPT, CH)
    dst3 = dstp.reshape(NW * CPT, CH)

    z128 = jnp.zeros((RPT, D), jnp.float32)
    zdw = jnp.zeros((RPT, DW), jnp.float32)
    onesdw = jnp.ones((CH, DW), jnp.float32)

    degp = _deg_kernel(dst3, onesdw, zdw)
    g1, dinv = _mm1(x, W1, degp[0, :N, :16], degp[1, :N, :16])
    agg1 = _agg_kernel(g1, src3, dst3, z128)
    g2 = _mm2(agg1[0, :N], agg1[1, :N], g1, dinv,
              b1.reshape(1, D), W2)
    agg2 = _agg_kernel(g2, src3, dst3, z128)
    out = _final(agg2[0, :N], agg2[1, :N], g2, dinv,
                 b2.reshape(1, D))
    return out

# --- scband reference (transcript-rebuilt; emitter-appended) ---
"""Pipeline reference for scband-gcnencoder-69810398429751 (READ-ONLY COPY).

The authoritative reference and input builder live on the scoring server;
editing this copy changes nothing except your own understanding.
"""

import jax, jax.numpy as jnp
import numpy as np

N = 10000
E = 320000
D_IN = 128
D_HID = 128
D_OUT = 128


def setup_inputs(seed: int = 0) -> dict:
    key = jax.random.key(seed)
    k1, k2, k3, k4, k5, k6 = jax.random.split(key, 6)
    x = jax.random.normal(k1, (N, D_IN), dtype=jnp.float32)
    edge_index = jax.random.randint(k2, (2, E), 0, N, dtype=jnp.int32)
    W1 = jax.random.normal(k3, (D_IN, D_HID), dtype=jnp.float32) * (1.0 / np.sqrt(D_IN))
    b1 = jnp.zeros((D_HID,), dtype=jnp.float32)
    W2 = jax.random.normal(k4, (D_HID, D_OUT), dtype=jnp.float32) * (1.0 / np.sqrt(D_HID))
    b2 = jnp.zeros((D_OUT,), dtype=jnp.float32)
    return {"x": x, "edge_index": edge_index, "W1": W1, "b1": b1, "W2": W2, "b2": b2}


def gcn_conv(x, edge_index, W, b):
    # PyG-style GCNConv: add self-loops, symmetric deg^{-1/2} normalization,
    # linear transform, scatter-add aggregation, bias.
    src = edge_index[0]
    dst = edge_index[1]
    n = x.shape[0]
    loop = jnp.arange(n, dtype=src.dtype)
    s = jnp.concatenate([src, loop])
    d = jnp.concatenate([dst, loop])
    deg = jnp.zeros((n,), dtype=x.dtype).at[d].add(1.0)
    dinv = jnp.where(deg > 0, jax.lax.rsqrt(deg), 0.0)
    norm = dinv[s] * dinv[d]
    h = x @ W
    msg = h[s] * norm[:, None]
    out = jnp.zeros((n, W.shape[1]), dtype=x.dtype).at[d].add(msg)
    return out + b


def reference(x, edge_index, W1, b1, W2, b2):
    # layer 1 + relu (dropout is identity in eval mode)
    h = jax.nn.relu(gcn_conv(x, edge_index, W1, b1))
    # final layer, batch=None so no global pooling
    out = gcn_conv(h, edge_index, W2, b2)
    return out

if __name__ == "__main__":
    import jax
    _d = setup_inputs()
    print(jax.jit(kernel)(*tuple(_d.values())))

</pallas_src>

<mosaic_0001>
#map = affine_map<(d0, d1) -> (0, 0)>
#map1 = affine_map<(d0, d1) -> (0, 0, 0)>
module attributes {stable_mosaic.version = 14 : i64} {
  func.func @_agg_kernel(%arg0: i32, %arg1: i32, %arg2: memref<10000x128xf32, #tpu.memory_space<hbm>>, %arg3: memref<2560x128xi32, #tpu.memory_space<hbm>>, %arg4: memref<2560x128xi32, #tpu.memory_space<hbm>>, %arg5: memref<640x128xf32, #tpu.memory_space<hbm>>, %arg6: memref<2x10240x128xf32, #tpu.memory_space<hbm>>, %arg7: memref<10240x128xf32, #tpu.memory_space<vmem_shared>>, %arg8: memref<40x128xi32, #tpu.memory_space<vmem>>, %arg9: memref<40x128xi32, #tpu.memory_space<vmem>>, %arg10: memref<128x128xf32, #tpu.memory_space<vmem>>, %arg11: memref<128x128xf32, #tpu.memory_space<vmem>>, %arg12: memref<!tpu.dma_semaphore, #tpu.memory_space<semaphore_mem>>, %arg13: memref<!tpu.dma_semaphore, #tpu.memory_space<semaphore_mem>>) attributes {dimension_semantics = [#tpu.dimension_semantics<core_parallel>, #tpu.dimension_semantics<subcore_parallel>], iteration_bounds = array<i64: 2, 16>, scalar_prefetch = 0 : i64, scratch_operands = 7 : i64, tpu.core_type = #tpu.core_type<sc_vector_subcore>, window_params = [{transform_indices = #map}, {transform_indices = #map}, {transform_indices = #map}, {transform_indices = #map}, {transform_indices = #map1}]} {
    %mul3A = arith.constant 640 : i32
    %mul3A_0 = arith.muli %arg1, %mul3A : i32
    "tpu.region"() ({
      %run_scoped3A = tpu.sem_alloc : memref<!tpu.dma_semaphore, #tpu.memory_space<semaphore_mem>>
      %dma_start3A = arith.constant 0 : i32
      %dma_start3A_13 = tpu.memref_slice %arg7[%mul3A_0, %dma_start3A] : memref<10240x128xf32, #tpu.memory_space<vmem_shared>> -> memref<640x128xf32, #tpu.memory_space<vmem_shared>>
      tpu.enqueue_dma source(%arg5 : memref<640x128xf32, #tpu.memory_space<hbm>>) target(%dma_start3A_13 : memref<640x128xf32, #tpu.memory_space<vmem_shared>>) target_semaphore(%run_scoped3A : memref<!tpu.dma_semaphore, #tpu.memory_space<semaphore_mem>>)
      %dma_wait3A = arith.constant 0 : i32
      %dma_wait3A_14 = tpu.memref_slice %arg7[%mul3A_0, %dma_wait3A] : memref<10240x128xf32, #tpu.memory_space<vmem_shared>> -> memref<640x128xf32, #tpu.memory_space<vmem_shared>>
      tpu.wait_dma2 semaphore(%run_scoped3A : memref<!tpu.dma_semaphore, #tpu.memory_space<semaphore_mem>>) src(%arg5 : memref<640x128xf32, #tpu.memory_space<hbm>>) dst(%dma_wait3A_14 : memref<640x128xf32, #tpu.memory_space<vmem_shared>>)
      tpu.yield
    }) : () -> ()
    %barrier3A = arith.constant 0 : index
    tpu.barrier barrier_id(%barrier3A)
    %eq3A = arith.constant 0 : i32
    %eq3A_1 = arith.cmpi eq, %arg0, %eq3A : i32
    %convert_element_type3A = arith.extui %eq3A_1 : i1 to i32
    %cond3A = arith.constant 0 : i32
    %cond3A_2 = arith.cmpi ne, %convert_element_type3A, %cond3A : i32
    scf.if %cond3A_2 {
      %mul3A_13 = arith.constant 152 : i32
      %mul3A_14 = arith.muli %arg1, %mul3A_13 : i32
      %add3A = arith.constant 0 : i32
      %add3A_15 = arith.addi %mul3A_14, %add3A : i32
      "tpu.region"() ({
        %run_scoped3A = tpu.sem_alloc : memref<!tpu.dma_semaphore, #tpu.memory_space<semaphore_mem>>
        %dma_start3A_72 = arith.constant 0 : i32
        %dma_start3A_73 = arith.constant 0 : i32
        %dma_start3A_74 = tpu.memref_slice %arg8[%dma_start3A_72, %dma_start3A_73] : memref<40x128xi32, #tpu.memory_space<vmem>> -> memref<40x128xi32, #tpu.memory_space<vmem>>
        %dma_start3A_75 = arith.constant 0 : i32
        %dma_start3A_76 = tpu.memref_slice %arg3[%add3A_15, %dma_start3A_75] : memref<2560x128xi32, #tpu.memory_space<hbm>> -> memref<40x128xi32, #tpu.memory_space<hbm>>
        %dma_start3A_77 = arith.constant 0 : i32
        %dma_start3A_78 = arith.constant 0 : i32
        %dma_start3A_79 = tpu.memref_slice %arg8[%dma_start3A_77, %dma_start3A_78] : memref<40x128xi32, #tpu.memory_space<vmem>> -> memref<40x128xi32, #tpu.memory_space<vmem>>
        %dma_start3A_80 = arith.constant 0 : i32
        %dma_start3A_81 = tpu.memref_slice %arg3[%add3A_15, %dma_start3A_80] : memref<2560x128xi32, #tpu.memory_space<hbm>> -> memref<40x128xi32, #tpu.memory_space<hbm>>
        tpu.enqueue_dma source(%dma_start3A_81 : memref<40x128xi32, #tpu.memory_space<hbm>>) target(%dma_start3A_79 : memref<40x128xi32, #tpu.memory_space<vmem>>) target_semaphore(%run_scoped3A : memref<!tpu.dma_semaphore, #tpu.memory_space<semaphore_mem>>)
        %dma_wait3A = arith.constant 0 : i32
        %dma_wait3A_82 = arith.constant 0 : i32
        %dma_wait3A_83 = tpu.memref_slice %arg8[%dma_wait3A, %dma_wait3A_82] : memref<40x128xi32, #tpu.memory_space<vmem>> -> memref<40x128xi32, #tpu.memory_space<vmem>>
        %dma_wait3A_84 = arith.constant 0 : i32
        %dma_wait3A_85 = tpu.memref_slice %arg3[%add3A_15, %dma_wait3A_84] : memref<2560x128xi32, #tpu.memory_space<hbm>> -> memref<40x128xi32, #tpu.memory_space<hbm>>
        %dma_wait3A_86 = arith.constant 0 : i32
        %dma_wait3A_87 = arith.constant 0 : i32
        %dma_wait3A_88 = tpu.memref_slice %arg8[%dma_wait3A_86, %dma_wait3A_87] : memref<40x128xi32, #tpu.memory_space<vmem>> -> memref<40x128xi32, #tpu.memory_space<vmem>>
        %dma_wait3A_89 = arith.constant 0 : i32
        %dma_wait3A_90 = tpu.memref_slice %arg3[%add3A_15, %dma_wait3A_89] : memref<2560x128xi32, #tpu.memory_space<hbm>> -> memref<40x128xi32, #tpu.memory_space<hbm>>
        tpu.wait_dma2 semaphore(%run_scoped3A : memref<!tpu.dma_semaphore, #tpu.memory_space<semaphore_mem>>) src(%dma_wait3A_90 : memref<40x128xi32, #tpu.memory_space<hbm>>) dst(%dma_wait3A_88 : memref<40x128xi32, #tpu.memory_space<vmem>>)
        tpu.yield
      }) : () -> ()
      "tpu.region"() ({
        %run_scoped3A = tpu.sem_alloc : memref<!tpu.dma_semaphore, #tpu.memory_space<semaphore_mem>>
        %dma_start3A_72 = arith.constant 0 : i32
        %dma_start3A_73 = arith.constant 0 : i32
        %dma_start3A_74 = tpu.memref_slice %arg9[%dma_start3A_72, %dma_start3A_73] : memref<40x128xi32, #tpu.memory_space<vmem>> -> memref<40x128xi32, #tpu.memory_space<vmem>>
        %dma_start3A_75 = arith.constant 0 : i32
        %dma_start3A_76 = tpu.memref_slice %arg4[%add3A_15, %dma_start3A_75] : memref<2560x128xi32, #tpu.memory_space<hbm>> -> memref<40x128xi32, #tpu.memory_space<hbm>>
        %dma_start3A_77 = arith.constant 0 : i32
        %dma_start3A_78 = arith.constant 0 : i32
        %dma_start3A_79 = tpu.memref_slice %arg9[%dma_start3A_77, %dma_start3A_78] : memref<40x128xi32, #tpu.memory_space<vmem>> -> memref<40x128xi32, #tpu.memory_space<vmem>>
        %dma_start3A_80 = arith.constant 0 : i32
        %dma_start3A_81 = tpu.memref_slice %arg4[%add3A_15, %dma_start3A_80] : memref<2560x128xi32, #tpu.memory_space<hbm>> -> memref<40x128xi32, #tpu.memory_space<hbm>>
        tpu.enqueue_dma source(%dma_start3A_81 : memref<40x128xi32, #tpu.memory_space<hbm>>) target(%dma_start3A_79 : memref<40x128xi32, #tpu.memory_space<vmem>>) target_semaphore(%run_scoped3A : memref<!tpu.dma_semaphore, #tpu.memory_space<semaphore_mem>>)
        %dma_wait3A = arith.constant 0 : i32
        %dma_wait3A_82 = arith.constant 0 : i32
        %dma_wait3A_83 = tpu.memref_slice %arg9[%dma_wait3A, %dma_wait3A_82] : memref<40x128xi32, #tpu.memory_space<vmem>> -> memref<40x128xi32, #tpu.memory_space<vmem>>
        %dma_wait3A_84 = arith.constant 0 : i32
        %dma_wait3A_85 = tpu.memref_slice %arg4[%add3A_15, %dma_wait3A_84] : memref<2560x128xi32, #tpu.memory_space<hbm>> -> memref<40x128xi32, #tpu.memory_space<hbm>>
        %dma_wait3A_86 = arith.constant 0 : i32
        %dma_wait3A_87 = arith.constant 0 : i32
        %dma_wait3A_88 = tpu.memref_slice %arg9[%dma_wait3A_86, %dma_wait3A_87] : memref<40x128xi32, #tpu.memory_space<vmem>> -> memref<40x128xi32, #tpu.memory_space<vmem>>
        %dma_wait3A_89 = arith.constant 0 : i32
        %dma_wait3A_90 = tpu.memref_slice %arg4[%add3A_15, %dma_wait3A_89] : memref<2560x128xi32, #tpu.memory_space<hbm>> -> memref<40x128xi32, #tpu.memory_space<hbm>>
        tpu.wait_dma2 semaphore(%run_scoped3A : memref<!tpu.dma_semaphore, #tpu.memory_space<semaphore_mem>>) src(%dma_wait3A_90 : memref<40x128xi32, #tpu.memory_space<hbm>>) dst(%dma_wait3A_88 : memref<40x128xi32, #tpu.memory_space<vmem>>)
        tpu.yield
      }) : () -> ()
      %dma_start3A = arith.constant 0 : i32
      %dma_start3A_16 = arith.constant 0 : i32
      %dma_start3A_17 = tpu.memref_slice %arg8[%dma_start3A, %dma_start3A_16] : memref<40x128xi32, #tpu.memory_space<vmem>> -> memref<1x128xi32, #tpu.memory_space<vmem>>
      %dma_start3A_18 = tpu.memref_squeeze %dma_start3A_17 : memref<1x128xi32, #tpu.memory_space<vmem>> -> memref<128xi32, #tpu.memory_space<vmem>>
      %dma_start3A_19 = arith.constant 0 : i32
      %dma_start3A_20 = arith.constant 0 : i32
      %dma_start3A_21 = tpu.memref_slice %arg2[%dma_start3A_19, %dma_start3A_20] : memref<10000x128xf32, #tpu.memory_space<hbm>> -> memref<10000x128xf32, #tpu.memory_space<hbm>>
      tpu.enqueue_indirect_dma source(%dma_start3A_21 : memref<10000x128xf32, #tpu.memory_space<hbm>>) target(%arg10 : memref<128x128xf32, #tpu.memory_space<vmem>>) offsets(%dma_start3A_18 : memref<128xi32, #tpu.memory_space<vmem>>) semaphore(%arg12 : memref<!tpu.dma_semaphore, #tpu.memory_space<semaphore_mem>>)
      %scan3A = arith.constant 0 : i32
      %scan3A_22 = arith.constant 0 : i32
      %scan3A_23 = arith.constant 20 : i32
      %scan3A_24 = arith.addi %scan3A_22, %scan3A_23 : i32
      %scan3A_25 = arith.constant 1 : i32
      scf.for %scan3A_72 = %scan3A_22 to %scan3A_24 step %scan3A_25  : i32 {
        %mul3A_73 = arith.constant 2 : i32
        %mul3A_74 = arith.muli %mul3A_73, %scan3A_72 : i32
        %add3A_75 = arith.constant 1 : i32
        %add3A_76 = arith.addi %mul3A_74, %add3A_75 : i32
        %dma_start3A_77 = arith.constant 0 : i32
        %dma_start3A_78 = tpu.memref_slice %arg8[%add3A_76, %dma_start3A_77] : memref<40x128xi32, #tpu.memory_space<vmem>> -> memref<1x128xi32, #tpu.memory_space<vmem>>
        %dma_start3A_79 = tpu.memref_squeeze %dma_start3A_78 : memref<1x128xi32, #tpu.memory_space<vmem>> -> memref<128xi32, #tpu.memory_space<vmem>>
        %dma_start3A_80 = arith.constant 0 : i32
        %dma_start3A_81 = arith.constant 0 : i32
        %dma_start3A_82 = tpu.memref_slice %arg2[%dma_start3A_80, %dma_start3A_81] : memref<10000x128xf32, #tpu.memory_space<hbm>> -> memref<10000x128xf32, #tpu.memory_space<hbm>>
        tpu.enqueue_indirect_dma source(%dma_start3A_82 : memref<10000x128xf32, #tpu.memory_space<hbm>>) target(%arg11 : memref<128x128xf32, #tpu.memory_space<vmem>>) offsets(%dma_start3A_79 : memref<128xi32, #tpu.memory_space<vmem>>) semaphore(%arg13 : memref<!tpu.dma_semaphore, #tpu.memory_space<semaphore_mem>>)
        %dma_wait3A = arith.constant 0 : i32
        %dma_wait3A_83 = tpu.memref_slice %arg8[%mul3A_74, %dma_wait3A] : memref<40x128xi32, #tpu.memory_space<vmem>> -> memref<1x128xi32, #tpu.memory_space<vmem>>
        %dma_wait3A_84 = tpu.memref_squeeze %dma_wait3A_83 : memref<1x128xi32, #tpu.memory_space<vmem>> -> memref<128xi32, #tpu.memory_space<vmem>>
        %dma_wait3A_85 = arith.constant 0 : i32
        %dma_wait3A_86 = arith.constant 0 : i32
        %dma_wait3A_87 = tpu.memref_slice %arg2[%dma_wait3A_85, %dma_wait3A_86] : memref<10000x128xf32, #tpu.memory_space<hbm>> -> memref<10000x128xf32, #tpu.memory_space<hbm>>
        tpu.wait_indirect_dma semaphore(%arg12 : memref<!tpu.dma_semaphore, #tpu.memory_space<semaphore_mem>>) src(%dma_wait3A_87 : memref<10000x128xf32, #tpu.memory_space<hbm>>) dst(%arg10 : memref<128x128xf32, #tpu.memory_space<vmem>>)
        "tpu.region"() ({
          %run_scoped3A = tpu.sem_alloc : memref<!tpu.dma_semaphore, #tpu.memory_space<semaphore_mem>>
          %dma_start3A_104 = arith.constant 0 : i32
          %dma_start3A_105 = tpu.memref_slice %arg9[%mul3A_74, %dma_start3A_104] : memref<40x128xi32, #tpu.memory_space<vmem>> -> memref<1x128xi32, #tpu.memory_space<vmem>>
          %dma_start3A_106 = tpu.memref_squeeze %dma_start3A_105 : memref<1x128xi32, #tpu.memory_space<vmem>> -> memref<128xi32, #tpu.memory_space<vmem>>
          %dma_start3A_107 = arith.constant 0 : i32
          %dma_start3A_108 = arith.constant 0 : i32
          %dma_start3A_109 = tpu.memref_slice %arg7[%dma_start3A_107, %dma_start3A_108] : memref<10240x128xf32, #tpu.memory_space<vmem_shared>> -> memref<10240x128xf32, #tpu.memory_space<vmem_shared>>
          tpu.enqueue_indirect_dma source(%arg10 : memref<128x128xf32, #tpu.memory_space<vmem>>) target(%dma_start3A_109 : memref<10240x128xf32, #tpu.memory_space<vmem_shared>>) offsets(%dma_start3A_106 : memref<128xi32, #tpu.memory_space<vmem>>) semaphore(%run_scoped3A : memref<!tpu.dma_semaphore, #tpu.memory_space<semaphore_mem>>) {add = true}
          %dma_wait3A_110 = arith.constant 0 : i32
          %dma_wait3A_111 = tpu.memref_slice %arg9[%mul3A_74, %dma_wait3A_110] : memref<40x128xi32, #tpu.memory_space<vmem>> -> memref<1x128xi32, #tpu.memory_space<vmem>>
          %dma_wait3A_112 = tpu.memref_squeeze %dma_wait3A_111 : memref<1x128xi32, #tpu.memory_space<vmem>> -> memref<128xi32, #tpu.memory_space<vmem>>
          %dma_wait3A_113 = arith.constant 0 : i32
          %dma_wait3A_114 = arith.constant 0 : i32
          %dma_wait3A_115 = tpu.memref_slice %arg7[%dma_wait3A_113, %dma_wait3A_114] : memref<10240x128xf32, #tpu.memory_space<vmem_shared>> -> memref<10240x128xf32, #tpu.memory_space<vmem_shared>>
          tpu.wait_indirect_dma semaphore(%run_scoped3A : memref<!tpu.dma_semaphore, #tpu.memory_space<semaphore_mem>>) src(%arg10 : memref<128x128xf32, #tpu.memory_space<vmem>>) dst(%dma_wait3A_115 : memref<10240x128xf32, #tpu.memory_space<vmem_shared>>)
          tpu.yield
        }) : () -> ()
        %add3A_88 = arith.constant 2 : i32
        %add3A_89 = arith.addi %mul3A_74, %add3A_88 : i32
        %lt3A = arith.constant 40 : i32
        %lt3A_90 = arith.cmpi slt, %add3A_89, %lt3A : i32
        %convert_element_type3A_91 = arith.extui %lt3A_90 : i1 to i32
        %cond3A_92 = arith.constant 0 : i32
        %cond3A_93 = arith.cmpi ne, %convert_element_type3A_91, %cond3A_92 : i32
        scf.if %cond3A_93 {
          %add3A_104 = arith.constant 2 : i32
          %add3A_105 = arith.addi %mul3A_74, %add3A_104 : i32
          %dma_start3A_106 = arith.constant 0 : i32
          %dma_start3A_107 = tpu.memref_slice %arg8[%add3A_105, %dma_start3A_106] : memref<40x128xi32, #tpu.memory_space<vmem>> -> memref<1x128xi32, #tpu.memory_space<vmem>>
          %dma_start3A_108 = tpu.memref_squeeze %dma_start3A_107 : memref<1x128xi32, #tpu.memory_space<vmem>> -> memref<128xi32, #tpu.memory_space<vmem>>
          %dma_start3A_109 = arith.constant 0 : i32
          %dma_start3A_110 = arith.constant 0 : i32
          %dma_start3A_111 = tpu.memref_slice %arg2[%dma_start3A_109, %dma_start3A_110] : memref<10000x128xf32, #tpu.memory_space<hbm>> -> memref<10000x128xf32, #tpu.memory_space<hbm>>
          tpu.enqueue_indirect_dma source(%dma_start3A_111 : memref<10000x128xf32, #tpu.memory_space<hbm>>) target(%arg10 : memref<128x128xf32, #tpu.memory_space<vmem>>) offsets(%dma_start3A_108 : memref<128xi32, #tpu.memory_space<vmem>>) semaphore(%arg12 : memref<!tpu.dma_semaphore, #tpu.memory_space<semaphore_mem>>)
        } else {
        }
        %add3A_94 = arith.constant 1 : i32
        %add3A_95 = arith.addi %mul3A_74, %add3A_94 : i32
        %dma_wait3A_96 = arith.constant 0 : i32
        %dma_wait3A_97 = tpu.memref_slice %arg8[%add3A_95, %dma_wait3A_96] : memref<40x128xi32, #tpu.memory_space<vmem>> -> memref<1x128xi32, #tpu.memory_space<vmem>>
        %dma_wait3A_98 = tpu.memref_squeeze %dma_wait3A_97 : memref<1x128xi32, #tpu.memory_space<vmem>> -> memref<128xi32, #tpu.memory_space<vmem>>
        %dma_wait3A_99 = arith.constant 0 : i32
        %dma_wait3A_100 = arith.constant 0 : i32
        %dma_wait3A_101 = tpu.memref_slice %arg2[%dma_wait3A_99, %dma_wait3A_100] : memref<10000x128xf32, #tpu.memory_space<hbm>> -> memref<10000x128xf32, #tpu.memory_space<hbm>>
        tpu.wait_indirect_dma semaphore(%arg13 : memref<!tpu.dma_semaphore, #tpu.memory_space<semaphore_mem>>) src(%dma_wait3A_101 : memref<10000x128xf32, #tpu.memory_space<hbm>>) dst(%arg11 : memref<128x128xf32, #tpu.memory_space<vmem>>)
        %add3A_102 = arith.constant 1 : i32
        %add3A_103 = arith.addi %mul3A_74, %add3A_102 : i32
        "tpu.region"() ({
          %run_scoped3A = tpu.sem_alloc : memref<!tpu.dma_semaphore, #tpu.memory_space<semaphore_mem>>
          %dma_start3A_104 = arith.constant 0 : i32
          %dma_start3A_105 = tpu.memref_slice %arg9[%add3A_103, %dma_start3A_104] : memref<40x128xi32, #tpu.memory_space<vmem>> -> memref<1x128xi32, #tpu.memory_space<vmem>>
          %dma_start3A_106 = tpu.memref_squeeze %dma_start3A_105 : memref<1x128xi32, #tpu.memory_space<vmem>> -> memref<128xi32, #tpu.memory_space<vmem>>
          %dma_start3A_107 = arith.constant 0 : i32
          %dma_start3A_108 = arith.constant 0 : i32
          %dma_start3A_109 = tpu.memref_slice %arg7[%dma_start3A_107, %dma_start3A_108] : memref<10240x128xf32, #tpu.memory_space<vmem_shared>> -> memref<10240x128xf32, #tpu.memory_space<vmem_shared>>
          tpu.enqueue_indirect_dma source(%arg11 : memref<128x128xf32, #tpu.memory_space<vmem>>) target(%dma_start3A_109 : memref<10240x128xf32, #tpu.memory_space<vmem_shared>>) offsets(%dma_start3A_106 : memref<128xi32, #tpu.memory_space<vmem>>) semaphore(%run_scoped3A : memref<!tpu.dma_semaphore, #tpu.memory_space<semaphore_mem>>) {add = true}
          %dma_wait3A_110 = arith.constant 0 : i32
          %dma_wait3A_111 = tpu.memref_slice %arg9[%add3A_103, %dma_wait3A_110] : memref<40x128xi32, #tpu.memory_space<vmem>> -> memref<1x128xi32, #tpu.memory_space<vmem>>
          %dma_wait3A_112 = tpu.memref_squeeze %dma_wait3A_111 : memref<1x128xi32, #tpu.memory_space<vmem>> -> memref<128xi32, #tpu.memory_space<vmem>>
          %dma_wait3A_113 = arith.constant 0 : i32
          %dma_wait3A_114 = arith.constant 0 : i32
          %dma_wait3A_115 = tpu.memref_slice %arg7[%dma_wait3A_113, %dma_wait3A_114] : memref<10240x128xf32, #tpu.memory_space<vmem_shared>> -> memref<10240x128xf32, #tpu.memory_space<vmem_shared>>
          tpu.wait_indirect_dma semaphore(%run_scoped3A : memref<!tpu.dma_semaphore, #tpu.memory_space<semaphore_mem>>) src(%arg11 : memref<128x128xf32, #tpu.memory_space<vmem>>) dst(%dma_wait3A_115 : memref<10240x128xf32, #tpu.memory_space<vmem_shared>>)
          tpu.yield
        }) : () -> ()
      }
      %scan3A_26 = arith.constant 20 : i32
      %add3A_27 = arith.constant 40 : i32
      %add3A_28 = arith.addi %mul3A_14, %add3A_27 : i32
      "tpu.region"() ({
        %run_scoped3A = tpu.sem_alloc : memref<!tpu.dma_semaphore, #tpu.memory_space<semaphore_mem>>
        %dma_start3A_72 = arith.constant 0 : i32
        %dma_start3A_73 = arith.constant 0 : i32
        %dma_start3A_74 = tpu.memref_slice %arg8[%dma_start3A_72, %dma_start3A_73] : memref<40x128xi32, #tpu.memory_space<vmem>> -> memref<40x128xi32, #tpu.memory_space<vmem>>
        %dma_start3A_75 = arith.constant 0 : i32
        %dma_start3A_76 = tpu.memref_slice %arg3[%add3A_28, %dma_start3A_75] : memref<2560x128xi32, #tpu.memory_space<hbm>> -> memref<40x128xi32, #tpu.memory_space<hbm>>
        %dma_start3A_77 = arith.constant 0 : i32
        %dma_start3A_78 = arith.constant 0 : i32
        %dma_start3A_79 = tpu.memref_slice %arg8[%dma_start3A_77, %dma_start3A_78] : memref<40x128xi32, #tpu.memory_space<vmem>> -> memref<40x128xi32, #tpu.memory_space<vmem>>
        %dma_start3A_80 = arith.constant 0 : i32
        %dma_start3A_81 = tpu.memref_slice %arg3[%add3A_28, %dma_start3A_80] : memref<2560x128xi32, #tpu.memory_space<hbm>> -> memref<40x128xi32, #tpu.memory_space<hbm>>
        tpu.enqueue_dma source(%dma_start3A_81 : memref<40x128xi32, #tpu.memory_space<hbm>>) target(%dma_start3A_79 : memref<40x128xi32, #tpu.memory_space<vmem>>) target_semaphore(%run_scoped3A : memref<!tpu.dma_semaphore, #tpu.memory_space<semaphore_mem>>)
        %dma_wait3A = arith.constant 0 : i32
        %dma_wait3A_82 = arith.constant 0 : i32
        %dma_wait3A_83 = tpu.memref_slice %arg8[%dma_wait3A, %dma_wait3A_82] : memref<40x128xi32, #tpu.memory_space<vmem>> -> memref<40x128xi32, #tpu.memory_space<vmem>>
        %dma_wait3A_84 = arith.constant 0 : i32
        %dma_wait3A_85 = tpu.memref_slice %arg3[%add3A_28, %dma_wait3A_84] : memref<2560x128xi32, #tpu.memory_space<hbm>> -> memref<40x128xi32, #tpu.memory_space<hbm>>
        %dma_wait3A_86 = arith.constant 0 : i32
        %dma_wait3A_87 = arith.constant 0 : i32
        %dma_wait3A_88 = tpu.memref_slice %arg8[%dma_wait3A_86, %dma_wait3A_87] : memref<40x128xi32, #tpu.memory_space<vmem>> -> memref<40x128xi32, #tpu.memory_space<vmem>>
        %dma_wait3A_89 = arith.constant 0 : i32
        %dma_wait3A_90 = tpu.memref_slice %arg3[%add3A_28, %dma_wait3A_89] : memref<2560x128xi32, #tpu.memory_space<hbm>> -> memref<40x128xi32, #tpu.memory_space<hbm>>
        tpu.wait_dma2 semaphore(%run_scoped3A : memref<!tpu.dma_semaphore, #tpu.memory_space<semaphore_mem>>) src(%dma_wait3A_90 : memref<40x128xi32, #tpu.memory_space<hbm>>) dst(%dma_wait3A_88 : memref<40x128xi32, #tpu.memory_space<vmem>>)
        tpu.yield
      }) : () -> ()
      "tpu.region"() ({
        %run_scoped3A = tpu.sem_alloc : memref<!tpu.dma_semaphore, #tpu.memory_space<semaphore_mem>>
        %dma_start3A_72 = arith.constant 0 : i32
        %dma_start3A_73 = arith.constant 0 : i32
        %dma_start3A_74 = tpu.memref_slice %arg9[%dma_start3A_72, %dma_start3A_73] : memref<40x128xi32, #tpu.memory_space<vmem>> -> memref<40x128xi32, #tpu.memory_space<vmem>>
        %dma_start3A_75 = arith.constant 0 : i32
        %dma_start3A_76 = tpu.memref_slice %arg4[%add3A_28, %dma_start3A_75] : memref<2560x128xi32, #tpu.memory_space<hbm>> -> memref<40x128xi32, #tpu.memory_space<hbm>>
        %dma_start3A_77 = arith.constant 0 : i32
        %dma_start3A_78 = arith.constant 0 : i32
        %dma_start3A_79 = tpu.memref_slice %arg9[%dma_start3A_77, %dma_start3A_78] : memref<40x128xi32, #tpu.memory_space<vmem>> -> memref<40x128xi32, #tpu.memory_space<vmem>>
        %dma_start3A_80 = arith.constant 0 : i32
        %dma_start3A_81 = tpu.memref_slice %arg4[%add3A_28, %dma_start3A_80] : memref<2560x128xi32, #tpu.memory_space<hbm>> -> memref<40x128xi32, #tpu.memory_space<hbm>>
        tpu.enqueue_dma source(%dma_start3A_81 : memref<40x128xi32, #tpu.memory_space<hbm>>) target(%dma_start3A_79 : memref<40x128xi32, #tpu.memory_space<vmem>>) target_semaphore(%run_scoped3A : memref<!tpu.dma_semaphore, #tpu.memory_space<semaphore_mem>>)
        %dma_wait3A = arith.constant 0 : i32
        %dma_wait3A_82 = arith.constant 0 : i32
        %dma_wait3A_83 = tpu.memref_slice %arg9[%dma_wait3A, %dma_wait3A_82] : memref<40x128xi32, #tpu.memory_space<vmem>> -> memref<40x128xi32, #tpu.memory_space<vmem>>
        %dma_wait3A_84 = arith.constant 0 : i32
        %dma_wait3A_85 = tpu.memref_slice %arg4[%add3A_28, %dma_wait3A_84] : memref<2560x128xi32, #tpu.memory_space<hbm>> -> memref<40x128xi32, #tpu.memory_space<hbm>>
        %dma_wait3A_86 = arith.constant 0 : i32
        %dma_wait3A_87 = arith.constant 0 : i32
        %dma_wait3A_88 = tpu.memref_slice %arg9[%dma_wait3A_86, %dma_wait3A_87] : memref<40x128xi32, #tpu.memory_space<vmem>> -> memref<40x128xi32, #tpu.memory_space<vmem>>
        %dma_wait3A_89 = arith.constant 0 : i32
        %dma_wait3A_90 = tpu.memref_slice %arg4[%add3A_28, %dma_wait3A_89] : memref<2560x128xi32, #tpu.memory_space<hbm>> -> memref<40x128xi32, #tpu.memory_space<hbm>>
        tpu.wait_dma2 semaphore(%run_scoped3A : memref<!tpu.dma_semaphore, #tpu.memory_space<semaphore_mem>>) src(%dma_wait3A_90 : memref<40x128xi32, #tpu.memory_space<hbm>>) dst(%dma_wait3A_88 : memref<40x128xi32, #tpu.memory_space<vmem>>)
        tpu.yield
      }) : () -> ()
      %dma_start3A_29 = arith.constant 0 : i32
      %dma_start3A_30 = arith.constant 0 : i32
      %dma_start3A_31 = tpu.memref_slice %arg8[%dma_start3A_29, %dma_start3A_30] : memref<40x128xi32, #tpu.memory_space<vmem>> -> memref<1x128xi32, #tpu.memory_space<vmem>>
      %dma_start3A_32 = tpu.memref_squeeze %dma_start3A_31 : memref<1x128xi32, #tpu.memory_space<vmem>> -> memref<128xi32, #tpu.memory_space<vmem>>
      %dma_start3A_33 = arith.constant 0 : i32
      %dma_start3A_34 = arith.constant 0 : i32
      %dma_start3A_35 = tpu.memref_slice %arg2[%dma_start3A_33, %dma_start3A_34] : memref<10000x128xf32, #tpu.memory_space<hbm>> -> memref<10000x128xf32, #tpu.memory_space<hbm>>
      tpu.enqueue_indirect_dma source(%dma_start3A_35 : memref<10000x128xf32, #tpu.memory_space<hbm>>) target(%arg10 : memref<128x128xf32, #tpu.memory_space<vmem>>) offsets(%dma_start3A_32 : memref<128xi32, #tpu.memory_space<vmem>>) semaphore(%arg12 : memref<!tpu.dma_semaphore, #tpu.memory_space<semaphore_mem>>)
      %scan3A_36 = arith.constant 0 : i32
      %scan3A_37 = arith.constant 0 : i32
      %scan3A_38 = arith.constant 20 : i32
      %scan3A_39 = arith.addi %scan3A_37, %scan3A_38 : i32
      %scan3A_40 = arith.constant 1 : i32
      scf.for %scan3A_72 = %scan3A_37 to %scan3A_39 step %scan3A_40  : i32 {
        %mul3A_73 = arith.constant 2 : i32
        %mul3A_74 = arith.muli %mul3A_73, %scan3A_72 : i32
        %add3A_75 = arith.constant 1 : i32
        %add3A_76 = arith.addi %mul3A_74, %add3A_75 : i32
        %dma_start3A_77 = arith.constant 0 : i32
        %dma_start3A_78 = tpu.memref_slice %arg8[%add3A_76, %dma_start3A_77] : memref<40x128xi32, #tpu.memory_space<vmem>> -> memref<1x128xi32, #tpu.memory_space<vmem>>
        %dma_start3A_79 = tpu.memref_squeeze %dma_start3A_78 : memref<1x128xi32, #tpu.memory_space<vmem>> -> memref<128xi32, #tpu.memory_space<vmem>>
        %dma_start3A_80 = arith.constant 0 : i32
        %dma_start3A_81 = arith.constant 0 : i32
        %dma_start3A_82 = tpu.memref_slice %arg2[%dma_start3A_80, %dma_start3A_81] : memref<10000x128xf32, #tpu.memory_space<hbm>> -> memref<10000x128xf32, #tpu.memory_space<hbm>>
        tpu.enqueue_indirect_dma source(%dma_start3A_82 : memref<10000x128xf32, #tpu.memory_space<hbm>>) target(%arg11 : memref<128x128xf32, #tpu.memory_space<vmem>>) offsets(%dma_start3A_79 : memref<128xi32, #tpu.memory_space<vmem>>) semaphore(%arg13 : memref<!tpu.dma_semaphore, #tpu.memory_space<semaphore_mem>>)
        %dma_wait3A = arith.constant 0 : i32
        %dma_wait3A_83 = tpu.memref_slice %arg8[%mul3A_74, %dma_wait3A] : memref<40x128xi32, #tpu.memory_space<vmem>> -> memref<1x128xi32, #tpu.memory_space<vmem>>
        %dma_wait3A_84 = tpu.memref_squeeze %dma_wait3A_83 : memref<1x128xi32, #tpu.memory_space<vmem>> -> memref<128xi32, #tpu.memory_space<vmem>>
        %dma_wait3A_85 = arith.constant 0 : i32
        %dma_wait3A_86 = arith.constant 0 : i32
        %dma_wait3A_87 = tpu.memref_slice %arg2[%dma_wait3A_85, %dma_wait3A_86] : memref<10000x128xf32, #tpu.memory_space<hbm>> -> memref<10000x128xf32, #tpu.memory_space<hbm>>
        tpu.wait_indirect_dma semaphore(%arg12 : memref<!tpu.dma_semaphore, #tpu.memory_space<semaphore_mem>>) src(%dma_wait3A_87 : memref<10000x128xf32, #tpu.memory_space<hbm>>) dst(%arg10 : memref<128x128xf32, #tpu.memory_space<vmem>>)
        "tpu.region"() ({
          %run_scoped3A = tpu.sem_alloc : memref<!tpu.dma_semaphore, #tpu.memory_space<semaphore_mem>>
          %dma_start3A_104 = arith.constant 0 : i32
          %dma_start3A_105 = tpu.memref_slice %arg9[%mul3A_74, %dma_start3A_104] : memref<40x128xi32, #tpu.memory_space<vmem>> -> memref<1x128xi32, #tpu.memory_space<vmem>>
          %dma_start3A_106 = tpu.memref_squeeze %dma_start3A_105 : memref<1x128xi32, #tpu.memory_space<vmem>> -> memref<128xi32, #tpu.memory_space<vmem>>
          %dma_start3A_107 = arith.constant 0 : i32
          %dma_start3A_108 = arith.constant 0 : i32
          %dma_start3A_109 = tpu.memref_slice %arg7[%dma_start3A_107, %dma_start3A_108] : memref<10240x128xf32, #tpu.memory_space<vmem_shared>> -> memref<10240x128xf32, #tpu.memory_space<vmem_shared>>
          tpu.enqueue_indirect_dma source(%arg10 : memref<128x128xf32, #tpu.memory_space<vmem>>) target(%dma_start3A_109 : memref<10240x128xf32, #tpu.memory_space<vmem_shared>>) offsets(%dma_start3A_106 : memref<128xi32, #tpu.memory_space<vmem>>) semaphore(%run_scoped3A : memref<!tpu.dma_semaphore, #tpu.memory_space<semaphore_mem>>) {add = true}
          %dma_wait3A_110 = arith.constant 0 : i32
          %dma_wait3A_111 = tpu.memref_slice %arg9[%mul3A_74, %dma_wait3A_110] : memref<40x128xi32, #tpu.memory_space<vmem>> -> memref<1x128xi32, #tpu.memory_space<vmem>>
          %dma_wait3A_112 = tpu.memref_squeeze %dma_wait3A_111 : memref<1x128xi32, #tpu.memory_space<vmem>> -> memref<128xi32, #tpu.memory_space<vmem>>
          %dma_wait3A_113 = arith.constant 0 : i32
          %dma_wait3A_114 = arith.constant 0 : i32
          %dma_wait3A_115 = tpu.memref_slice %arg7[%dma_wait3A_113, %dma_wait3A_114] : memref<10240x128xf32, #tpu.memory_space<vmem_shared>> -> memref<10240x128xf32, #tpu.memory_space<vmem_shared>>
          tpu.wait_indirect_dma semaphore(%run_scoped3A : memref<!tpu.dma_semaphore, #tpu.memory_space<semaphore_mem>>) src(%arg10 : memref<128x128xf32, #tpu.memory_space<vmem>>) dst(%dma_wait3A_115 : memref<10240x128xf32, #tpu.memory_space<vmem_shared>>)
          tpu.yield
        }) : () -> ()
        %add3A_88 = arith.constant 2 : i32
        %add3A_89 = arith.addi %mul3A_74, %add3A_88 : i32
        %lt3A = arith.constant 40 : i32
        %lt3A_90 = arith.cmpi slt, %add3A_89, %lt3A : i32
        %convert_element_type3A_91 = arith.extui %lt3A_90 : i1 to i32
        %cond3A_92 = arith.constant 0 : i32
        %cond3A_93 = arith.cmpi ne, %convert_element_type3A_91, %cond3A_92 : i32
        scf.if %cond3A_93 {
          %add3A_104 = arith.constant 2 : i32
          %add3A_105 = arith.addi %mul3A_74, %add3A_104 : i32
          %dma_start3A_106 = arith.constant 0 : i32
          %dma_start3A_107 = tpu.memref_slice %arg8[%add3A_105, %dma_start3A_106] : memref<40x128xi32, #tpu.memory_space<vmem>> -> memref<1x128xi32, #tpu.memory_space<vmem>>
          %dma_start3A_108 = tpu.memref_squeeze %dma_start3A_107 : memref<1x128xi32, #tpu.memory_space<vmem>> -> memref<128xi32, #tpu.memory_space<vmem>>
          %dma_start3A_109 = arith.constant 0 : i32
          %dma_start3A_110 = arith.constant 0 : i32
          %dma_start3A_111 = tpu.memref_slice %arg2[%dma_start3A_109, %dma_start3A_110] : memref<10000x128xf32, #tpu.memory_space<hbm>> -> memref<10000x128xf32, #tpu.memory_space<hbm>>
          tpu.enqueue_indirect_dma source(%dma_start3A_111 : memref<10000x128xf32, #tpu.memory_space<hbm>>) target(%arg10 : memref<128x128xf32, #tpu.memory_space<vmem>>) offsets(%dma_start3A_108 : memref<128xi32, #tpu.memory_space<vmem>>) semaphore(%arg12 : memref<!tpu.dma_semaphore, #tpu.memory_space<semaphore_mem>>)
        } else {
        }
        %add3A_94 = arith.constant 1 : i32
        %add3A_95 = arith.addi %mul3A_74, %add3A_94 : i32
        %dma_wait3A_96 = arith.constant 0 : i32
        %dma_wait3A_97 = tpu.memref_slice %arg8[%add3A_95, %dma_wait3A_96] : memref<40x128xi32, #tpu.memory_space<vmem>> -> memref<1x128xi32, #tpu.memory_space<vmem>>
        %dma_wait3A_98 = tpu.memref_squeeze %dma_wait3A_97 : memref<1x128xi32, #tpu.memory_space<vmem>> -> memref<128xi32, #tpu.memory_space<vmem>>
        %dma_wait3A_99 = arith.constant 0 : i32
        %dma_wait3A_100 = arith.constant 0 : i32
        %dma_wait3A_101 = tpu.memref_slice %arg2[%dma_wait3A_99, %dma_wait3A_100] : memref<10000x128xf32, #tpu.memory_space<hbm>> -> memref<10000x128xf32, #tpu.memory_space<hbm>>
        tpu.wait_indirect_dma semaphore(%arg13 : memref<!tpu.dma_semaphore, #tpu.memory_space<semaphore_mem>>) src(%dma_wait3A_101 : memref<10000x128xf32, #tpu.memory_space<hbm>>) dst(%arg11 : memref<128x128xf32, #tpu.memory_space<vmem>>)
        %add3A_102 = arith.constant 1 : i32
        %add3A_103 = arith.addi %mul3A_74, %add3A_102 : i32
        "tpu.region"() ({
          %run_scoped3A = tpu.sem_alloc : memref<!tpu.dma_semaphore, #tpu.memory_space<semaphore_mem>>
          %dma_start3A_104 = arith.constant 0 : i32
          %dma_start3A_105 = tpu.memref_slice %arg9[%add3A_103, %dma_start3A_104] : memref<40x128xi32, #tpu.memory_space<vmem>> -> memref<1x128xi32, #tpu.memory_space<vmem>>
          %dma_start3A_106 = tpu.memref_squeeze %dma_start3A_105 : memref<1x128xi32, #tpu.memory_space<vmem>> -> memref<128xi32, #tpu.memory_space<vmem>>
          %dma_start3A_107 = arith.constant 0 : i32
          %dma_start3A_108 = arith.constant 0 : i32
          %dma_start3A_109 = tpu.memref_slice %arg7[%dma_start3A_107, %dma_start3A_108] : memref<10240x128xf32, #tpu.memory_space<vmem_shared>> -> memref<10240x128xf32, #tpu.memory_space<vmem_shared>>
          tpu.enqueue_indirect_dma source(%arg11 : memref<128x128xf32, #tpu.memory_space<vmem>>) target(%dma_start3A_109 : memref<10240x128xf32, #tpu.memory_space<vmem_shared>>) offsets(%dma_start3A_106 : memref<128xi32, #tpu.memory_space<vmem>>) semaphore(%run_scoped3A : memref<!tpu.dma_semaphore, #tpu.memory_space<semaphore_mem>>) {add = true}
          %dma_wait3A_110 = arith.constant 0 : i32
          %dma_wait3A_111 = tpu.memref_slice %arg9[%add3A_103, %dma_wait3A_110] : memref<40x128xi32, #tpu.memory_space<vmem>> -> memref<1x128xi32, #tpu.memory_space<vmem>>
          %dma_wait3A_112 = tpu.memref_squeeze %dma_wait3A_111 : memref<1x128xi32, #tpu.memory_space<vmem>> -> memref<128xi32, #tpu.memory_space<vmem>>
          %dma_wait3A_113 = arith.constant 0 : i32
          %dma_wait3A_114 = arith.constant 0 : i32
          %dma_wait3A_115 = tpu.memref_slice %arg7[%dma_wait3A_113, %dma_wait3A_114] : memref<10240x128xf32, #tpu.memory_space<vmem_shared>> -> memref<10240x128xf32, #tpu.memory_space<vmem_shared>>
          tpu.wait_indirect_dma semaphore(%run_scoped3A : memref<!tpu.dma_semaphore, #tpu.memory_space<semaphore_mem>>) src(%arg11 : memref<128x128xf32, #tpu.memory_space<vmem>>) dst(%dma_wait3A_115 : memref<10240x128xf32, #tpu.memory_space<vmem_shared>>)
          tpu.yield
        }) : () -> ()
      }
      %scan3A_41 = arith.constant 20 : i32
      %add3A_42 = arith.constant 80 : i32
      %add3A_43 = arith.addi %mul3A_14, %add3A_42 : i32
      "tpu.region"() ({
        %run_scoped3A = tpu.sem_alloc : memref<!tpu.dma_semaphore, #tpu.memory_space<semaphore_mem>>
        %dma_start3A_72 = arith.constant 0 : i32
        %dma_start3A_73 = arith.constant 0 : i32
        %dma_start3A_74 = tpu.memref_slice %arg8[%dma_start3A_72, %dma_start3A_73] : memref<40x128xi32, #tpu.memory_space<vmem>> -> memref<40x128xi32, #tpu.memory_space<vmem>>
        %dma_start3A_75 = arith.constant 0 : i32
        %dma_start3A_76 = tpu.memref_slice %arg3[%add3A_43, %dma_start3A_75] : memref<2560x128xi32, #tpu.memory_space<hbm>> -> memref<40x128xi32, #tpu.memory_space<hbm>>
        %dma_start3A_77 = arith.constant 0 : i32
        %dma_start3A_78 = arith.constant 0 : i32
        %dma_start3A_79 = tpu.memref_slice %arg8[%dma_start3A_77, %dma_start3A_78] : memref<40x128xi32, #tpu.memory_space<vmem>> -> memref<40x128xi32, #tpu.memory_space<vmem>>
        %dma_start3A_80 = arith.constant 0 : i32
        %dma_start3A_81 = tpu.memref_slice %arg3[%add3A_43, %dma_start3A_80] : memref<2560x128xi32, #tpu.memory_space<hbm>> -> memref<40x128xi32, #tpu.memory_space<hbm>>
        tpu.enqueue_dma source(%dma_start3A_81 : memref<40x128xi32, #tpu.memory_space<hbm>>) target(%dma_start3A_79 : memref<40x128xi32, #tpu.memory_space<vmem>>) target_semaphore(%run_scoped3A : memref<!tpu.dma_semaphore, #tpu.memory_space<semaphore_mem>>)
        %dma_wait3A = arith.constant 0 : i32
        %dma_wait3A_82 = arith.constant 0 : i32
        %dma_wait3A_83 = tpu.memref_slice %arg8[%dma_wait3A, %dma_wait3A_82] : memref<40x128xi32, #tpu.memory_space<vmem>> -> memref<40x128xi32, #tpu.memory_space<vmem>>
        %dma_wait3A_84 = arith.constant 0 : i32
        %dma_wait3A_85 = tpu.memref_slice %arg3[%add3A_43, %dma_wait3A_84] : memref<2560x128xi32, #tpu.memory_space<hbm>> -> memref<40x128xi32, #tpu.memory_space<hbm>>
        %dma_wait3A_86 = arith.constant 0 : i32
        %dma_wait3A_87 = arith.constant 0 : i32
        %dma_wait3A_88 = tpu.memref_slice %arg8[%dma_wait3A_86, %dma_wait3A_87] : memref<40x128xi32, #tpu.memory_space<vmem>> -> memref<40x128xi32, #tpu.memory_space<vmem>>
        %dma_wait3A_89 = arith.constant 0 : i32
        %dma_wait3A_90 = tpu.memref_slice %arg3[%add3A_43, %dma_wait3A_89] : memref<2560x128xi32, #tpu.memory_space<hbm>> -> memref<40x128xi32, #tpu.memory_space<hbm>>
        tpu.wait_dma2 semaphore(%run_scoped3A : memref<!tpu.dma_semaphore, #tpu.memory_space<semaphore_mem>>) src(%dma_wait3A_90 : memref<40x128xi32, #tpu.memory_space<hbm>>) dst(%dma_wait3A_88 : memref<40x128xi32, #tpu.memory_space<vmem>>)
        tpu.yield
      }) : () -> ()
      "tpu.region"() ({
        %run_scoped3A = tpu.sem_alloc : memref<!tpu.dma_semaphore, #tpu.memory_space<semaphore_mem>>
        %dma_start3A_72 = arith.constant 0 : i32
        %dma_start3A_73 = arith.constant 0 : i32
        %dma_start3A_74 = tpu.memref_slice %arg9[%dma_start3A_72, %dma_start3A_73] : memref<40x128xi32, #tpu.memory_space<vmem>> -> memref<40x128xi32, #tpu.memory_space<vmem>>
        %dma_start3A_75 = arith.constant 0 : i32
        %dma_start3A_76 = tpu.memref_slice %arg4[%add3A_43, %dma_start3A_75] : memref<2560x128xi32, #tpu.memory_space<hbm>> -> memref<40x128xi32, #tpu.memory_space<hbm>>
        %dma_start3A_77 = arith.constant 0 : i32
        %dma_start3A_78 = arith.constant 0 : i32
        %dma_start3A_79 = tpu.memref_slice %arg9[%dma_start3A_77, %dma_start3A_78] : memref<40x128xi32, #tpu.memory_space<vmem>> -> memref<40x128xi32, #tpu.memory_space<vmem>>
        %dma_start3A_80 = arith.constant 0 : i32
        %dma_start3A_81 = tpu.memref_slice %arg4[%add3A_43, %dma_start3A_80] : memref<2560x128xi32, #tpu.memory_space<hbm>> -> memref<40x128xi32, #tpu.memory_space<hbm>>
        tpu.enqueue_dma source(%dma_start3A_81 : memref<40x128xi32, #tpu.memory_space<hbm>>) target(%dma_start3A_79 : memref<40x128xi32, #tpu.memory_space<vmem>>) target_semaphore(%run_scoped3A : memref<!tpu.dma_semaphore, #tpu.memory_space<semaphore_mem>>)
        %dma_wait3A = arith.constant 0 : i32
        %dma_wait3A_82 = arith.constant 0 : i32
        %dma_wait3A_83 = tpu.memref_slice %arg9[%dma_wait3A, %dma_wait3A_82] : memref<40x128xi32, #tpu.memory_space<vmem>> -> memref<40x128xi32, #tpu.memory_space<vmem>>
        %dma_wait3A_84 = arith.constant 0 : i32
        %dma_wait3A_85 = tpu.memref_slice %arg4[%add3A_43, %dma_wait3A_84] : memref<2560x128xi32, #tpu.memory_space<hbm>> -> memref<40x128xi32, #tpu.memory_space<hbm>>
        %dma_wait3A_86 = arith.constant 0 : i32
        %dma_wait3A_87 = arith.constant 0 : i32
        %dma_wait3A_88 = tpu.memref_slice %arg9[%dma_wait3A_86, %dma_wait3A_87] : memref<40x128xi32, #tpu.memory_space<vmem>> -> memref<40x128xi32, #tpu.memory_space<vmem>>
        %dma_wait3A_89 = arith.constant 0 : i32
        %dma_wait3A_90 = tpu.memref_slice %arg4[%add3A_43, %dma_wait3A_89] : memref<2560x128xi32, #tpu.memory_space<hbm>> -> memref<40x128xi32, #tpu.memory_space<hbm>>
        tpu.wait_dma2 semaphore(%run_scoped3A : memref<!tpu.dma_semaphore, #tpu.memory_space<semaphore_mem>>) src(%dma_wait3A_90 : memref<40x128xi32, #tpu.memory_space<hbm>>) dst(%dma_wait3A_88 : memref<40x128xi32, #tpu.memory_space<vmem>>)
        tpu.yield
      }) : () -> ()
      %dma_start3A_44 = arith.constant 0 : i32
      %dma_start3A_45 = arith.constant 0 : i32
      %dma_start3A_46 = tpu.memref_slice %arg8[%dma_start3A_44, %dma_start3A_45] : memref<40x128xi32, #tpu.memory_space<vmem>> -> memref<1x128xi32, #tpu.memory_space<vmem>>
      %dma_start3A_47 = tpu.memref_squeeze %dma_start3A_46 : memref<1x128xi32, #tpu.memory_space<vmem>> -> memref<128xi32, #tpu.memory_space<vmem>>
      %dma_start3A_48 = arith.constant 0 : i32
      %dma_start3A_49 = arith.constant 0 : i32
      %dma_start3A_50 = tpu.memref_slice %arg2[%dma_start3A_48, %dma_start3A_49] : memref<10000x128xf32, #tpu.memory_space<hbm>> -> memref<10000x128xf32, #tpu.memory_space<hbm>>
      tpu.enqueue_indirect_dma source(%dma_start3A_50 : memref<10000x128xf32, #tpu.memory_space<hbm>>) target(%arg10 : memref<128x128xf32, #tpu.memory_space<vmem>>) offsets(%dma_start3A_47 : memref<128xi32, #tpu.memory_space<vmem>>) semaphore(%arg12 : memref<!tpu.dma_semaphore, #tpu.memory_space<semaphore_mem>>)
      %scan3A_51 = arith.constant 0 : i32
      %scan3A_52 = arith.constant 0 : i32
      %scan3A_53 = arith.constant 20 : i32
      %scan3A_54 = arith.addi %scan3A_52, %scan3A_53 : i32
      %scan3A_55 = arith.constant 1 : i32
      scf.for %scan3A_72 = %scan3A_52 to %scan3A_54 step %scan3A_55  : i32 {
        %mul3A_73 = arith.constant 2 : i32
        %mul3A_74 = arith.muli %mul3A_73, %scan3A_72 : i32
        %add3A_75 = arith.constant 1 : i32
        %add3A_76 = arith.addi %mul3A_74, %add3A_75 : i32
        %dma_start3A_77 = arith.constant 0 : i32
        %dma_start3A_78 = tpu.memref_slice %arg8[%add3A_76, %dma_start3A_77] : memref<40x128xi32, #tpu.memory_space<vmem>> -> memref<1x128xi32, #tpu.memory_space<vmem>>
        %dma_start3A_79 = tpu.memref_squeeze %dma_start3A_78 : memref<1x128xi32, #tpu.memory_space<vmem>> -> memref<128xi32, #tpu.memory_space<vmem>>
        %dma_start3A_80 = arith.constant 0 : i32
        %dma_start3A_81 = arith.constant 0 : i32
        %dma_start3A_82 = tpu.memref_slice %arg2[%dma_start3A_80, %dma_start3A_81] : memref<10000x128xf32, #tpu.memory_space<hbm>> -> memref<10000x128xf32, #tpu.memory_space<hbm>>
        tpu.enqueue_indirect_dma source(%dma_start3A_82 : memref<10000x128xf32, #tpu.memory_space<hbm>>) target(%arg11 : memref<128x128xf32, #tpu.memory_space<vmem>>) offsets(%dma_start3A_79 : memref<128xi32, #tpu.memory_space<vmem>>) semaphore(%arg13 : memref<!tpu.dma_semaphore, #tpu.memory_space<semaphore_mem>>)
        %dma_wait3A = arith.constant 0 : i32
        %dma_wait3A_83 = tpu.memref_slice %arg8[%mul3A_74, %dma_wait3A] : memref<40x128xi32, #tpu.memory_space<vmem>> -> memref<1x128xi32, #tpu.memory_space<vmem>>
        %dma_wait3A_84 = tpu.memref_squeeze %dma_wait3A_83 : memref<1x128xi32, #tpu.memory_space<vmem>> -> memref<128xi32, #tpu.memory_space<vmem>>
        %dma_wait3A_85 = arith.constant 0 : i32
        %dma_wait3A_86 = arith.constant 0 : i32
        %dma_wait3A_87 = tpu.memref_slice %arg2[%dma_wait3A_85, %dma_wait3A_86] : memref<10000x128xf32, #tpu.memory_space<hbm>> -> memref<10000x128xf32, #tpu.memory_space<hbm>>
        tpu.wait_indirect_dma semaphore(%arg12 : memref<!tpu.dma_semaphore, #tpu.memory_space<semaphore_mem>>) src(%dma_wait3A_87 : memref<10000x128xf32, #tpu.memory_space<hbm>>) dst(%arg10 : memref<128x128xf32, #tpu.memory_space<vmem>>)
        "tpu.region"() ({
          %run_scoped3A = tpu.sem_alloc : memref<!tpu.dma_semaphore, #tpu.memory_space<semaphore_mem>>
          %dma_start3A_104 = arith.constant 0 : i32
          %dma_start3A_105 = tpu.memref_slice %arg9[%mul3A_74, %dma_start3A_104] : memref<40x128xi32, #tpu.memory_space<vmem>> -> memref<1x128xi32, #tpu.memory_space<vmem>>
          %dma_start3A_106 = tpu.memref_squeeze %dma_start3A_105 : memref<1x128xi32, #tpu.memory_space<vmem>> -> memref<128xi32, #tpu.memory_space<vmem>>
          %dma_start3A_107 = arith.constant 0 : i32
          %dma_start3A_108 = arith.constant 0 : i32
          %dma_start3A_109 = tpu.memref_slice %arg7[%dma_start3A_107, %dma_start3A_108] : memref<10240x128xf32, #tpu.memory_space<vmem_shared>> -> memref<10240x128xf32, #tpu.memory_space<vmem_shared>>
          tpu.enqueue_indirect_dma source(%arg10 : memref<128x128xf32, #tpu.memory_space<vmem>>) target(%dma_start3A_109 : memref<10240x128xf32, #tpu.memory_space<vmem_shared>>) offsets(%dma_start3A_106 : memref<128xi32, #tpu.memory_space<vmem>>) semaphore(%run_scoped3A : memref<!tpu.dma_semaphore, #tpu.memory_space<semaphore_mem>>) {add = true}
          %dma_wait3A_110 = arith.constant 0 : i32
          %dma_wait3A_111 = tpu.memref_slice %arg9[%mul3A_74, %dma_wait3A_110] : memref<40x128xi32, #tpu.memory_space<vmem>> -> memref<1x128xi32, #tpu.memory_space<vmem>>
          %dma_wait3A_112 = tpu.memref_squeeze %dma_wait3A_111 : memref<1x128xi32, #tpu.memory_space<vmem>> -> memref<128xi32, #tpu.memory_space<vmem>>
          %dma_wait3A_113 = arith.constant 0 : i32
          %dma_wait3A_114 = arith.constant 0 : i32
          %dma_wait3A_115 = tpu.memref_slice %arg7[%dma_wait3A_113, %dma_wait3A_114] : memref<10240x128xf32, #tpu.memory_space<vmem_shared>> -> memref<10240x128xf32, #tpu.memory_space<vmem_shared>>
          tpu.wait_indirect_dma semaphore(%run_scoped3A : memref<!tpu.dma_semaphore, #tpu.memory_space<semaphore_mem>>) src(%arg10 : memref<128x128xf32, #tpu.memory_space<vmem>>) dst(%dma_wait3A_115 : memref<10240x128xf32, #tpu.memory_space<vmem_shared>>)
          tpu.yield
        }) : () -> ()
        %add3A_88 = arith.constant 2 : i32
        %add3A_89 = arith.addi %mul3A_74, %add3A_88 : i32
        %lt3A = arith.constant 40 : i32
        %lt3A_90 = arith.cmpi slt, %add3A_89, %lt3A : i32
        %convert_element_type3A_91 = arith.extui %lt3A_90 : i1 to i32
        %cond3A_92 = arith.constant 0 : i32
        %cond3A_93 = arith.cmpi ne, %convert_element_type3A_91, %cond3A_92 : i32
        scf.if %cond3A_93 {
          %add3A_104 = arith.constant 2 : i32
          %add3A_105 = arith.addi %mul3A_74, %add3A_104 : i32
          %dma_start3A_106 = arith.constant 0 : i32
          %dma_start3A_107 = tpu.memref_slice %arg8[%add3A_105, %dma_start3A_106] : memref<40x128xi32, #tpu.memory_space<vmem>> -> memref<1x128xi32, #tpu.memory_space<vmem>>
          %dma_start3A_108 = tpu.memref_squeeze %dma_start3A_107 : memref<1x128xi32, #tpu.memory_space<vmem>> -> memref<128xi32, #tpu.memory_space<vmem>>
          %dma_start3A_109 = arith.constant 0 : i32
          %dma_start3A_110 = arith.constant 0 : i32
          %dma_start3A_111 = tpu.memref_slice %arg2[%dma_start3A_109, %dma_start3A_110] : memref<10000x128xf32, #tpu.memory_space<hbm>> -> memref<10000x128xf32, #tpu.memory_space<hbm>>
          tpu.enqueue_indirect_dma source(%dma_start3A_111 : memref<10000x128xf32, #tpu.memory_space<hbm>>) target(%arg10 : memref<128x128xf32, #tpu.memory_space<vmem>>) offsets(%dma_start3A_108 : memref<128xi32, #tpu.memory_space<vmem>>) semaphore(%arg12 : memref<!tpu.dma_semaphore, #tpu.memory_space<semaphore_mem>>)
        } else {
        }
        %add3A_94 = arith.constant 1 : i32
        %add3A_95 = arith.addi %mul3A_74, %add3A_94 : i32
        %dma_wait3A_96 = arith.constant 0 : i32
        %dma_wait3A_97 = tpu.memref_slice %arg8[%add3A_95, %dma_wait3A_96] : memref<40x128xi32, #tpu.memory_space<vmem>> -> memref<1x128xi32, #tpu.memory_space<vmem>>
        %dma_wait3A_98 = tpu.memref_squeeze %dma_wait3A_97 : memref<1x128xi32, #tpu.memory_space<vmem>> -> memref<128xi32, #tpu.memory_space<vmem>>
        %dma_wait3A_99 = arith.constant 0 : i32
        %dma_wait3A_100 = arith.constant 0 : i32
        %dma_wait3A_101 = tpu.memref_slice %arg2[%dma_wait3A_99, %dma_wait3A_100] : memref<10000x128xf32, #tpu.memory_space<hbm>> -> memref<10000x128xf32, #tpu.memory_space<hbm>>
        tpu.wait_indirect_dma semaphore(%arg13 : memref<!tpu.dma_semaphore, #tpu.memory_space<semaphore_mem>>) src(%dma_wait3A_101 : memref<10000x128xf32, #tpu.memory_space<hbm>>) dst(%arg11 : memref<128x128xf32, #tpu.memory_space<vmem>>)
        %add3A_102 = arith.constant 1 : i32
        %add3A_103 = arith.addi %mul3A_74, %add3A_102 : i32
        "tpu.region"() ({
          %run_scoped3A = tpu.sem_alloc : memref<!tpu.dma_semaphore, #tpu.memory_space<semaphore_mem>>
          %dma_start3A_104 = arith.constant 0 : i32
          %dma_start3A_105 = tpu.memref_slice %arg9[%add3A_103, %dma_start3A_104] : memref<40x128xi32, #tpu.memory_space<vmem>> -> memref<1x128xi32, #tpu.memory_space<vmem>>
          %dma_start3A_106 = tpu.memref_squeeze %dma_start3A_105 : memref<1x128xi32, #tpu.memory_space<vmem>> -> memref<128xi32, #tpu.memory_space<vmem>>
          %dma_start3A_107 = arith.constant 0 : i32
          %dma_start3A_108 = arith.constant 0 : i32
          %dma_start3A_109 = tpu.memref_slice %arg7[%dma_start3A_107, %dma_start3A_108] : memref<10240x128xf32, #tpu.memory_space<vmem_shared>> -> memref<10240x128xf32, #tpu.memory_space<vmem_shared>>
          tpu.enqueue_indirect_dma source(%arg11 : memref<128x128xf32, #tpu.memory_space<vmem>>) target(%dma_start3A_109 : memref<10240x128xf32, #tpu.memory_space<vmem_shared>>) offsets(%dma_start3A_106 : memref<128xi32, #tpu.memory_space<vmem>>) semaphore(%run_scoped3A : memref<!tpu.dma_semaphore, #tpu.memory_space<semaphore_mem>>) {add = true}
          %dma_wait3A_110 = arith.constant 0 : i32
          %dma_wait3A_111 = tpu.memref_slice %arg9[%add3A_103, %dma_wait3A_110] : memref<40x128xi32, #tpu.memory_space<vmem>> -> memref<1x128xi32, #tpu.memory_space<vmem>>
          %dma_wait3A_112 = tpu.memref_squeeze %dma_wait3A_111 : memref<1x128xi32, #tpu.memory_space<vmem>> -> memref<128xi32, #tpu.memory_space<vmem>>
          %dma_wait3A_113 = arith.constant 0 : i32
          %dma_wait3A_114 = arith.constant 0 : i32
          %dma_wait3A_115 = tpu.memref_slice %arg7[%dma_wait3A_113, %dma_wait3A_114] : memref<10240x128xf32, #tpu.memory_space<vmem_shared>> -> memref<10240x128xf32, #tpu.memory_space<vmem_shared>>
          tpu.wait_indirect_dma semaphore(%run_scoped3A : memref<!tpu.dma_semaphore, #tpu.memory_space<semaphore_mem>>) src(%arg11 : memref<128x128xf32, #tpu.memory_space<vmem>>) dst(%dma_wait3A_115 : memref<10240x128xf32, #tpu.memory_space<vmem_shared>>)
          tpu.yield
        }) : () -> ()
      }
      %scan3A_56 = arith.constant 20 : i32
      %add3A_57 = arith.constant 120 : i32
      %add3A_58 = arith.addi %mul3A_14, %add3A_57 : i32
      "tpu.region"() ({
        %run_scoped3A = tpu.sem_alloc : memref<!tpu.dma_semaphore, #tpu.memory_space<semaphore_mem>>
        %dma_start3A_72 = arith.constant 0 : i32
        %dma_start3A_73 = arith.constant 0 : i32
        %dma_start3A_74 = tpu.memref_slice %arg8[%dma_start3A_72, %dma_start3A_73] : memref<40x128xi32, #tpu.memory_space<vmem>> -> memref<32x128xi32, #tpu.memory_space<vmem>>
        %dma_start3A_75 = arith.constant 0 : i32
        %dma_start3A_76 = tpu.memref_slice %arg3[%add3A_58, %dma_start3A_75] : memref<2560x128xi32, #tpu.memory_space<hbm>> -> memref<32x128xi32, #tpu.memory_space<hbm>>
        %dma_start3A_77 = arith.constant 0 : i32
        %dma_start3A_78 = arith.constant 0 : i32
        %dma_start3A_79 = tpu.memref_slice %arg8[%dma_start3A_77, %dma_start3A_78] : memref<40x128xi32, #tpu.memory_space<vmem>> -> memref<32x128xi32, #tpu.memory_space<vmem>>
        %dma_start3A_80 = arith.constant 0 : i32
        %dma_start3A_81 = tpu.memref_slice %arg3[%add3A_58, %dma_start3A_80] : memref<2560x128xi32, #tpu.memory_space<hbm>> -> memref<32x128xi32, #tpu.memory_space<hbm>>
        tpu.enqueue_dma source(%dma_start3A_81 : memref<32x128xi32, #tpu.memory_space<hbm>>) target(%dma_start3A_79 : memref<32x128xi32, #tpu.memory_space<vmem>>) target_semaphore(%run_scoped3A : memref<!tpu.dma_semaphore, #tpu.memory_space<semaphore_mem>>)
        %dma_wait3A = arith.constant 0 : i32
        %dma_wait3A_82 = arith.constant 0 : i32
        %dma_wait3A_83 = tpu.memref_slice %arg8[%dma_wait3A, %dma_wait3A_82] : memref<40x128xi32, #tpu.memory_space<vmem>> -> memref<32x128xi32, #tpu.memory_space<vmem>>
        %dma_wait3A_84 = arith.constant 0 : i32
        %dma_wait3A_85 = tpu.memref_slice %arg3[%add3A_58, %dma_wait3A_84] : memref<2560x128xi32, #tpu.memory_space<hbm>> -> memref<32x128xi32, #tpu.memory_space<hbm>>
        %dma_wait3A_86 = arith.constant 0 : i32
        %dma_wait3A_87 = arith.constant 0 : i32
        %dma_wait3A_88 = tpu.memref_slice %arg8[%dma_wait3A_86, %dma_wait3A_87] : memref<40x128xi32, #tpu.memory_space<vmem>> -> memref<32x128xi32, #tpu.memory_space<vmem>>
        %dma_wait3A_89 = arith.constant 0 : i32
        %dma_wait3A_90 = tpu.memref_slice %arg3[%add3A_58, %dma_wait3A_89] : memref<2560x128xi32, #tpu.memory_space<hbm>> -> memref<32x128xi32, #tpu.memory_space<hbm>>
        tpu.wait_dma2 semaphore(%run_scoped3A : memref<!tpu.dma_semaphore, #tpu.memory_space<semaphore_mem>>) src(%dma_wait3A_90 : memref<32x128xi32, #tpu.memory_space<hbm>>) dst(%dma_wait3A_88 : memref<32x128xi32, #tpu.memory_space<vmem>>)
        tpu.yield
      }) : () -> ()
      "tpu.region"() ({
        %run_scoped3A = tpu.sem_alloc : memref<!tpu.dma_semaphore, #tpu.memory_space<semaphore_mem>>
        %dma_start3A_72 = arith.constant 0 : i32
        %dma_start3A_73 = arith.constant 0 : i32
        %dma_start3A_74 = tpu.memref_slice %arg9[%dma_start3A_72, %dma_start3A_73] : memref<40x128xi32, #tpu.memory_space<vmem>> -> memref<32x128xi32, #tpu.memory_space<vmem>>
        %dma_start3A_75 = arith.constant 0 : i32
        %dma_start3A_76 = tpu.memref_slice %arg4[%add3A_58, %dma_start3A_75] : memref<2560x128xi32, #tpu.memory_space<hbm>> -> memref<32x128xi32, #tpu.memory_space<hbm>>
        %dma_start3A_77 = arith.constant 0 : i32
        %dma_start3A_78 = arith.constant 0 : i32
        %dma_start3A_79 = tpu.memref_slice %arg9[%dma_start3A_77, %dma_start3A_78] : memref<40x128xi32, #tpu.memory_space<vmem>> -> memref<32x128xi32, #tpu.memory_space<vmem>>
        %dma_start3A_80 = arith.constant 0 : i32
        %dma_start3A_81 = tpu.memref_slice %arg4[%add3A_58, %dma_start3A_80] : memref<2560x128xi32, #tpu.memory_space<hbm>> -> memref<32x128xi32, #tpu.memory_space<hbm>>
        tpu.enqueue_dma source(%dma_start3A_81 : memref<32x128xi32, #tpu.memory_space<hbm>>) target(%dma_start3A_79 : memref<32x128xi32, #tpu.memory_space<vmem>>) target_semaphore(%run_scoped3A : memref<!tpu.dma_semaphore, #tpu.memory_space<semaphore_mem>>)
        %dma_wait3A = arith.constant 0 : i32
        %dma_wait3A_82 = arith.constant 0 : i32
        %dma_wait3A_83 = tpu.memref_slice %arg9[%dma_wait3A, %dma_wait3A_82] : memref<40x128xi32, #tpu.memory_space<vmem>> -> memref<32x128xi32, #tpu.memory_space<vmem>>
        %dma_wait3A_84 = arith.constant 0 : i32
        %dma_wait3A_85 = tpu.memref_slice %arg4[%add3A_58, %dma_wait3A_84] : memref<2560x128xi32, #tpu.memory_space<hbm>> -> memref<32x128xi32, #tpu.memory_space<hbm>>
        %dma_wait3A_86 = arith.constant 0 : i32
        %dma_wait3A_87 = arith.constant 0 : i32
        %dma_wait3A_88 = tpu.memref_slice %arg9[%dma_wait3A_86, %dma_wait3A_87] : memref<40x128xi32, #tpu.memory_space<vmem>> -> memref<32x128xi32, #tpu.memory_space<vmem>>
        %dma_wait3A_89 = arith.constant 0 : i32
        %dma_wait3A_90 = tpu.memref_slice %arg4[%add3A_58, %dma_wait3A_89] : memref<2560x128xi32, #tpu.memory_space<hbm>> -> memref<32x128xi32, #tpu.memory_space<hbm>>
        tpu.wait_dma2 semaphore(%run_scoped3A : memref<!tpu.dma_semaphore, #tpu.memory_space<semaphore_mem>>) src(%dma_wait3A_90 : memref<32x128xi32, #tpu.memory_space<hbm>>) dst(%dma_wait3A_88 : memref<32x128xi32, #tpu.memory_space<vmem>>)
        tpu.yield
      }) : () -> ()
      %dma_start3A_59 = arith.constant 0 : i32
      %dma_start3A_60 = arith.constant 0 : i32
      %dma_start3A_61 = tpu.memref_slice %arg8[%dma_start3A_59, %dma_start3A_60] : memref<40x128xi32, #tpu.memory_space<vmem>> -> memref<1x128xi32, #tpu.memory_space<vmem>>
      %dma_start3A_62 = tpu.memref_squeeze %dma_start3A_61 : memref<1x128xi32, #tpu.memory_space<vmem>> -> memref<128xi32, #tpu.memory_space<vmem>>
      %dma_start3A_63 = arith.constant 0 : i32
      %dma_start3A_64 = arith.constant 0 : i32
      %dma_start3A_65 = tpu.memref_slice %arg2[%dma_start3A_63, %dma_start3A_64] : memref<10000x128xf32, #tpu.memory_space<hbm>> -> memref<10000x128xf32, #tpu.memory_space<hbm>>
      tpu.enqueue_indirect_dma source(%dma_start3A_65 : memref<10000x128xf32, #tpu.memory_space<hbm>>) target(%arg10 : memref<128x128xf32, #tpu.memory_space<vmem>>) offsets(%dma_start3A_62 : memref<128xi32, #tpu.memory_space<vmem>>) semaphore(%arg12 : memref<!tpu.dma_semaphore, #tpu.memory_space<semaphore_mem>>)
      %scan3A_66 = arith.constant 0 : i32
      %scan3A_67 = arith.constant 0 : i32
      %scan3A_68 = arith.constant 16 : i32
      %scan3A_69 = arith.addi %scan3A_67, %scan3A_68 : i32
      %scan3A_70 = arith.constant 1 : i32
      scf.for %scan3A_72 = %scan3A_67 to %scan3A_69 step %scan3A_70  : i32 {
        %mul3A_73 = arith.constant 2 : i32
        %mul3A_74 = arith.muli %mul3A_73, %scan3A_72 : i32
        %add3A_75 = arith.constant 1 : i32
        %add3A_76 = arith.addi %mul3A_74, %add3A_75 : i32
        %dma_start3A_77 = arith.constant 0 : i32
        %dma_start3A_78 = tpu.memref_slice %arg8[%add3A_76, %dma_start3A_77] : memref<40x128xi32, #tpu.memory_space<vmem>> -> memref<1x128xi32, #tpu.memory_space<vmem>>
        %dma_start3A_79 = tpu.memref_squeeze %dma_start3A_78 : memref<1x128xi32, #tpu.memory_space<vmem>> -> memref<128xi32, #tpu.memory_space<vmem>>
        %dma_start3A_80 = arith.constant 0 : i32
        %dma_start3A_81 = arith.constant 0 : i32
        %dma_start3A_82 = tpu.memref_slice %arg2[%dma_start3A_80, %dma_start3A_81] : memref<10000x128xf32, #tpu.memory_space<hbm>> -> memref<10000x128xf32, #tpu.memory_space<hbm>>
        tpu.enqueue_indirect_dma source(%dma_start3A_82 : memref<10000x128xf32, #tpu.memory_space<hbm>>) target(%arg11 : memref<128x128xf32, #tpu.memory_space<vmem>>) offsets(%dma_start3A_79 : memref<128xi32, #tpu.memory_space<vmem>>) semaphore(%arg13 : memref<!tpu.dma_semaphore, #tpu.memory_space<semaphore_mem>>)
        %dma_wait3A = arith.constant 0 : i32
        %dma_wait3A_83 = tpu.memref_slice %arg8[%mul3A_74, %dma_wait3A] : memref<40x128xi32, #tpu.memory_space<vmem>> -> memref<1x128xi32, #tpu.memory_space<vmem>>
        %dma_wait3A_84 = tpu.memref_squeeze %dma_wait3A_83 : memref<1x128xi32, #tpu.memory_space<vmem>> -> memref<128xi32, #tpu.memory_space<vmem>>
        %dma_wait3A_85 = arith.constant 0 : i32
        %dma_wait3A_86 = arith.constant 0 : i32
        %dma_wait3A_87 = tpu.memref_slice %arg2[%dma_wait3A_85, %dma_wait3A_86] : memref<10000x128xf32, #tpu.memory_space<hbm>> -> memref<10000x128xf32, #tpu.memory_space<hbm>>
        tpu.wait_indirect_dma semaphore(%arg12 : memref<!tpu.dma_semaphore, #tpu.memory_space<semaphore_mem>>) src(%dma_wait3A_87 : memref<10000x128xf32, #tpu.memory_space<hbm>>) dst(%arg10 : memref<128x128xf32, #tpu.memory_space<vmem>>)
        "tpu.region"() ({
          %run_scoped3A = tpu.sem_alloc : memref<!tpu.dma_semaphore, #tpu.memory_space<semaphore_mem>>
          %dma_start3A_104 = arith.constant 0 : i32
          %dma_start3A_105 = tpu.memref_slice %arg9[%mul3A_74, %dma_start3A_104] : memref<40x128xi32, #tpu.memory_space<vmem>> -> memref<1x128xi32, #tpu.memory_space<vmem>>
          %dma_start3A_106 = tpu.memref_squeeze %dma_start3A_105 : memref<1x128xi32, #tpu.memory_space<vmem>> -> memref<128xi32, #tpu.memory_space<vmem>>
          %dma_start3A_107 = arith.constant 0 : i32
          %dma_start3A_108 = arith.constant 0 : i32
          %dma_start3A_109 = tpu.memref_slice %arg7[%dma_start3A_107, %dma_start3A_108] : memref<10240x128xf32, #tpu.memory_space<vmem_shared>> -> memref<10240x128xf32, #tpu.memory_space<vmem_shared>>
          tpu.enqueue_indirect_dma source(%arg10 : memref<128x128xf32, #tpu.memory_space<vmem>>) target(%dma_start3A_109 : memref<10240x128xf32, #tpu.memory_space<vmem_shared>>) offsets(%dma_start3A_106 : memref<128xi32, #tpu.memory_space<vmem>>) semaphore(%run_scoped3A : memref<!tpu.dma_semaphore, #tpu.memory_space<semaphore_mem>>) {add = true}
          %dma_wait3A_110 = arith.constant 0 : i32
          %dma_wait3A_111 = tpu.memref_slice %arg9[%mul3A_74, %dma_wait3A_110] : memref<40x128xi32, #tpu.memory_space<vmem>> -> memref<1x128xi32, #tpu.memory_space<vmem>>
          %dma_wait3A_112 = tpu.memref_squeeze %dma_wait3A_111 : memref<1x128xi32, #tpu.memory_space<vmem>> -> memref<128xi32, #tpu.memory_space<vmem>>
          %dma_wait3A_113 = arith.constant 0 : i32
          %dma_wait3A_114 = arith.constant 0 : i32
          %dma_wait3A_115 = tpu.memref_slice %arg7[%dma_wait3A_113, %dma_wait3A_114] : memref<10240x128xf32, #tpu.memory_space<vmem_shared>> -> memref<10240x128xf32, #tpu.memory_space<vmem_shared>>
          tpu.wait_indirect_dma semaphore(%run_scoped3A : memref<!tpu.dma_semaphore, #tpu.memory_space<semaphore_mem>>) src(%arg10 : memref<128x128xf32, #tpu.memory_space<vmem>>) dst(%dma_wait3A_115 : memref<10240x128xf32, #tpu.memory_space<vmem_shared>>)
          tpu.yield
        }) : () -> ()
        %add3A_88 = arith.constant 2 : i32
        %add3A_89 = arith.addi %mul3A_74, %add3A_88 : i32
        %lt3A = arith.constant 32 : i32
        %lt3A_90 = arith.cmpi slt, %add3A_89, %lt3A : i32
        %convert_element_type3A_91 = arith.extui %lt3A_90 : i1 to i32
        %cond3A_92 = arith.constant 0 : i32
        %cond3A_93 = arith.cmpi ne, %convert_element_type3A_91, %cond3A_92 : i32
        scf.if %cond3A_93 {
          %add3A_104 = arith.constant 2 : i32
          %add3A_105 = arith.addi %mul3A_74, %add3A_104 : i32
          %dma_start3A_106 = arith.constant 0 : i32
          %dma_start3A_107 = tpu.memref_slice %arg8[%add3A_105, %dma_start3A_106] : memref<40x128xi32, #tpu.memory_space<vmem>> -> memref<1x128xi32, #tpu.memory_space<vmem>>
          %dma_start3A_108 = tpu.memref_squeeze %dma_start3A_107 : memref<1x128xi32, #tpu.memory_space<vmem>> -> memref<128xi32, #tpu.memory_space<vmem>>
          %dma_start3A_109 = arith.constant 0 : i32
          %dma_start3A_110 = arith.constant 0 : i32
          %dma_start3A_111 = tpu.memref_slice %arg2[%dma_start3A_109, %dma_start3A_110] : memref<10000x128xf32, #tpu.memory_space<hbm>> -> memref<10000x128xf32, #tpu.memory_space<hbm>>
          tpu.enqueue_indirect_dma source(%dma_start3A_111 : memref<10000x128xf32, #tpu.memory_space<hbm>>) target(%arg10 : memref<128x128xf32, #tpu.memory_space<vmem>>) offsets(%dma_start3A_108 : memref<128xi32, #tpu.memory_space<vmem>>) semaphore(%arg12 : memref<!tpu.dma_semaphore, #tpu.memory_space<semaphore_mem>>)
        } else {
        }
        %add3A_94 = arith.constant 1 : i32
        %add3A_95 = arith.addi %mul3A_74, %add3A_94 : i32
        %dma_wait3A_96 = arith.constant 0 : i32
        %dma_wait3A_97 = tpu.memref_slice %arg8[%add3A_95, %dma_wait3A_96] : memref<40x128xi32, #tpu.memory_space<vmem>> -> memref<1x128xi32, #tpu.memory_space<vmem>>
        %dma_wait3A_98 = tpu.memref_squeeze %dma_wait3A_97 : memref<1x128xi32, #tpu.memory_space<vmem>> -> memref<128xi32, #tpu.memory_space<vmem>>
        %dma_wait3A_99 = arith.constant 0 : i32
        %dma_wait3A_100 = arith.constant 0 : i32
        %dma_wait3A_101 = tpu.memref_slice %arg2[%dma_wait3A_99, %dma_wait3A_100] : memref<10000x128xf32, #tpu.memory_space<hbm>> -> memref<10000x128xf32, #tpu.memory_space<hbm>>
        tpu.wait_indirect_dma semaphore(%arg13 : memref<!tpu.dma_semaphore, #tpu.memory_space<semaphore_mem>>) src(%dma_wait3A_101 : memref<10000x128xf32, #tpu.memory_space<hbm>>) dst(%arg11 : memref<128x128xf32, #tpu.memory_space<vmem>>)
        %add3A_102 = arith.constant 1 : i32
        %add3A_103 = arith.addi %mul3A_74, %add3A_102 : i32
        "tpu.region"() ({
          %run_scoped3A = tpu.sem_alloc : memref<!tpu.dma_semaphore, #tpu.memory_space<semaphore_mem>>
          %dma_start3A_104 = arith.constant 0 : i32
          %dma_start3A_105 = tpu.memref_slice %arg9[%add3A_103, %dma_start3A_104] : memref<40x128xi32, #tpu.memory_space<vmem>> -> memref<1x128xi32, #tpu.memory_space<vmem>>
          %dma_start3A_106 = tpu.memref_squeeze %dma_start3A_105 : memref<1x128xi32, #tpu.memory_space<vmem>> -> memref<128xi32, #tpu.memory_space<vmem>>
          %dma_start3A_107 = arith.constant 0 : i32
          %dma_start3A_108 = arith.constant 0 : i32
          %dma_start3A_109 = tpu.memref_slice %arg7[%dma_start3A_107, %dma_start3A_108] : memref<10240x128xf32, #tpu.memory_space<vmem_shared>> -> memref<10240x128xf32, #tpu.memory_space<vmem_shared>>
          tpu.enqueue_indirect_dma source(%arg11 : memref<128x128xf32, #tpu.memory_space<vmem>>) target(%dma_start3A_109 : memref<10240x128xf32, #tpu.memory_space<vmem_shared>>) offsets(%dma_start3A_106 : memref<128xi32, #tpu.memory_space<vmem>>) semaphore(%run_scoped3A : memref<!tpu.dma_semaphore, #tpu.memory_space<semaphore_mem>>) {add = true}
          %dma_wait3A_110 = arith.constant 0 : i32
          %dma_wait3A_111 = tpu.memref_slice %arg9[%add3A_103, %dma_wait3A_110] : memref<40x128xi32, #tpu.memory_space<vmem>> -> memref<1x128xi32, #tpu.memory_space<vmem>>
          %dma_wait3A_112 = tpu.memref_squeeze %dma_wait3A_111 : memref<1x128xi32, #tpu.memory_space<vmem>> -> memref<128xi32, #tpu.memory_space<vmem>>
          %dma_wait3A_113 = arith.constant 0 : i32
          %dma_wait3A_114 = arith.constant 0 : i32
          %dma_wait3A_115 = tpu.memref_slice %arg7[%dma_wait3A_113, %dma_wait3A_114] : memref<10240x128xf32, #tpu.memory_space<vmem_shared>> -> memref<10240x128xf32, #tpu.memory_space<vmem_shared>>
          tpu.wait_indirect_dma semaphore(%run_scoped3A : memref<!tpu.dma_semaphore, #tpu.memory_space<semaphore_mem>>) src(%arg11 : memref<128x128xf32, #tpu.memory_space<vmem>>) dst(%dma_wait3A_115 : memref<10240x128xf32, #tpu.memory_space<vmem_shared>>)
          tpu.yield
        }) : () -> ()
      }
      %scan3A_71 = arith.constant 16 : i32
    } else {
    }
    %eq3A_3 = arith.constant 1 : i32
    %eq3A_4 = arith.cmpi eq, %arg0, %eq3A_3 : i32
    %convert_element_type3A_5 = arith.extui %eq3A_4 : i1 to i32
    %cond3A_6 = arith.constant 0 : i32
    %cond3A_7 = arith.cmpi ne, %convert_element_type3A_5, %cond3A_6 : i32
    scf.if %cond3A_7 {
      %mul3A_13 = arith.constant 8 : i32
      %mul3A_14 = arith.muli %arg1, %mul3A_13 : i32
      %add3A = arith.constant 2432 : i32
      %add3A_15 = arith.addi %add3A, %mul3A_14 : i32
      %add3A_16 = arith.constant 0 : i32
      %add3A_17 = arith.addi %add3A_15, %add3A_16 : i32
      "tpu.region"() ({
        %run_scoped3A = tpu.sem_alloc : memref<!tpu.dma_semaphore, #tpu.memory_space<semaphore_mem>>
        %dma_start3A_29 = arith.constant 0 : i32
        %dma_start3A_30 = arith.constant 0 : i32
        %dma_start3A_31 = tpu.memref_slice %arg8[%dma_start3A_29, %dma_start3A_30] : memref<40x128xi32, #tpu.memory_space<vmem>> -> memref<8x128xi32, #tpu.memory_space<vmem>>
        %dma_start3A_32 = arith.constant 0 : i32
        %dma_start3A_33 = tpu.memref_slice %arg3[%add3A_17, %dma_start3A_32] : memref<2560x128xi32, #tpu.memory_space<hbm>> -> memref<8x128xi32, #tpu.memory_space<hbm>>
        %dma_start3A_34 = arith.constant 0 : i32
        %dma_start3A_35 = arith.constant 0 : i32
        %dma_start3A_36 = tpu.memref_slice %arg8[%dma_start3A_34, %dma_start3A_35] : memref<40x128xi32, #tpu.memory_space<vmem>> -> memref<8x128xi32, #tpu.memory_space<vmem>>
        %dma_start3A_37 = arith.constant 0 : i32
        %dma_start3A_38 = tpu.memref_slice %arg3[%add3A_17, %dma_start3A_37] : memref<2560x128xi32, #tpu.memory_space<hbm>> -> memref<8x128xi32, #tpu.memory_space<hbm>>
        tpu.enqueue_dma source(%dma_start3A_38 : memref<8x128xi32, #tpu.memory_space<hbm>>) target(%dma_start3A_36 : memref<8x128xi32, #tpu.memory_space<vmem>>) target_semaphore(%run_scoped3A : memref<!tpu.dma_semaphore, #tpu.memory_space<semaphore_mem>>)
        %dma_wait3A = arith.constant 0 : i32
        %dma_wait3A_39 = arith.constant 0 : i32
        %dma_wait3A_40 = tpu.memref_slice %arg8[%dma_wait3A, %dma_wait3A_39] : memref<40x128xi32, #tpu.memory_space<vmem>> -> memref<8x128xi32, #tpu.memory_space<vmem>>
        %dma_wait3A_41 = arith.constant 0 : i32
        %dma_wait3A_42 = tpu.memref_slice %arg3[%add3A_17, %dma_wait3A_41] : memref<2560x128xi32, #tpu.memory_space<hbm>> -> memref<8x128xi32, #tpu.memory_space<hbm>>
        %dma_wait3A_43 = arith.constant 0 : i32
        %dma_wait3A_44 = arith.constant 0 : i32
        %dma_wait3A_45 = tpu.memref_slice %arg8[%dma_wait3A_43, %dma_wait3A_44] : memref<40x128xi32, #tpu.memory_space<vmem>> -> memref<8x128xi32, #tpu.memory_space<vmem>>
        %dma_wait3A_46 = arith.constant 0 : i32
        %dma_wait3A_47 = tpu.memref_slice %arg3[%add3A_17, %dma_wait3A_46] : memref<2560x128xi32, #tpu.memory_space<hbm>> -> memref<8x128xi32, #tpu.memory_space<hbm>>
        tpu.wait_dma2 semaphore(%run_scoped3A : memref<!tpu.dma_semaphore, #tpu.memory_space<semaphore_mem>>) src(%dma_wait3A_47 : memref<8x128xi32, #tpu.memory_space<hbm>>) dst(%dma_wait3A_45 : memref<8x128xi32, #tpu.memory_space<vmem>>)
        tpu.yield
      }) : () -> ()
      "tpu.region"() ({
        %run_scoped3A = tpu.sem_alloc : memref<!tpu.dma_semaphore, #tpu.memory_space<semaphore_mem>>
        %dma_start3A_29 = arith.constant 0 : i32
        %dma_start3A_30 = arith.constant 0 : i32
        %dma_start3A_31 = tpu.memref_slice %arg9[%dma_start3A_29, %dma_start3A_30] : memref<40x128xi32, #tpu.memory_space<vmem>> -> memref<8x128xi32, #tpu.memory_space<vmem>>
        %dma_start3A_32 = arith.constant 0 : i32
        %dma_start3A_33 = tpu.memref_slice %arg4[%add3A_17, %dma_start3A_32] : memref<2560x128xi32, #tpu.memory_space<hbm>> -> memref<8x128xi32, #tpu.memory_space<hbm>>
        %dma_start3A_34 = arith.constant 0 : i32
        %dma_start3A_35 = arith.constant 0 : i32
        %dma_start3A_36 = tpu.memref_slice %arg9[%dma_start3A_34, %dma_start3A_35] : memref<40x128xi32, #tpu.memory_space<vmem>> -> memref<8x128xi32, #tpu.memory_space<vmem>>
        %dma_start3A_37 = arith.constant 0 : i32
        %dma_start3A_38 = tpu.memref_slice %arg4[%add3A_17, %dma_start3A_37] : memref<2560x128xi32, #tpu.memory_space<hbm>> -> memref<8x128xi32, #tpu.memory_space<hbm>>
        tpu.enqueue_dma source(%dma_start3A_38 : memref<8x128xi32, #tpu.memory_space<hbm>>) target(%dma_start3A_36 : memref<8x128xi32, #tpu.memory_space<vmem>>) target_semaphore(%run_scoped3A : memref<!tpu.dma_semaphore, #tpu.memory_space<semaphore_mem>>)
        %dma_wait3A = arith.constant 0 : i32
        %dma_wait3A_39 = arith.constant 0 : i32
        %dma_wait3A_40 = tpu.memref_slice %arg9[%dma_wait3A, %dma_wait3A_39] : memref<40x128xi32, #tpu.memory_space<vmem>> -> memref<8x128xi32, #tpu.memory_space<vmem>>
        %dma_wait3A_41 = arith.constant 0 : i32
        %dma_wait3A_42 = tpu.memref_slice %arg4[%add3A_17, %dma_wait3A_41] : memref<2560x128xi32, #tpu.memory_space<hbm>> -> memref<8x128xi32, #tpu.memory_space<hbm>>
        %dma_wait3A_43 = arith.constant 0 : i32
        %dma_wait3A_44 = arith.constant 0 : i32
        %dma_wait3A_45 = tpu.memref_slice %arg9[%dma_wait3A_43, %dma_wait3A_44] : memref<40x128xi32, #tpu.memory_space<vmem>> -> memref<8x128xi32, #tpu.memory_space<vmem>>
        %dma_wait3A_46 = arith.constant 0 : i32
        %dma_wait3A_47 = tpu.memref_slice %arg4[%add3A_17, %dma_wait3A_46] : memref<2560x128xi32, #tpu.memory_space<hbm>> -> memref<8x128xi32, #tpu.memory_space<hbm>>
        tpu.wait_dma2 semaphore(%run_scoped3A : memref<!tpu.dma_semaphore, #tpu.memory_space<semaphore_mem>>) src(%dma_wait3A_47 : memref<8x128xi32, #tpu.memory_space<hbm>>) dst(%dma_wait3A_45 : memref<8x128xi32, #tpu.memory_space<vmem>>)
        tpu.yield
      }) : () -> ()
      %dma_start3A = arith.constant 0 : i32
      %dma_start3A_18 = arith.constant 0 : i32
      %dma_start3A_19 = tpu.memref_slice %arg8[%dma_start3A, %dma_start3A_18] : memref<40x128xi32, #tpu.memory_space<vmem>> -> memref<1x128xi32, #tpu.memory_space<vmem>>
      %dma_start3A_20 = tpu.memref_squeeze %dma_start3A_19 : memref<1x128xi32, #tpu.memory_space<vmem>> -> memref<128xi32, #tpu.memory_space<vmem>>
      %dma_start3A_21 = arith.constant 0 : i32
      %dma_start3A_22 = arith.constant 0 : i32
      %dma_start3A_23 = tpu.memref_slice %arg2[%dma_start3A_21, %dma_start3A_22] : memref<10000x128xf32, #tpu.memory_space<hbm>> -> memref<10000x128xf32, #tpu.memory_space<hbm>>
      tpu.enqueue_indirect_dma source(%dma_start3A_23 : memref<10000x128xf32, #tpu.memory_space<hbm>>) target(%arg10 : memref<128x128xf32, #tpu.memory_space<vmem>>) offsets(%dma_start3A_20 : memref<128xi32, #tpu.memory_space<vmem>>) semaphore(%arg12 : memref<!tpu.dma_semaphore, #tpu.memory_space<semaphore_mem>>)
      %scan3A = arith.constant 0 : i32
      %scan3A_24 = arith.constant 0 : i32
      %scan3A_25 = arith.constant 4 : i32
      %scan3A_26 = arith.addi %scan3A_24, %scan3A_25 : i32
      %scan3A_27 = arith.constant 1 : i32
      scf.for %scan3A_29 = %scan3A_24 to %scan3A_26 step %scan3A_27  : i32 {
        %mul3A_30 = arith.constant 2 : i32
        %mul3A_31 = arith.muli %mul3A_30, %scan3A_29 : i32
        %add3A_32 = arith.constant 1 : i32
        %add3A_33 = arith.addi %mul3A_31, %add3A_32 : i32
        %dma_start3A_34 = arith.constant 0 : i32
        %dma_start3A_35 = tpu.memref_slice %arg8[%add3A_33, %dma_start3A_34] : memref<40x128xi32, #tpu.memory_space<vmem>> -> memref<1x128xi32, #tpu.memory_space<vmem>>
        %dma_start3A_36 = tpu.memref_squeeze %dma_start3A_35 : memref<1x128xi32, #tpu.memory_space<vmem>> -> memref<128xi32, #tpu.memory_space<vmem>>
        %dma_start3A_37 = arith.constant 0 : i32
        %dma_start3A_38 = arith.constant 0 : i32
        %dma_start3A_39 = tpu.memref_slice %arg2[%dma_start3A_37, %dma_start3A_38] : memref<10000x128xf32, #tpu.memory_space<hbm>> -> memref<10000x128xf32, #tpu.memory_space<hbm>>
        tpu.enqueue_indirect_dma source(%dma_start3A_39 : memref<10000x128xf32, #tpu.memory_space<hbm>>) target(%arg11 : memref<128x128xf32, #tpu.memory_space<vmem>>) offsets(%dma_start3A_36 : memref<128xi32, #tpu.memory_space<vmem>>) semaphore(%arg13 : memref<!tpu.dma_semaphore, #tpu.memory_space<semaphore_mem>>)
        %dma_wait3A = arith.constant 0 : i32
        %dma_wait3A_40 = tpu.memref_slice %arg8[%mul3A_31, %dma_wait3A] : memref<40x128xi32, #tpu.memory_space<vmem>> -> memref<1x128xi32, #tpu.memory_space<vmem>>
        %dma_wait3A_41 = tpu.memref_squeeze %dma_wait3A_40 : memref<1x128xi32, #tpu.memory_space<vmem>> -> memref<128xi32, #tpu.memory_space<vmem>>
        %dma_wait3A_42 = arith.constant 0 : i32
        %dma_wait3A_43 = arith.constant 0 : i32
        %dma_wait3A_44 = tpu.memref_slice %arg2[%dma_wait3A_42, %dma_wait3A_43] : memref<10000x128xf32, #tpu.memory_space<hbm>> -> memref<10000x128xf32, #tpu.memory_space<hbm>>
        tpu.wait_indirect_dma semaphore(%arg12 : memref<!tpu.dma_semaphore, #tpu.memory_space<semaphore_mem>>) src(%dma_wait3A_44 : memref<10000x128xf32, #tpu.memory_space<hbm>>) dst(%arg10 : memref<128x128xf32, #tpu.memory_space<vmem>>)
        "tpu.region"() ({
          %run_scoped3A = tpu.sem_alloc : memref<!tpu.dma_semaphore, #tpu.memory_space<semaphore_mem>>
          %dma_start3A_61 = arith.constant 0 : i32
          %dma_start3A_62 = tpu.memref_slice %arg9[%mul3A_31, %dma_start3A_61] : memref<40x128xi32, #tpu.memory_space<vmem>> -> memref<1x128xi32, #tpu.memory_space<vmem>>
          %dma_start3A_63 = tpu.memref_squeeze %dma_start3A_62 : memref<1x128xi32, #tpu.memory_space<vmem>> -> memref<128xi32, #tpu.memory_space<vmem>>
          %dma_start3A_64 = arith.constant 0 : i32
          %dma_start3A_65 = arith.constant 0 : i32
          %dma_start3A_66 = tpu.memref_slice %arg7[%dma_start3A_64, %dma_start3A_65] : memref<10240x128xf32, #tpu.memory_space<vmem_shared>> -> memref<10240x128xf32, #tpu.memory_space<vmem_shared>>
          tpu.enqueue_indirect_dma source(%arg10 : memref<128x128xf32, #tpu.memory_space<vmem>>) target(%dma_start3A_66 : memref<10240x128xf32, #tpu.memory_space<vmem_shared>>) offsets(%dma_start3A_63 : memref<128xi32, #tpu.memory_space<vmem>>) semaphore(%run_scoped3A : memref<!tpu.dma_semaphore, #tpu.memory_space<semaphore_mem>>) {add = true}
          %dma_wait3A_67 = arith.constant 0 : i32
          %dma_wait3A_68 = tpu.memref_slice %arg9[%mul3A_31, %dma_wait3A_67] : memref<40x128xi32, #tpu.memory_space<vmem>> -> memref<1x128xi32, #tpu.memory_space<vmem>>
          %dma_wait3A_69 = tpu.memref_squeeze %dma_wait3A_68 : memref<1x128xi32, #tpu.memory_space<vmem>> -> memref<128xi32, #tpu.memory_space<vmem>>
          %dma_wait3A_70 = arith.constant 0 : i32
          %dma_wait3A_71 = arith.constant 0 : i32
          %dma_wait3A_72 = tpu.memref_slice %arg7[%dma_wait3A_70, %dma_wait3A_71] : memref<10240x128xf32, #tpu.memory_space<vmem_shared>> -> memref<10240x128xf32, #tpu.memory_space<vmem_shared>>
          tpu.wait_indirect_dma semaphore(%run_scoped3A : memref<!tpu.dma_semaphore, #tpu.memory_space<semaphore_mem>>) src(%arg10 : memref<128x128xf32, #tpu.memory_space<vmem>>) dst(%dma_wait3A_72 : memref<10240x128xf32, #tpu.memory_space<vmem_shared>>)
          tpu.yield
        }) : () -> ()
        %add3A_45 = arith.constant 2 : i32
        %add3A_46 = arith.addi %mul3A_31, %add3A_45 : i32
        %lt3A = arith.constant 8 : i32
        %lt3A_47 = arith.cmpi slt, %add3A_46, %lt3A : i32
        %convert_element_type3A_48 = arith.extui %lt3A_47 : i1 to i32
        %cond3A_49 = arith.constant 0 : i32
        %cond3A_50 = arith.cmpi ne, %convert_element_type3A_48, %cond3A_49 : i32
        scf.if %cond3A_50 {
          %add3A_61 = arith.constant 2 : i32
          %add3A_62 = arith.addi %mul3A_31, %add3A_61 : i32
          %dma_start3A_63 = arith.constant 0 : i32
          %dma_start3A_64 = tpu.memref_slice %arg8[%add3A_62, %dma_start3A_63] : memref<40x128xi32, #tpu.memory_space<vmem>> -> memref<1x128xi32, #tpu.memory_space<vmem>>
          %dma_start3A_65 = tpu.memref_squeeze %dma_start3A_64 : memref<1x128xi32, #tpu.memory_space<vmem>> -> memref<128xi32, #tpu.memory_space<vmem>>
          %dma_start3A_66 = arith.constant 0 : i32
          %dma_start3A_67 = arith.constant 0 : i32
          %dma_start3A_68 = tpu.memref_slice %arg2[%dma_start3A_66, %dma_start3A_67] : memref<10000x128xf32, #tpu.memory_space<hbm>> -> memref<10000x128xf32, #tpu.memory_space<hbm>>
          tpu.enqueue_indirect_dma source(%dma_start3A_68 : memref<10000x128xf32, #tpu.memory_space<hbm>>) target(%arg10 : memref<128x128xf32, #tpu.memory_space<vmem>>) offsets(%dma_start3A_65 : memref<128xi32, #tpu.memory_space<vmem>>) semaphore(%arg12 : memref<!tpu.dma_semaphore, #tpu.memory_space<semaphore_mem>>)
        } else {
        }
        %add3A_51 = arith.constant 1 : i32
        %add3A_52 = arith.addi %mul3A_31, %add3A_51 : i32
        %dma_wait3A_53 = arith.constant 0 : i32
        %dma_wait3A_54 = tpu.memref_slice %arg8[%add3A_52, %dma_wait3A_53] : memref<40x128xi32, #tpu.memory_space<vmem>> -> memref<1x128xi32, #tpu.memory_space<vmem>>
        %dma_wait3A_55 = tpu.memref_squeeze %dma_wait3A_54 : memref<1x128xi32, #tpu.memory_space<vmem>> -> memref<128xi32, #tpu.memory_space<vmem>>
        %dma_wait3A_56 = arith.constant 0 : i32
        %dma_wait3A_57 = arith.constant 0 : i32
        %dma_wait3A_58 = tpu.memref_slice %arg2[%dma_wait3A_56, %dma_wait3A_57] : memref<10000x128xf32, #tpu.memory_space<hbm>> -> memref<10000x128xf32, #tpu.memory_space<hbm>>
        tpu.wait_indirect_dma semaphore(%arg13 : memref<!tpu.dma_semaphore, #tpu.memory_space<semaphore_mem>>) src(%dma_wait3A_58 : memref<10000x128xf32, #tpu.memory_space<hbm>>) dst(%arg11 : memref<128x128xf32, #tpu.memory_space<vmem>>)
        %add3A_59 = arith.constant 1 : i32
        %add3A_60 = arith.addi %mul3A_31, %add3A_59 : i32
        "tpu.region"() ({
          %run_scoped3A = tpu.sem_alloc : memref<!tpu.dma_semaphore, #tpu.memory_space<semaphore_mem>>
          %dma_start3A_61 = arith.constant 0 : i32
          %dma_start3A_62 = tpu.memref_slice %arg9[%add3A_60, %dma_start3A_61] : memref<40x128xi32, #tpu.memory_space<vmem>> -> memref<1x128xi32, #tpu.memory_space<vmem>>
          %dma_start3A_63 = tpu.memref_squeeze %dma_start3A_62 : memref<1x128xi32, #tpu.memory_space<vmem>> -> memref<128xi32, #tpu.memory_space<vmem>>
          %dma_start3A_64 = arith.constant 0 : i32
          %dma_start3A_65 = arith.constant 0 : i32
          %dma_start3A_66 = tpu.memref_slice %arg7[%dma_start3A_64, %dma_start3A_65] : memref<10240x128xf32, #tpu.memory_space<vmem_shared>> -> memref<10240x128xf32, #tpu.memory_space<vmem_shared>>
          tpu.enqueue_indirect_dma source(%arg11 : memref<128x128xf32, #tpu.memory_space<vmem>>) target(%dma_start3A_66 : memref<10240x128xf32, #tpu.memory_space<vmem_shared>>) offsets(%dma_start3A_63 : memref<128xi32, #tpu.memory_space<vmem>>) semaphore(%run_scoped3A : memref<!tpu.dma_semaphore, #tpu.memory_space<semaphore_mem>>) {add = true}
          %dma_wait3A_67 = arith.constant 0 : i32
          %dma_wait3A_68 = tpu.memref_slice %arg9[%add3A_60, %dma_wait3A_67] : memref<40x128xi32, #tpu.memory_space<vmem>> -> memref<1x128xi32, #tpu.memory_space<vmem>>
          %dma_wait3A_69 = tpu.memref_squeeze %dma_wait3A_68 : memref<1x128xi32, #tpu.memory_space<vmem>> -> memref<128xi32, #tpu.memory_space<vmem>>
          %dma_wait3A_70 = arith.constant 0 : i32
          %dma_wait3A_71 = arith.constant 0 : i32
          %dma_wait3A_72 = tpu.memref_slice %arg7[%dma_wait3A_70, %dma_wait3A_71] : memref<10240x128xf32, #tpu.memory_space<vmem_shared>> -> memref<10240x128xf32, #tpu.memory_space<vmem_shared>>
          tpu.wait_indirect_dma semaphore(%run_scoped3A : memref<!tpu.dma_semaphore, #tpu.memory_space<semaphore_mem>>) src(%arg11 : memref<128x128xf32, #tpu.memory_space<vmem>>) dst(%dma_wait3A_72 : memref<10240x128xf32, #tpu.memory_space<vmem_shared>>)
          tpu.yield
        }) : () -> ()
      }
      %scan3A_28 = arith.constant 4 : i32
    } else {
    }
    %barrier3A_8 = arith.constant 0 : index
    tpu.barrier barrier_id(%barrier3A_8)
    %mul3A_9 = arith.constant 640 : i32
    %mul3A_10 = arith.muli %arg1, %mul3A_9 : i32
    %mul3A_11 = arith.constant 640 : i32
    %mul3A_12 = arith.muli %arg1, %mul3A_11 : i32
    "tpu.region"() ({
      %run_scoped3A = tpu.sem_alloc : memref<!tpu.dma_semaphore, #tpu.memory_space<semaphore_mem>>
      %dma_start3A = arith.constant 0 : i32
      %dma_start3A_13 = tpu.memref_slice %arg6[%arg0, %mul3A_12, %dma_start3A] : memref<2x10240x128xf32, #tpu.memory_space<hbm>> -> memref<1x640x128xf32, #tpu.memory_space<hbm>>
      %dma_start3A_14 = tpu.memref_squeeze %dma_start3A_13 : memref<1x640x128xf32, #tpu.memory_space<hbm>> -> memref<640x128xf32, #tpu.memory_space<hbm>>
      %dma_start3A_15 = arith.constant 0 : i32
      %dma_start3A_16 = tpu.memref_slice %arg7[%mul3A_10, %dma_start3A_15] : memref<10240x128xf32, #tpu.memory_space<vmem_shared>> -> memref<640x128xf32, #tpu.memory_space<vmem_shared>>
      tpu.enqueue_dma source(%dma_start3A_16 : memref<640x128xf32, #tpu.memory_space<vmem_shared>>) target(%dma_start3A_14 : memref<640x128xf32, #tpu.memory_space<hbm>>) target_semaphore(%run_scoped3A : memref<!tpu.dma_semaphore, #tpu.memory_space<semaphore_mem>>)
      %dma_wait3A = arith.constant 0 : i32
      %dma_wait3A_17 = tpu.memref_slice %arg6[%arg0, %mul3A_12, %dma_wait3A] : memref<2x10240x128xf32, #tpu.memory_space<hbm>> -> memref<1x640x128xf32, #tpu.memory_space<hbm>>
      %dma_wait3A_18 = tpu.memref_squeeze %dma_wait3A_17 : memref<1x640x128xf32, #tpu.memory_space<hbm>> -> memref<640x128xf32, #tpu.memory_space<hbm>>
      %dma_wait3A_19 = arith.constant 0 : i32
      %dma_wait3A_20 = tpu.memref_slice %arg7[%mul3A_10, %dma_wait3A_19] : memref<10240x128xf32, #tpu.memory_space<vmem_shared>> -> memref<640x128xf32, #tpu.memory_space<vmem_shared>>
      tpu.wait_dma2 semaphore(%run_scoped3A : memref<!tpu.dma_semaphore, #tpu.memory_space<semaphore_mem>>) src(%dma_wait3A_20 : memref<640x128xf32, #tpu.memory_space<vmem_shared>>) dst(%dma_wait3A_18 : memref<640x128xf32, #tpu.memory_space<hbm>>)
      tpu.yield
    }) : () -> ()
    return
  }
}

#map = affine_map<(d0, d1) -> (0, 0)>
#map1 = affine_map<(d0, d1) -> (0, 0, 0)>
module attributes {stable_mosaic.version = 14 : i64} {
  func.func @_deg_kernel(%arg0: i32, %arg1: i32, %arg2: memref<2560x128xi32, #tpu.memory_space<hbm>>, %arg3: memref<128x128xf32, #tpu.memory_space<hbm>>, %arg4: memref<640x128xf32, #tpu.memory_space<hbm>>, %arg5: memref<2x10240x128xf32, #tpu.memory_space<hbm>>, %arg6: memref<10240x128xf32, #tpu.memory_space<vmem_shared>>, %arg7: memref<80x128xi32, #tpu.memory_space<vmem>>, %arg8: memref<128x128xf32, #tpu.memory_space<vmem>>) attributes {dimension_semantics = [#tpu.dimension_semantics<core_parallel>, #tpu.dimension_semantics<subcore_parallel>], iteration_bounds = array<i64: 2, 16>, scalar_prefetch = 0 : i64, scratch_operands = 3 : i64, tpu.core_type = #tpu.core_type<sc_vector_subcore>, window_params = [{transform_indices = #map}, {transform_indices = #map}, {transform_indices = #map}, {transform_indices = #map1}]} {
    %mul3A = arith.constant 16 : i32
    %mul3A_0 = arith.muli %arg0, %mul3A : i32
    %add3A = arith.addi %mul3A_0, %arg1 : i32
    %mul3A_1 = arith.constant 640 : i32
    %mul3A_2 = arith.muli %arg1, %mul3A_1 : i32
    "tpu.region"() ({
      %run_scoped3A = tpu.sem_alloc : memref<!tpu.dma_semaphore, #tpu.memory_space<semaphore_mem>>
      %dma_start3A = arith.constant 0 : i32
      %dma_start3A_15 = tpu.memref_slice %arg6[%mul3A_2, %dma_start3A] : memref<10240x128xf32, #tpu.memory_space<vmem_shared>> -> memref<640x128xf32, #tpu.memory_space<vmem_shared>>
      tpu.enqueue_dma source(%arg4 : memref<640x128xf32, #tpu.memory_space<hbm>>) target(%dma_start3A_15 : memref<640x128xf32, #tpu.memory_space<vmem_shared>>) target_semaphore(%run_scoped3A : memref<!tpu.dma_semaphore, #tpu.memory_space<semaphore_mem>>)
      %dma_wait3A = arith.constant 0 : i32
      %dma_wait3A_16 = tpu.memref_slice %arg6[%mul3A_2, %dma_wait3A] : memref<10240x128xf32, #tpu.memory_space<vmem_shared>> -> memref<640x128xf32, #tpu.memory_space<vmem_shared>>
      tpu.wait_dma2 semaphore(%run_scoped3A : memref<!tpu.dma_semaphore, #tpu.memory_space<semaphore_mem>>) src(%arg4 : memref<640x128xf32, #tpu.memory_space<hbm>>) dst(%dma_wait3A_16 : memref<640x128xf32, #tpu.memory_space<vmem_shared>>)
      tpu.yield
    }) : () -> ()
    "tpu.region"() ({
      %run_scoped3A = tpu.sem_alloc : memref<!tpu.dma_semaphore, #tpu.memory_space<semaphore_mem>>
      tpu.enqueue_dma source(%arg3 : memref<128x128xf32, #tpu.memory_space<hbm>>) target(%arg8 : memref<128x128xf32, #tpu.memory_space<vmem>>) target_semaphore(%run_scoped3A : memref<!tpu.dma_semaphore, #tpu.memory_space<semaphore_mem>>)
      tpu.wait_dma2 semaphore(%run_scoped3A : memref<!tpu.dma_semaphore, #tpu.memory_space<semaphore_mem>>) src(%arg3 : memref<128x128xf32, #tpu.memory_space<hbm>>) dst(%arg8 : memref<128x128xf32, #tpu.memory_space<vmem>>)
      tpu.yield
    }) : () -> ()
    %mul3A_3 = arith.constant 80 : i32
    %mul3A_4 = arith.muli %add3A, %mul3A_3 : i32
    "tpu.region"() ({
      %run_scoped3A = tpu.sem_alloc : memref<!tpu.dma_semaphore, #tpu.memory_space<semaphore_mem>>
      %dma_start3A = arith.constant 0 : i32
      %dma_start3A_15 = tpu.memref_slice %arg2[%mul3A_4, %dma_start3A] : memref<2560x128xi32, #tpu.memory_space<hbm>> -> memref<80x128xi32, #tpu.memory_space<hbm>>
      %dma_start3A_16 = arith.constant 0 : i32
      %dma_start3A_17 = tpu.memref_slice %arg2[%mul3A_4, %dma_start3A_16] : memref<2560x128xi32, #tpu.memory_space<hbm>> -> memref<80x128xi32, #tpu.memory_space<hbm>>
      tpu.enqueue_dma source(%dma_start3A_17 : memref<80x128xi32, #tpu.memory_space<hbm>>) target(%arg7 : memref<80x128xi32, #tpu.memory_space<vmem>>) target_semaphore(%run_scoped3A : memref<!tpu.dma_semaphore, #tpu.memory_space<semaphore_mem>>)
      %dma_wait3A = arith.constant 0 : i32
      %dma_wait3A_18 = tpu.memref_slice %arg2[%mul3A_4, %dma_wait3A] : memref<2560x128xi32, #tpu.memory_space<hbm>> -> memref<80x128xi32, #tpu.memory_space<hbm>>
      %dma_wait3A_19 = arith.constant 0 : i32
      %dma_wait3A_20 = tpu.memref_slice %arg2[%mul3A_4, %dma_wait3A_19] : memref<2560x128xi32, #tpu.memory_space<hbm>> -> memref<80x128xi32, #tpu.memory_space<hbm>>
      tpu.wait_dma2 semaphore(%run_scoped3A : memref<!tpu.dma_semaphore, #tpu.memory_space<semaphore_mem>>) src(%dma_wait3A_20 : memref<80x128xi32, #tpu.memory_space<hbm>>) dst(%arg7 : memref<80x128xi32, #tpu.memory_space<vmem>>)
      tpu.yield
    }) : () -> ()
    %barrier3A = arith.constant 0 : index
    tpu.barrier barrier_id(%barrier3A)
    %scan3A = arith.constant 0 : i32
    %scan3A_5 = arith.constant 0 : i32
    %scan3A_6 = arith.constant 80 : i32
    %scan3A_7 = arith.addi %scan3A_5, %scan3A_6 : i32
    %scan3A_8 = arith.constant 1 : i32
    scf.for %scan3A_15 = %scan3A_5 to %scan3A_7 step %scan3A_8  : i32 {
      "tpu.region"() ({
        %run_scoped3A = tpu.sem_alloc : memref<!tpu.dma_semaphore, #tpu.memory_space<semaphore_mem>>
        %dma_start3A = arith.constant 0 : i32
        %dma_start3A_16 = tpu.memref_slice %arg7[%scan3A_15, %dma_start3A] : memref<80x128xi32, #tpu.memory_space<vmem>> -> memref<1x128xi32, #tpu.memory_space<vmem>>
        %dma_start3A_17 = tpu.memref_squeeze %dma_start3A_16 : memref<1x128xi32, #tpu.memory_space<vmem>> -> memref<128xi32, #tpu.memory_space<vmem>>
        %dma_start3A_18 = arith.constant 0 : i32
        %dma_start3A_19 = arith.constant 0 : i32
        %dma_start3A_20 = tpu.memref_slice %arg6[%dma_start3A_18, %dma_start3A_19] : memref<10240x128xf32, #tpu.memory_space<vmem_shared>> -> memref<10240x128xf32, #tpu.memory_space<vmem_shared>>
        tpu.enqueue_indirect_dma source(%arg8 : memref<128x128xf32, #tpu.memory_space<vmem>>) target(%dma_start3A_20 : memref<10240x128xf32, #tpu.memory_space<vmem_shared>>) offsets(%dma_start3A_17 : memref<128xi32, #tpu.memory_space<vmem>>) semaphore(%run_scoped3A : memref<!tpu.dma_semaphore, #tpu.memory_space<semaphore_mem>>) {add = true}
        %dma_wait3A = arith.constant 0 : i32
        %dma_wait3A_21 = tpu.memref_slice %arg7[%scan3A_15, %dma_wait3A] : memref<80x128xi32, #tpu.memory_space<vmem>> -> memref<1x128xi32, #tpu.memory_space<vmem>>
        %dma_wait3A_22 = tpu.memref_squeeze %dma_wait3A_21 : memref<1x128xi32, #tpu.memory_space<vmem>> -> memref<128xi32, #tpu.memory_space<vmem>>
        %dma_wait3A_23 = arith.constant 0 : i32
        %dma_wait3A_24 = arith.constant 0 : i32
        %dma_wait3A_25 = tpu.memref_slice %arg6[%dma_wait3A_23, %dma_wait3A_24] : memref<10240x128xf32, #tpu.memory_space<vmem_shared>> -> memref<10240x128xf32, #tpu.memory_space<vmem_shared>>
        tpu.wait_indirect_dma semaphore(%run_scoped3A : memref<!tpu.dma_semaphore, #tpu.memory_space<semaphore_mem>>) src(%arg8 : memref<128x128xf32, #tpu.memory_space<vmem>>) dst(%dma_wait3A_25 : memref<10240x128xf32, #tpu.memory_space<vmem_shared>>)
        tpu.yield
      }) : () -> ()
    }
    %scan3A_9 = arith.constant 80 : i32
    %barrier3A_10 = arith.constant 0 : index
    tpu.barrier barrier_id(%barrier3A_10)
    %mul3A_11 = arith.constant 640 : i32
    %mul3A_12 = arith.muli %arg1, %mul3A_11 : i32
    %mul3A_13 = arith.constant 640 : i32
    %mul3A_14 = arith.muli %arg1, %mul3A_13 : i32
    "tpu.region"() ({
      %run_scoped3A = tpu.sem_alloc : memref<!tpu.dma_semaphore, #tpu.memory_space<semaphore_mem>>
      %dma_start3A = arith.constant 0 : i32
      %dma_start3A_15 = tpu.memref_slice %arg5[%arg0, %mul3A_14, %dma_start3A] : memref<2x10240x128xf32, #tpu.memory_space<hbm>> -> memref<1x640x128xf32, #tpu.memory_space<hbm>>
      %dma_start3A_16 = tpu.memref_squeeze %dma_start3A_15 : memref<1x640x128xf32, #tpu.memory_space<hbm>> -> memref<640x128xf32, #tpu.memory_space<hbm>>
      %dma_start3A_17 = arith.constant 0 : i32
      %dma_start3A_18 = tpu.memref_slice %arg6[%mul3A_12, %dma_start3A_17] : memref<10240x128xf32, #tpu.memory_space<vmem_shared>> -> memref<640x128xf32, #tpu.memory_space<vmem_shared>>
      tpu.enqueue_dma source(%dma_start3A_18 : memref<640x128xf32, #tpu.memory_space<vmem_shared>>) target(%dma_start3A_16 : memref<640x128xf32, #tpu.memory_space<hbm>>) target_semaphore(%run_scoped3A : memref<!tpu.dma_semaphore, #tpu.memory_space<semaphore_mem>>)
      %dma_wait3A = arith.constant 0 : i32
      %dma_wait3A_19 = tpu.memref_slice %arg5[%arg0, %mul3A_14, %dma_wait3A] : memref<2x10240x128xf32, #tpu.memory_space<hbm>> -> memref<1x640x128xf32, #tpu.memory_space<hbm>>
      %dma_wait3A_20 = tpu.memref_squeeze %dma_wait3A_19 : memref<1x640x128xf32, #tpu.memory_space<hbm>> -> memref<640x128xf32, #tpu.memory_space<hbm>>
      %dma_wait3A_21 = arith.constant 0 : i32
      %dma_wait3A_22 = tpu.memref_slice %arg6[%mul3A_12, %dma_wait3A_21] : memref<10240x128xf32, #tpu.memory_space<vmem_shared>> -> memref<640x128xf32, #tpu.memory_space<vmem_shared>>
      tpu.wait_dma2 semaphore(%run_scoped3A : memref<!tpu.dma_semaphore, #tpu.memory_space<semaphore_mem>>) src(%dma_wait3A_22 : memref<640x128xf32, #tpu.memory_space<vmem_shared>>) dst(%dma_wait3A_20 : memref<640x128xf32, #tpu.memory_space<hbm>>)
      tpu.yield
    }) : () -> ()
    return
  }
}

#map = affine_map<(d0, d1) -> (0, 0)>
#map1 = affine_map<(d0, d1) -> (0, 0, 0)>
module attributes {stable_mosaic.version = 14 : i64} {
  func.func @_agg_kernel(%arg0: i32, %arg1: i32, %arg2: memref<10000x128xf32, #tpu.memory_space<hbm>>, %arg3: memref<2560x128xi32, #tpu.memory_space<hbm>>, %arg4: memref<2560x128xi32, #tpu.memory_space<hbm>>, %arg5: memref<640x128xf32, #tpu.memory_space<hbm>>, %arg6: memref<2x10240x128xf32, #tpu.memory_space<hbm>>, %arg7: memref<10240x128xf32, #tpu.memory_space<vmem_shared>>, %arg8: memref<40x128xi32, #tpu.memory_space<vmem>>, %arg9: memref<40x128xi32, #tpu.memory_space<vmem>>, %arg10: memref<128x128xf32, #tpu.memory_space<vmem>>, %arg11: memref<128x128xf32, #tpu.memory_space<vmem>>, %arg12: memref<!tpu.dma_semaphore, #tpu.memory_space<semaphore_mem>>, %arg13: memref<!tpu.dma_semaphore, #tpu.memory_space<semaphore_mem>>) attributes {dimension_semantics = [#tpu.dimension_semantics<core_parallel>, #tpu.dimension_semantics<subcore_parallel>], iteration_bounds = array<i64: 2, 16>, scalar_prefetch = 0 : i64, scratch_operands = 7 : i64, tpu.core_type = #tpu.core_type<sc_vector_subcore>, window_params = [{transform_indices = #map}, {transform_indices = #map}, {transform_indices = #map}, {transform_indices = #map}, {transform_indices = #map1}]} {
    %mul3A = arith.constant 640 : i32
    %mul3A_0 = arith.muli %arg1, %mul3A : i32
    "tpu.region"() ({
      %run_scoped3A = tpu.sem_alloc : memref<!tpu.dma_semaphore, #tpu.memory_space<semaphore_mem>>
      %dma_start3A = arith.constant 0 : i32
      %dma_start3A_13 = tpu.memref_slice %arg7[%mul3A_0, %dma_start3A] : memref<10240x128xf32, #tpu.memory_space<vmem_shared>> -> memref<640x128xf32, #tpu.memory_space<vmem_shared>>
      tpu.enqueue_dma source(%arg5 : memref<640x128xf32, #tpu.memory_space<hbm>>) target(%dma_start3A_13 : memref<640x128xf32, #tpu.memory_space<vmem_shared>>) target_semaphore(%run_scoped3A : memref<!tpu.dma_semaphore, #tpu.memory_space<semaphore_mem>>)
      %dma_wait3A = arith.constant 0 : i32
      %dma_wait3A_14 = tpu.memref_slice %arg7[%mul3A_0, %dma_wait3A] : memref<10240x128xf32, #tpu.memory_space<vmem_shared>> -> memref<640x128xf32, #tpu.memory_space<vmem_shared>>
      tpu.wait_dma2 semaphore(%run_scoped3A : memref<!tpu.dma_semaphore, #tpu.memory_space<semaphore_mem>>) src(%arg5 : memref<640x128xf32, #tpu.memory_space<hbm>>) dst(%dma_wait3A_14 : memref<640x128xf32, #tpu.memory_space<vmem_shared>>)
      tpu.yield
    }) : () -> ()
    %barrier3A = arith.constant 0 : index
    tpu.barrier barrier_id(%barrier3A)
    %eq3A = arith.constant 0 : i32
    %eq3A_1 = arith.cmpi eq, %arg0, %eq3A : i32
    %convert_element_type3A = arith.extui %eq3A_1 : i1 to i32
    %cond3A = arith.constant 0 : i32
    %cond3A_2 = arith.cmpi ne, %convert_element_type3A, %cond3A : i32
    scf.if %cond3A_2 {
      %mul3A_13 = arith.constant 152 : i32
      %mul3A_14 = arith.muli %arg1, %mul3A_13 : i32
      %add3A = arith.constant 0 : i32
      %add3A_15 = arith.addi %mul3A_14, %add3A : i32
      "tpu.region"() ({
        %run_scoped3A = tpu.sem_alloc : memref<!tpu.dma_semaphore, #tpu.memory_space<semaphore_mem>>
        %dma_start3A_72 = arith.constant 0 : i32
        %dma_start3A_73 = arith.constant 0 : i32
        %dma_start3A_74 = tpu.memref_slice %arg8[%dma_start3A_72, %dma_start3A_73] : memref<40x128xi32, #tpu.memory_space<vmem>> -> memref<40x128xi32, #tpu.memory_space<vmem>>
        %dma_start3A_75 = arith.constant 0 : i32
        %dma_start3A_76 = tpu.memref_slice %arg3[%add3A_15, %dma_start3A_75] : memref<2560x128xi32, #tpu.memory_space<hbm>> -> memref<40x128xi32, #tpu.memory_space<hbm>>
        %dma_start3A_77 = arith.constant 0 : i32
        %dma_start3A_78 = arith.constant 0 : i32
        %dma_start3A_79 = tpu.memref_slice %arg8[%dma_start3A_77, %dma_start3A_78] : memref<40x128xi32, #tpu.memory_space<vmem>> -> memref<40x128xi32, #tpu.memory_space<vmem>>
        %dma_start3A_80 = arith.constant 0 : i32
        %dma_start3A_81 = tpu.memref_slice %arg3[%add3A_15, %dma_start3A_80] : memref<2560x128xi32, #tpu.memory_space<hbm>> -> memref<40x128xi32, #tpu.memory_space<hbm>>
        tpu.enqueue_dma source(%dma_start3A_81 : memref<40x128xi32, #tpu.memory_space<hbm>>) target(%dma_start3A_79 : memref<40x128xi32, #tpu.memory_space<vmem>>) target_semaphore(%run_scoped3A : memref<!tpu.dma_semaphore, #tpu.memory_space<semaphore_mem>>)
        %dma_wait3A = arith.constant 0 : i32
        %dma_wait3A_82 = arith.constant 0 : i32
        %dma_wait3A_83 = tpu.memref_slice %arg8[%dma_wait3A, %dma_wait3A_82] : memref<40x128xi32, #tpu.memory_space<vmem>> -> memref<40x128xi32, #tpu.memory_space<vmem>>
        %dma_wait3A_84 = arith.constant 0 : i32
        %dma_wait3A_85 = tpu.memref_slice %arg3[%add3A_15, %dma_wait3A_84] : memref<2560x128xi32, #tpu.memory_space<hbm>> -> memref<40x128xi32, #tpu.memory_space<hbm>>
        %dma_wait3A_86 = arith.constant 0 : i32
        %dma_wait3A_87 = arith.constant 0 : i32
        %dma_wait3A_88 = tpu.memref_slice %arg8[%dma_wait3A_86, %dma_wait3A_87] : memref<40x128xi32, #tpu.memory_space<vmem>> -> memref<40x128xi32, #tpu.memory_space<vmem>>
        %dma_wait3A_89 = arith.constant 0 : i32
        %dma_wait3A_90 = tpu.memref_slice %arg3[%add3A_15, %dma_wait3A_89] : memref<2560x128xi32, #tpu.memory_space<hbm>> -> memref<40x128xi32, #tpu.memory_space<hbm>>
        tpu.wait_dma2 semaphore(%run_scoped3A : memref<!tpu.dma_semaphore, #tpu.memory_space<semaphore_mem>>) src(%dma_wait3A_90 : memref<40x128xi32, #tpu.memory_space<hbm>>) dst(%dma_wait3A_88 : memref<40x128xi32, #tpu.memory_space<vmem>>)
        tpu.yield
      }) : () -> ()
      "tpu.region"() ({
        %run_scoped3A = tpu.sem_alloc : memref<!tpu.dma_semaphore, #tpu.memory_space<semaphore_mem>>
        %dma_start3A_72 = arith.constant 0 : i32
        %dma_start3A_73 = arith.constant 0 : i32
        %dma_start3A_74 = tpu.memref_slice %arg9[%dma_start3A_72, %dma_start3A_73] : memref<40x128xi32, #tpu.memory_space<vmem>> -> memref<40x128xi32, #tpu.memory_space<vmem>>
        %dma_start3A_75 = arith.constant 0 : i32
        %dma_start3A_76 = tpu.memref_slice %arg4[%add3A_15, %dma_start3A_75] : memref<2560x128xi32, #tpu.memory_space<hbm>> -> memref<40x128xi32, #tpu.memory_space<hbm>>
        %dma_start3A_77 = arith.constant 0 : i32
        %dma_start3A_78 = arith.constant 0 : i32
        %dma_start3A_79 = tpu.memref_slice %arg9[%dma_start3A_77, %dma_start3A_78] : memref<40x128xi32, #tpu.memory_space<vmem>> -> memref<40x128xi32, #tpu.memory_space<vmem>>
        %dma_start3A_80 = arith.constant 0 : i32
        %dma_start3A_81 = tpu.memref_slice %arg4[%add3A_15, %dma_start3A_80] : memref<2560x128xi32, #tpu.memory_space<hbm>> -> memref<40x128xi32, #tpu.memory_space<hbm>>
        tpu.enqueue_dma source(%dma_start3A_81 : memref<40x128xi32, #tpu.memory_space<hbm>>) target(%dma_start3A_79 : memref<40x128xi32, #tpu.memory_space<vmem>>) target_semaphore(%run_scoped3A : memref<!tpu.dma_semaphore, #tpu.memory_space<semaphore_mem>>)
        %dma_wait3A = arith.constant 0 : i32
        %dma_wait3A_82 = arith.constant 0 : i32
        %dma_wait3A_83 = tpu.memref_slice %arg9[%dma_wait3A, %dma_wait3A_82] : memref<40x128xi32, #tpu.memory_space<vmem>> -> memref<40x128xi32, #tpu.memory_space<vmem>>
        %dma_wait3A_84 = arith.constant 0 : i32
        %dma_wait3A_85 = tpu.memref_slice %arg4[%add3A_15, %dma_wait3A_84] : memref<2560x128xi32, #tpu.memory_space<hbm>> -> memref<40x128xi32, #tpu.memory_space<hbm>>
        %dma_wait3A_86 = arith.constant 0 : i32
        %dma_wait3A_87 = arith.constant 0 : i32
        %dma_wait3A_88 = tpu.memref_slice %arg9[%dma_wait3A_86, %dma_wait3A_87] : memref<40x128xi32, #tpu.memory_space<vmem>> -> memref<40x128xi32, #tpu.memory_space<vmem>>
        %dma_wait3A_89 = arith.constant 0 : i32
        %dma_wait3A_90 = tpu.memref_slice %arg4[%add3A_15, %dma_wait3A_89] : memref<2560x128xi32, #tpu.memory_space<hbm>> -> memref<40x128xi32, #tpu.memory_space<hbm>>
        tpu.wait_dma2 semaphore(%run_scoped3A : memref<!tpu.dma_semaphore, #tpu.memory_space<semaphore_mem>>) src(%dma_wait3A_90 : memref<40x128xi32, #tpu.memory_space<hbm>>) dst(%dma_wait3A_88 : memref<40x128xi32, #tpu.memory_space<vmem>>)
        tpu.yield
      }) : () -> ()
      %dma_start3A = arith.constant 0 : i32
      %dma_start3A_16 = arith.constant 0 : i32
      %dma_start3A_17 = tpu.memref_slice %arg8[%dma_start3A, %dma_start3A_16] : memref<40x128xi32, #tpu.memory_space<vmem>> -> memref<1x128xi32, #tpu.memory_space<vmem>>
      %dma_start3A_18 = tpu.memref_squeeze %dma_start3A_17 : memref<1x128xi32, #tpu.memory_space<vmem>> -> memref<128xi32, #tpu.memory_space<vmem>>
      %dma_start3A_19 = arith.constant 0 : i32
      %dma_start3A_20 = arith.constant 0 : i32
      %dma_start3A_21 = tpu.memref_slice %arg2[%dma_start3A_19, %dma_start3A_20] : memref<10000x128xf32, #tpu.memory_space<hbm>> -> memref<10000x128xf32, #tpu.memory_space<hbm>>
      tpu.enqueue_indirect_dma source(%dma_start3A_21 : memref<10000x128xf32, #tpu.memory_space<hbm>>) target(%arg10 : memref<128x128xf32, #tpu.memory_space<vmem>>) offsets(%dma_start3A_18 : memref<128xi32, #tpu.memory_space<vmem>>) semaphore(%arg12 : memref<!tpu.dma_semaphore, #tpu.memory_space<semaphore_mem>>)
      %scan3A = arith.constant 0 : i32
      %scan3A_22 = arith.constant 0 : i32
      %scan3A_23 = arith.constant 20 : i32
      %scan3A_24 = arith.addi %scan3A_22, %scan3A_23 : i32
      %scan3A_25 = arith.constant 1 : i32
      scf.for %scan3A_72 = %scan3A_22 to %scan3A_24 step %scan3A_25  : i32 {
        %mul3A_73 = arith.constant 2 : i32
        %mul3A_74 = arith.muli %mul3A_73, %scan3A_72 : i32
        %add3A_75 = arith.constant 1 : i32
        %add3A_76 = arith.addi %mul3A_74, %add3A_75 : i32
        %dma_start3A_77 = arith.constant 0 : i32
        %dma_start3A_78 = tpu.memref_slice %arg8[%add3A_76, %dma_start3A_77] : memref<40x128xi32, #tpu.memory_space<vmem>> -> memref<1x128xi32, #tpu.memory_space<vmem>>
        %dma_start3A_79 = tpu.memref_squeeze %dma_start3A_78 : memref<1x128xi32, #tpu.memory_space<vmem>> -> memref<128xi32, #tpu.memory_space<vmem>>
        %dma_start3A_80 = arith.constant 0 : i32
        %dma_start3A_81 = arith.constant 0 : i32
        %dma_start3A_82 = tpu.memref_slice %arg2[%dma_start3A_80, %dma_start3A_81] : memref<10000x128xf32, #tpu.memory_space<hbm>> -> memref<10000x128xf32, #tpu.memory_space<hbm>>
        tpu.enqueue_indirect_dma source(%dma_start3A_82 : memref<10000x128xf32, #tpu.memory_space<hbm>>) target(%arg11 : memref<128x128xf32, #tpu.memory_space<vmem>>) offsets(%dma_start3A_79 : memref<128xi32, #tpu.memory_space<vmem>>) semaphore(%arg13 : memref<!tpu.dma_semaphore, #tpu.memory_space<semaphore_mem>>)
        %dma_wait3A = arith.constant 0 : i32
        %dma_wait3A_83 = tpu.memref_slice %arg8[%mul3A_74, %dma_wait3A] : memref<40x128xi32, #tpu.memory_space<vmem>> -> memref<1x128xi32, #tpu.memory_space<vmem>>
        %dma_wait3A_84 = tpu.memref_squeeze %dma_wait3A_83 : memref<1x128xi32, #tpu.memory_space<vmem>> -> memref<128xi32, #tpu.memory_space<vmem>>
        %dma_wait3A_85 = arith.constant 0 : i32
        %dma_wait3A_86 = arith.constant 0 : i32
        %dma_wait3A_87 = tpu.memref_slice %arg2[%dma_wait3A_85, %dma_wait3A_86] : memref<10000x128xf32, #tpu.memory_space<hbm>> -> memref<10000x128xf32, #tpu.memory_space<hbm>>
        tpu.wait_indirect_dma semaphore(%arg12 : memref<!tpu.dma_semaphore, #tpu.memory_space<semaphore_mem>>) src(%dma_wait3A_87 : memref<10000x128xf32, #tpu.memory_space<hbm>>) dst(%arg10 : memref<128x128xf32, #tpu.memory_space<vmem>>)
        "tpu.region"() ({
          %run_scoped3A = tpu.sem_alloc : memref<!tpu.dma_semaphore, #tpu.memory_space<semaphore_mem>>
          %dma_start3A_104 = arith.constant 0 : i32
          %dma_start3A_105 = tpu.memref_slice %arg9[%mul3A_74, %dma_start3A_104] : memref<40x128xi32, #tpu.memory_space<vmem>> -> memref<1x128xi32, #tpu.memory_space<vmem>>
          %dma_start3A_106 = tpu.memref_squeeze %dma_start3A_105 : memref<1x128xi32, #tpu.memory_space<vmem>> -> memref<128xi32, #tpu.memory_space<vmem>>
          %dma_start3A_107 = arith.constant 0 : i32
          %dma_start3A_108 = arith.constant 0 : i32
          %dma_start3A_109 = tpu.memref_slice %arg7[%dma_start3A_107, %dma_start3A_108] : memref<10240x128xf32, #tpu.memory_space<vmem_shared>> -> memref<10240x128xf32, #tpu.memory_space<vmem_shared>>
          tpu.enqueue_indirect_dma source(%arg10 : memref<128x128xf32, #tpu.memory_space<vmem>>) target(%dma_start3A_109 : memref<10240x128xf32, #tpu.memory_space<vmem_shared>>) offsets(%dma_start3A_106 : memref<128xi32, #tpu.memory_space<vmem>>) semaphore(%run_scoped3A : memref<!tpu.dma_semaphore, #tpu.memory_space<semaphore_mem>>) {add = true}
          %dma_wait3A_110 = arith.constant 0 : i32
          %dma_wait3A_111 = tpu.memref_slice %arg9[%mul3A_74, %dma_wait3A_110] : memref<40x128xi32, #tpu.memory_space<vmem>> -> memref<1x128xi32, #tpu.memory_space<vmem>>
          %dma_wait3A_112 = tpu.memref_squeeze %dma_wait3A_111 : memref<1x128xi32, #tpu.memory_space<vmem>> -> memref<128xi32, #tpu.memory_space<vmem>>
          %dma_wait3A_113 = arith.constant 0 : i32
          %dma_wait3A_114 = arith.constant 0 : i32
          %dma_wait3A_115 = tpu.memref_slice %arg7[%dma_wait3A_113, %dma_wait3A_114] : memref<10240x128xf32, #tpu.memory_space<vmem_shared>> -> memref<10240x128xf32, #tpu.memory_space<vmem_shared>>
          tpu.wait_indirect_dma semaphore(%run_scoped3A : memref<!tpu.dma_semaphore, #tpu.memory_space<semaphore_mem>>) src(%arg10 : memref<128x128xf32, #tpu.memory_space<vmem>>) dst(%dma_wait3A_115 : memref<10240x128xf32, #tpu.memory_space<vmem_shared>>)
          tpu.yield
        }) : () -> ()
        %add3A_88 = arith.constant 2 : i32
        %add3A_89 = arith.addi %mul3A_74, %add3A_88 : i32
        %lt3A = arith.constant 40 : i32
        %lt3A_90 = arith.cmpi slt, %add3A_89, %lt3A : i32
        %convert_element_type3A_91 = arith.extui %lt3A_90 : i1 to i32
        %cond3A_92 = arith.constant 0 : i32
        %cond3A_93 = arith.cmpi ne, %convert_element_type3A_91, %cond3A_92 : i32
        scf.if %cond3A_93 {
          %add3A_104 = arith.constant 2 : i32
          %add3A_105 = arith.addi %mul3A_74, %add3A_104 : i32
          %dma_start3A_106 = arith.constant 0 : i32
          %dma_start3A_107 = tpu.memref_slice %arg8[%add3A_105, %dma_start3A_106] : memref<40x128xi32, #tpu.memory_space<vmem>> -> memref<1x128xi32, #tpu.memory_space<vmem>>
          %dma_start3A_108 = tpu.memref_squeeze %dma_start3A_107 : memref<1x128xi32, #tpu.memory_space<vmem>> -> memref<128xi32, #tpu.memory_space<vmem>>
          %dma_start3A_109 = arith.constant 0 : i32
          %dma_start3A_110 = arith.constant 0 : i32
          %dma_start3A_111 = tpu.memref_slice %arg2[%dma_start3A_109, %dma_start3A_110] : memref<10000x128xf32, #tpu.memory_space<hbm>> -> memref<10000x128xf32, #tpu.memory_space<hbm>>
          tpu.enqueue_indirect_dma source(%dma_start3A_111 : memref<10000x128xf32, #tpu.memory_space<hbm>>) target(%arg10 : memref<128x128xf32, #tpu.memory_space<vmem>>) offsets(%dma_start3A_108 : memref<128xi32, #tpu.memory_space<vmem>>) semaphore(%arg12 : memref<!tpu.dma_semaphore, #tpu.memory_space<semaphore_mem>>)
        } else {
        }
        %add3A_94 = arith.constant 1 : i32
        %add3A_95 = arith.addi %mul3A_74, %add3A_94 : i32
        %dma_wait3A_96 = arith.constant 0 : i32
        %dma_wait3A_97 = tpu.memref_slice %arg8[%add3A_95, %dma_wait3A_96] : memref<40x128xi32, #tpu.memory_space<vmem>> -> memref<1x128xi32, #tpu.memory_space<vmem>>
        %dma_wait3A_98 = tpu.memref_squeeze %dma_wait3A_97 : memref<1x128xi32, #tpu.memory_space<vmem>> -> memref<128xi32, #tpu.memory_space<vmem>>
        %dma_wait3A_99 = arith.constant 0 : i32
        %dma_wait3A_100 = arith.constant 0 : i32
        %dma_wait3A_101 = tpu.memref_slice %arg2[%dma_wait3A_99, %dma_wait3A_100] : memref<10000x128xf32, #tpu.memory_space<hbm>> -> memref<10000x128xf32, #tpu.memory_space<hbm>>
        tpu.wait_indirect_dma semaphore(%arg13 : memref<!tpu.dma_semaphore, #tpu.memory_space<semaphore_mem>>) src(%dma_wait3A_101 : memref<10000x128xf32, #tpu.memory_space<hbm>>) dst(%arg11 : memref<128x128xf32, #tpu.memory_space<vmem>>)
        %add3A_102 = arith.constant 1 : i32
        %add3A_103 = arith.addi %mul3A_74, %add3A_102 : i32
        "tpu.region"() ({
          %run_scoped3A = tpu.sem_alloc : memref<!tpu.dma_semaphore, #tpu.memory_space<semaphore_mem>>
          %dma_start3A_104 = arith.constant 0 : i32
          %dma_start3A_105 = tpu.memref_slice %arg9[%add3A_103, %dma_start3A_104] : memref<40x128xi32, #tpu.memory_space<vmem>> -> memref<1x128xi32, #tpu.memory_space<vmem>>
          %dma_start3A_106 = tpu.memref_squeeze %dma_start3A_105 : memref<1x128xi32, #tpu.memory_space<vmem>> -> memref<128xi32, #tpu.memory_space<vmem>>
          %dma_start3A_107 = arith.constant 0 : i32
          %dma_start3A_108 = arith.constant 0 : i32
          %dma_start3A_109 = tpu.memref_slice %arg7[%dma_start3A_107, %dma_start3A_108] : memref<10240x128xf32, #tpu.memory_space<vmem_shared>> -> memref<10240x128xf32, #tpu.memory_space<vmem_shared>>
          tpu.enqueue_indirect_dma source(%arg11 : memref<128x128xf32, #tpu.memory_space<vmem>>) target(%dma_start3A_109 : memref<10240x128xf32, #tpu.memory_space<vmem_shared>>) offsets(%dma_start3A_106 : memref<128xi32, #tpu.memory_space<vmem>>) semaphore(%run_scoped3A : memref<!tpu.dma_semaphore, #tpu.memory_space<semaphore_mem>>) {add = true}
          %dma_wait3A_110 = arith.constant 0 : i32
          %dma_wait3A_111 = tpu.memref_slice %arg9[%add3A_103, %dma_wait3A_110] : memref<40x128xi32, #tpu.memory_space<vmem>> -> memref<1x128xi32, #tpu.memory_space<vmem>>
          %dma_wait3A_112 = tpu.memref_squeeze %dma_wait3A_111 : memref<1x128xi32, #tpu.memory_space<vmem>> -> memref<128xi32, #tpu.memory_space<vmem>>
          %dma_wait3A_113 = arith.constant 0 : i32
          %dma_wait3A_114 = arith.constant 0 : i32
          %dma_wait3A_115 = tpu.memref_slice %arg7[%dma_wait3A_113, %dma_wait3A_114] : memref<10240x128xf32, #tpu.memory_space<vmem_shared>> -> memref<10240x128xf32, #tpu.memory_space<vmem_shared>>
          tpu.wait_indirect_dma semaphore(%run_scoped3A : memref<!tpu.dma_semaphore, #tpu.memory_space<semaphore_mem>>) src(%arg11 : memref<128x128xf32, #tpu.memory_space<vmem>>) dst(%dma_wait3A_115 : memref<10240x128xf32, #tpu.memory_space<vmem_shared>>)
          tpu.yield
        }) : () -> ()
      }
      %scan3A_26 = arith.constant 20 : i32
      %add3A_27 = arith.constant 40 : i32
      %add3A_28 = arith.addi %mul3A_14, %add3A_27 : i32
      "tpu.region"() ({
        %run_scoped3A = tpu.sem_alloc : memref<!tpu.dma_semaphore, #tpu.memory_space<semaphore_mem>>
        %dma_start3A_72 = arith.constant 0 : i32
        %dma_start3A_73 = arith.constant 0 : i32
        %dma_start3A_74 = tpu.memref_slice %arg8[%dma_start3A_72, %dma_start3A_73] : memref<40x128xi32, #tpu.memory_space<vmem>> -> memref<40x128xi32, #tpu.memory_space<vmem>>
        %dma_start3A_75 = arith.constant 0 : i32
        %dma_start3A_76 = tpu.memref_slice %arg3[%add3A_28, %dma_start3A_75] : memref<2560x128xi32, #tpu.memory_space<hbm>> -> memref<40x128xi32, #tpu.memory_space<hbm>>
        %dma_start3A_77 = arith.constant 0 : i32
        %dma_start3A_78 = arith.constant 0 : i32
        %dma_start3A_79 = tpu.memref_slice %arg8[%dma_start3A_77, %dma_start3A_78] : memref<40x128xi32, #tpu.memory_space<vmem>> -> memref<40x128xi32, #tpu.memory_space<vmem>>
        %dma_start3A_80 = arith.constant 0 : i32
        %dma_start3A_81 = tpu.memref_slice %arg3[%add3A_28, %dma_start3A_80] : memref<2560x128xi32, #tpu.memory_space<hbm>> -> memref<40x128xi32, #tpu.memory_space<hbm>>
        tpu.enqueue_dma source(%dma_start3A_81 : memref<40x128xi32, #tpu.memory_space<hbm>>) target(%dma_start3A_79 : memref<40x128xi32, #tpu.memory_space<vmem>>) target_semaphore(%run_scoped3A : memref<!tpu.dma_semaphore, #tpu.memory_space<semaphore_mem>>)
        %dma_wait3A = arith.constant 0 : i32
        %dma_wait3A_82 = arith.constant 0 : i32
        %dma_wait3A_83 = tpu.memref_slice %arg8[%dma_wait3A, %dma_wait3A_82] : memref<40x128xi32, #tpu.memory_space<vmem>> -> memref<40x128xi32, #tpu.memory_space<vmem>>
        %dma_wait3A_84 = arith.constant 0 : i32
        %dma_wait3A_85 = tpu.memref_slice %arg3[%add3A_28, %dma_wait3A_84] : memref<2560x128xi32, #tpu.memory_space<hbm>> -> memref<40x128xi32, #tpu.memory_space<hbm>>
        %dma_wait3A_86 = arith.constant 0 : i32
        %dma_wait3A_87 = arith.constant 0 : i32
        %dma_wait3A_88 = tpu.memref_slice %arg8[%dma_wait3A_86, %dma_wait3A_87] : memref<40x128xi32, #tpu.memory_space<vmem>> -> memref<40x128xi32, #tpu.memory_space<vmem>>
        %dma_wait3A_89 = arith.constant 0 : i32
        %dma_wait3A_90 = tpu.memref_slice %arg3[%add3A_28, %dma_wait3A_89] : memref<2560x128xi32, #tpu.memory_space<hbm>> -> memref<40x128xi32, #tpu.memory_space<hbm>>
        tpu.wait_dma2 semaphore(%run_scoped3A : memref<!tpu.dma_semaphore, #tpu.memory_space<semaphore_mem>>) src(%dma_wait3A_90 : memref<40x128xi32, #tpu.memory_space<hbm>>) dst(%dma_wait3A_88 : memref<40x128xi32, #tpu.memory_space<vmem>>)
        tpu.yield
      }) : () -> ()
      "tpu.region"() ({
        %run_scoped3A = tpu.sem_alloc : memref<!tpu.dma_semaphore, #tpu.memory_space<semaphore_mem>>
        %dma_start3A_72 = arith.constant 0 : i32
        %dma_start3A_73 = arith.constant 0 : i32
        %dma_start3A_74 = tpu.memref_slice %arg9[%dma_start3A_72, %dma_start3A_73] : memref<40x128xi32, #tpu.memory_space<vmem>> -> memref<40x128xi32, #tpu.memory_space<vmem>>
        %dma_start3A_75 = arith.constant 0 : i32
        %dma_start3A_76 = tpu.memref_slice %arg4[%add3A_28, %dma_start3A_75] : memref<2560x128xi32, #tpu.memory_space<hbm>> -> memref<40x128xi32, #tpu.memory_space<hbm>>
        %dma_start3A_77 = arith.constant 0 : i32
        %dma_start3A_78 = arith.constant 0 : i32
        %dma_start3A_79 = tpu.memref_slice %arg9[%dma_start3A_77, %dma_start3A_78] : memref<40x128xi32, #tpu.memory_space<vmem>> -> memref<40x128xi32, #tpu.memory_space<vmem>>
        %dma_start3A_80 = arith.constant 0 : i32
        %dma_start3A_81 = tpu.memref_slice %arg4[%add3A_28, %dma_start3A_80] : memref<2560x128xi32, #tpu.memory_space<hbm>> -> memref<40x128xi32, #tpu.memory_space<hbm>>
        tpu.enqueue_dma source(%dma_start3A_81 : memref<40x128xi32, #tpu.memory_space<hbm>>) target(%dma_start3A_79 : memref<40x128xi32, #tpu.memory_space<vmem>>) target_semaphore(%run_scoped3A : memref<!tpu.dma_semaphore, #tpu.memory_space<semaphore_mem>>)
        %dma_wait3A = arith.constant 0 : i32
        %dma_wait3A_82 = arith.constant 0 : i32
        %dma_wait3A_83 = tpu.memref_slice %arg9[%dma_wait3A, %dma_wait3A_82] : memref<40x128xi32, #tpu.memory_space<vmem>> -> memref<40x128xi32, #tpu.memory_space<vmem>>
        %dma_wait3A_84 = arith.constant 0 : i32
        %dma_wait3A_85 = tpu.memref_slice %arg4[%add3A_28, %dma_wait3A_84] : memref<2560x128xi32, #tpu.memory_space<hbm>> -> memref<40x128xi32, #tpu.memory_space<hbm>>
        %dma_wait3A_86 = arith.constant 0 : i32
        %dma_wait3A_87 = arith.constant 0 : i32
        %dma_wait3A_88 = tpu.memref_slice %arg9[%dma_wait3A_86, %dma_wait3A_87] : memref<40x128xi32, #tpu.memory_space<vmem>> -> memref<40x128xi32, #tpu.memory_space<vmem>>
        %dma_wait3A_89 = arith.constant 0 : i32
        %dma_wait3A_90 = tpu.memref_slice %arg4[%add3A_28, %dma_wait3A_89] : memref<2560x128xi32, #tpu.memory_space<hbm>> -> memref<40x128xi32, #tpu.memory_space<hbm>>
        tpu.wait_dma2 semaphore(%run_scoped3A : memref<!tpu.dma_semaphore, #tpu.memory_space<semaphore_mem>>) src(%dma_wait3A_90 : memref<40x128xi32, #tpu.memory_space<hbm>>) dst(%dma_wait3A_88 : memref<40x128xi32, #tpu.memory_space<vmem>>)
        tpu.yield
      }) : () -> ()
      %dma_start3A_29 = arith.constant 0 : i32
      %dma_start3A_30 = arith.constant 0 : i32
      %dma_start3A_31 = tpu.memref_slice %arg8[%dma_start3A_29, %dma_start3A_30] : memref<40x128xi32, #tpu.memory_space<vmem>> -> memref<1x128xi32, #tpu.memory_space<vmem>>
      %dma_start3A_32 = tpu.memref_squeeze %dma_start3A_31 : memref<1x128xi32, #tpu.memory_space<vmem>> -> memref<128xi32, #tpu.memory_space<vmem>>
      %dma_start3A_33 = arith.constant 0 : i32
      %dma_start3A_34 = arith.constant 0 : i32
      %dma_start3A_35 = tpu.memref_slice %arg2[%dma_start3A_33, %dma_start3A_34] : memref<10000x128xf32, #tpu.memory_space<hbm>> -> memref<10000x128xf32, #tpu.memory_space<hbm>>
      tpu.enqueue_indirect_dma source(%dma_start3A_35 : memref<10000x128xf32, #tpu.memory_space<hbm>>) target(%arg10 : memref<128x128xf32, #tpu.memory_space<vmem>>) offsets(%dma_start3A_32 : memref<128xi32, #tpu.memory_space<vmem>>) semaphore(%arg12 : memref<!tpu.dma_semaphore, #tpu.memory_space<semaphore_mem>>)
      %scan3A_36 = arith.constant 0 : i32
      %scan3A_37 = arith.constant 0 : i32
      %scan3A_38 = arith.constant 20 : i32
      %scan3A_39 = arith.addi %scan3A_37, %scan3A_38 : i32
      %scan3A_40 = arith.constant 1 : i32
      scf.for %scan3A_72 = %scan3A_37 to %scan3A_39 step %scan3A_40  : i32 {
        %mul3A_73 = arith.constant 2 : i32
        %mul3A_74 = arith.muli %mul3A_73, %scan3A_72 : i32
        %add3A_75 = arith.constant 1 : i32
        %add3A_76 = arith.addi %mul3A_74, %add3A_75 : i32
        %dma_start3A_77 = arith.constant 0 : i32
        %dma_start3A_78 = tpu.memref_slice %arg8[%add3A_76, %dma_start3A_77] : memref<40x128xi32, #tpu.memory_space<vmem>> -> memref<1x128xi32, #tpu.memory_space<vmem>>
        %dma_start3A_79 = tpu.memref_squeeze %dma_start3A_78 : memref<1x128xi32, #tpu.memory_space<vmem>> -> memref<128xi32, #tpu.memory_space<vmem>>
        %dma_start3A_80 = arith.constant 0 : i32
        %dma_start3A_81 = arith.constant 0 : i32
        %dma_start3A_82 = tpu.memref_slice %arg2[%dma_start3A_80, %dma_start3A_81] : memref<10000x128xf32, #tpu.memory_space<hbm>> -> memref<10000x128xf32, #tpu.memory_space<hbm>>
        tpu.enqueue_indirect_dma source(%dma_start3A_82 : memref<10000x128xf32, #tpu.memory_space<hbm>>) target(%arg11 : memref<128x128xf32, #tpu.memory_space<vmem>>) offsets(%dma_start3A_79 : memref<128xi32, #tpu.memory_space<vmem>>) semaphore(%arg13 : memref<!tpu.dma_semaphore, #tpu.memory_space<semaphore_mem>>)
        %dma_wait3A = arith.constant 0 : i32
        %dma_wait3A_83 = tpu.memref_slice %arg8[%mul3A_74, %dma_wait3A] : memref<40x128xi32, #tpu.memory_space<vmem>> -> memref<1x128xi32, #tpu.memory_space<vmem>>
        %dma_wait3A_84 = tpu.memref_squeeze %dma_wait3A_83 : memref<1x128xi32, #tpu.memory_space<vmem>> -> memref<128xi32, #tpu.memory_space<vmem>>
        %dma_wait3A_85 = arith.constant 0 : i32
        %dma_wait3A_86 = arith.constant 0 : i32
        %dma_wait3A_87 = tpu.memref_slice %arg2[%dma_wait3A_85, %dma_wait3A_86] : memref<10000x128xf32, #tpu.memory_space<hbm>> -> memref<10000x128xf32, #tpu.memory_space<hbm>>
        tpu.wait_indirect_dma semaphore(%arg12 : memref<!tpu.dma_semaphore, #tpu.memory_space<semaphore_mem>>) src(%dma_wait3A_87 : memref<10000x128xf32, #tpu.memory_space<hbm>>) dst(%arg10 : memref<128x128xf32, #tpu.memory_space<vmem>>)
        "tpu.region"() ({
          %run_scoped3A = tpu.sem_alloc : memref<!tpu.dma_semaphore, #tpu.memory_space<semaphore_mem>>
          %dma_start3A_104 = arith.constant 0 : i32
          %dma_start3A_105 = tpu.memref_slice %arg9[%mul3A_74, %dma_start3A_104] : memref<40x128xi32, #tpu.memory_space<vmem>> -> memref<1x128xi32, #tpu.memory_space<vmem>>
          %dma_start3A_106 = tpu.memref_squeeze %dma_start3A_105 : memref<1x128xi32, #tpu.memory_space<vmem>> -> memref<128xi32, #tpu.memory_space<vmem>>
          %dma_start3A_107 = arith.constant 0 : i32
          %dma_start3A_108 = arith.constant 0 : i32
          %dma_start3A_109 = tpu.memref_slice %arg7[%dma_start3A_107, %dma_start3A_108] : memref<10240x128xf32, #tpu.memory_space<vmem_shared>> -> memref<10240x128xf32, #tpu.memory_space<vmem_shared>>
          tpu.enqueue_indirect_dma source(%arg10 : memref<128x128xf32, #tpu.memory_space<vmem>>) target(%dma_start3A_109 : memref<10240x128xf32, #tpu.memory_space<vmem_shared>>) offsets(%dma_start3A_106 : memref<128xi32, #tpu.memory_space<vmem>>) semaphore(%run_scoped3A : memref<!tpu.dma_semaphore, #tpu.memory_space<semaphore_mem>>) {add = true}
          %dma_wait3A_110 = arith.constant 0 : i32
          %dma_wait3A_111 = tpu.memref_slice %arg9[%mul3A_74, %dma_wait3A_110] : memref<40x128xi32, #tpu.memory_space<vmem>> -> memref<1x128xi32, #tpu.memory_space<vmem>>
          %dma_wait3A_112 = tpu.memref_squeeze %dma_wait3A_111 : memref<1x128xi32, #tpu.memory_space<vmem>> -> memref<128xi32, #tpu.memory_space<vmem>>
          %dma_wait3A_113 = arith.constant 0 : i32
          %dma_wait3A_114 = arith.constant 0 : i32
          %dma_wait3A_115 = tpu.memref_slice %arg7[%dma_wait3A_113, %dma_wait3A_114] : memref<10240x128xf32, #tpu.memory_space<vmem_shared>> -> memref<10240x128xf32, #tpu.memory_space<vmem_shared>>
          tpu.wait_indirect_dma semaphore(%run_scoped3A : memref<!tpu.dma_semaphore, #tpu.memory_space<semaphore_mem>>) src(%arg10 : memref<128x128xf32, #tpu.memory_space<vmem>>) dst(%dma_wait3A_115 : memref<10240x128xf32, #tpu.memory_space<vmem_shared>>)
          tpu.yield
        }) : () -> ()
        %add3A_88 = arith.constant 2 : i32
        %add3A_89 = arith.addi %mul3A_74, %add3A_88 : i32
        %lt3A = arith.constant 40 : i32
        %lt3A_90 = arith.cmpi slt, %add3A_89, %lt3A : i32
        %convert_element_type3A_91 = arith.extui %lt3A_90 : i1 to i32
        %cond3A_92 = arith.constant 0 : i32
        %cond3A_93 = arith.cmpi ne, %convert_element_type3A_91, %cond3A_92 : i32
        scf.if %cond3A_93 {
          %add3A_104 = arith.constant 2 : i32
          %add3A_105 = arith.addi %mul3A_74, %add3A_104 : i32
          %dma_start3A_106 = arith.constant 0 : i32
          %dma_start3A_107 = tpu.memref_slice %arg8[%add3A_105, %dma_start3A_106] : memref<40x128xi32, #tpu.memory_space<vmem>> -> memref<1x128xi32, #tpu.memory_space<vmem>>
          %dma_start3A_108 = tpu.memref_squeeze %dma_start3A_107 : memref<1x128xi32, #tpu.memory_space<vmem>> -> memref<128xi32, #tpu.memory_space<vmem>>
          %dma_start3A_109 = arith.constant 0 : i32
          %dma_start3A_110 = arith.constant 0 : i32
          %dma_start3A_111 = tpu.memref_slice %arg2[%dma_start3A_109, %dma_start3A_110] : memref<10000x128xf32, #tpu.memory_space<hbm>> -> memref<10000x128xf32, #tpu.memory_space<hbm>>
          tpu.enqueue_indirect_dma source(%dma_start3A_111 : memref<10000x128xf32, #tpu.memory_space<hbm>>) target(%arg10 : memref<128x128xf32, #tpu.memory_space<vmem>>) offsets(%dma_start3A_108 : memref<128xi32, #tpu.memory_space<vmem>>) semaphore(%arg12 : memref<!tpu.dma_semaphore, #tpu.memory_space<semaphore_mem>>)
        } else {
        }
        %add3A_94 = arith.constant 1 : i32
        %add3A_95 = arith.addi %mul3A_74, %add3A_94 : i32
        %dma_wait3A_96 = arith.constant 0 : i32
        %dma_wait3A_97 = tpu.memref_slice %arg8[%add3A_95, %dma_wait3A_96] : memref<40x128xi32, #tpu.memory_space<vmem>> -> memref<1x128xi32, #tpu.memory_space<vmem>>
        %dma_wait3A_98 = tpu.memref_squeeze %dma_wait3A_97 : memref<1x128xi32, #tpu.memory_space<vmem>> -> memref<128xi32, #tpu.memory_space<vmem>>
        %dma_wait3A_99 = arith.constant 0 : i32
        %dma_wait3A_100 = arith.constant 0 : i32
        %dma_wait3A_101 = tpu.memref_slice %arg2[%dma_wait3A_99, %dma_wait3A_100] : memref<10000x128xf32, #tpu.memory_space<hbm>> -> memref<10000x128xf32, #tpu.memory_space<hbm>>
        tpu.wait_indirect_dma semaphore(%arg13 : memref<!tpu.dma_semaphore, #tpu.memory_space<semaphore_mem>>) src(%dma_wait3A_101 : memref<10000x128xf32, #tpu.memory_space<hbm>>) dst(%arg11 : memref<128x128xf32, #tpu.memory_space<vmem>>)
        %add3A_102 = arith.constant 1 : i32
        %add3A_103 = arith.addi %mul3A_74, %add3A_102 : i32
        "tpu.region"() ({
          %run_scoped3A = tpu.sem_alloc : memref<!tpu.dma_semaphore, #tpu.memory_space<semaphore_mem>>
          %dma_start3A_104 = arith.constant 0 : i32
          %dma_start3A_105 = tpu.memref_slice %arg9[%add3A_103, %dma_start3A_104] : memref<40x128xi32, #tpu.memory_space<vmem>> -> memref<1x128xi32, #tpu.memory_space<vmem>>
          %dma_start3A_106 = tpu.memref_squeeze %dma_start3A_105 : memref<1x128xi32, #tpu.memory_space<vmem>> -> memref<128xi32, #tpu.memory_space<vmem>>
          %dma_start3A_107 = arith.constant 0 : i32
          %dma_start3A_108 = arith.constant 0 : i32
          %dma_start3A_109 = tpu.memref_slice %arg7[%dma_start3A_107, %dma_start3A_108] : memref<10240x128xf32, #tpu.memory_space<vmem_shared>> -> memref<10240x128xf32, #tpu.memory_space<vmem_shared>>
          tpu.enqueue_indirect_dma source(%arg11 : memref<128x128xf32, #tpu.memory_space<vmem>>) target(%dma_start3A_109 : memref<10240x128xf32, #tpu.memory_space<vmem_shared>>) offsets(%dma_start3A_106 : memref<128xi32, #tpu.memory_space<vmem>>) semaphore(%run_scoped3A : memref<!tpu.dma_semaphore, #tpu.memory_space<semaphore_mem>>) {add = true}
          %dma_wait3A_110 = arith.constant 0 : i32
          %dma_wait3A_111 = tpu.memref_slice %arg9[%add3A_103, %dma_wait3A_110] : memref<40x128xi32, #tpu.memory_space<vmem>> -> memref<1x128xi32, #tpu.memory_space<vmem>>
          %dma_wait3A_112 = tpu.memref_squeeze %dma_wait3A_111 : memref<1x128xi32, #tpu.memory_space<vmem>> -> memref<128xi32, #tpu.memory_space<vmem>>
          %dma_wait3A_113 = arith.constant 0 : i32
          %dma_wait3A_114 = arith.constant 0 : i32
          %dma_wait3A_115 = tpu.memref_slice %arg7[%dma_wait3A_113, %dma_wait3A_114] : memref<10240x128xf32, #tpu.memory_space<vmem_shared>> -> memref<10240x128xf32, #tpu.memory_space<vmem_shared>>
          tpu.wait_indirect_dma semaphore(%run_scoped3A : memref<!tpu.dma_semaphore, #tpu.memory_space<semaphore_mem>>) src(%arg11 : memref<128x128xf32, #tpu.memory_space<vmem>>) dst(%dma_wait3A_115 : memref<10240x128xf32, #tpu.memory_space<vmem_shared>>)
          tpu.yield
        }) : () -> ()
      }
      %scan3A_41 = arith.constant 20 : i32
      %add3A_42 = arith.constant 80 : i32
      %add3A_43 = arith.addi %mul3A_14, %add3A_42 : i32
      "tpu.region"() ({
        %run_scoped3A = tpu.sem_alloc : memref<!tpu.dma_semaphore, #tpu.memory_space<semaphore_mem>>
        %dma_start3A_72 = arith.constant 0 : i32
        %dma_start3A_73 = arith.constant 0 : i32
        %dma_start3A_74 = tpu.memref_slice %arg8[%dma_start3A_72, %dma_start3A_73] : memref<40x128xi32, #tpu.memory_space<vmem>> -> memref<40x128xi32, #tpu.memory_space<vmem>>
        %dma_start3A_75 = arith.constant 0 : i32
        %dma_start3A_76 = tpu.memref_slice %arg3[%add3A_43, %dma_start3A_75] : memref<2560x128xi32, #tpu.memory_space<hbm>> -> memref<40x128xi32, #tpu.memory_space<hbm>>
        %dma_start3A_77 = arith.constant 0 : i32
        %dma_start3A_78 = arith.constant 0 : i32
        %dma_start3A_79 = tpu.memref_slice %arg8[%dma_start3A_77, %dma_start3A_78] : memref<40x128xi32, #tpu.memory_space<vmem>> -> memref<40x128xi32, #tpu.memory_space<vmem>>
        %dma_start3A_80 = arith.constant 0 : i32
        %dma_start3A_81 = tpu.memref_slice %arg3[%add3A_43, %dma_start3A_80] : memref<2560x128xi32, #tpu.memory_space<hbm>> -> memref<40x128xi32, #tpu.memory_space<hbm>>
        tpu.enqueue_dma source(%dma_start3A_81 : memref<40x128xi32, #tpu.memory_space<hbm>>) target(%dma_start3A_79 : memref<40x128xi32, #tpu.memory_space<vmem>>) target_semaphore(%run_scoped3A : memref<!tpu.dma_semaphore, #tpu.memory_space<semaphore_mem>>)
        %dma_wait3A = arith.constant 0 : i32
        %dma_wait3A_82 = arith.constant 0 : i32
        %dma_wait3A_83 = tpu.memref_slice %arg8[%dma_wait3A, %dma_wait3A_82] : memref<40x128xi32, #tpu.memory_space<vmem>> -> memref<40x128xi32, #tpu.memory_space<vmem>>
        %dma_wait3A_84 = arith.constant 0 : i32
        %dma_wait3A_85 = tpu.memref_slice %arg3[%add3A_43, %dma_wait3A_84] : memref<2560x128xi32, #tpu.memory_space<hbm>> -> memref<40x128xi32, #tpu.memory_space<hbm>>
        %dma_wait3A_86 = arith.constant 0 : i32
        %dma_wait3A_87 = arith.constant 0 : i32
        %dma_wait3A_88 = tpu.memref_slice %arg8[%dma_wait3A_86, %dma_wait3A_87] : memref<40x128xi32, #tpu.memory_space<vmem>> -> memref<40x128xi32, #tpu.memory_space<vmem>>
        %dma_wait3A_89 = arith.constant 0 : i32
        %dma_wait3A_90 = tpu.memref_slice %arg3[%add3A_43, %dma_wait3A_89] : memref<2560x128xi32, #tpu.memory_space<hbm>> -> memref<40x128xi32, #tpu.memory_space<hbm>>
        tpu.wait_dma2 semaphore(%run_scoped3A : memref<!tpu.dma_semaphore, #tpu.memory_space<semaphore_mem>>) src(%dma_wait3A_90 : memref<40x128xi32, #tpu.memory_space<hbm>>) dst(%dma_wait3A_88 : memref<40x128xi32, #tpu.memory_space<vmem>>)
        tpu.yield
      }) : () -> ()
      "tpu.region"() ({
        %run_scoped3A = tpu.sem_alloc : memref<!tpu.dma_semaphore, #tpu.memory_space<semaphore_mem>>
        %dma_start3A_72 = arith.constant 0 : i32
        %dma_start3A_73 = arith.constant 0 : i32
        %dma_start3A_74 = tpu.memref_slice %arg9[%dma_start3A_72, %dma_start3A_73] : memref<40x128xi32, #tpu.memory_space<vmem>> -> memref<40x128xi32, #tpu.memory_space<vmem>>
        %dma_start3A_75 = arith.constant 0 : i32
        %dma_start3A_76 = tpu.memref_slice %arg4[%add3A_43, %dma_start3A_75] : memref<2560x128xi32, #tpu.memory_space<hbm>> -> memref<40x128xi32, #tpu.memory_space<hbm>>
        %dma_start3A_77 = arith.constant 0 : i32
        %dma_start3A_78 = arith.constant 0 : i32
        %dma_start3A_79 = tpu.memref_slice %arg9[%dma_start3A_77, %dma_start3A_78] : memref<40x128xi32, #tpu.memory_space<vmem>> -> memref<40x128xi32, #tpu.memory_space<vmem>>
        %dma_start3A_80 = arith.constant 0 : i32
        %dma_start3A_81 = tpu.memref_slice %arg4[%add3A_43, %dma_start3A_80] : memref<2560x128xi32, #tpu.memory_space<hbm>> -> memref<40x128xi32, #tpu.memory_space<hbm>>
        tpu.enqueue_dma source(%dma_start3A_81 : memref<40x128xi32, #tpu.memory_space<hbm>>) target(%dma_start3A_79 : memref<40x128xi32, #tpu.memory_space<vmem>>) target_semaphore(%run_scoped3A : memref<!tpu.dma_semaphore, #tpu.memory_space<semaphore_mem>>)
        %dma_wait3A = arith.constant 0 : i32
        %dma_wait3A_82 = arith.constant 0 : i32
        %dma_wait3A_83 = tpu.memref_slice %arg9[%dma_wait3A, %dma_wait3A_82] : memref<40x128xi32, #tpu.memory_space<vmem>> -> memref<40x128xi32, #tpu.memory_space<vmem>>
        %dma_wait3A_84 = arith.constant 0 : i32
        %dma_wait3A_85 = tpu.memref_slice %arg4[%add3A_43, %dma_wait3A_84] : memref<2560x128xi32, #tpu.memory_space<hbm>> -> memref<40x128xi32, #tpu.memory_space<hbm>>
        %dma_wait3A_86 = arith.constant 0 : i32
        %dma_wait3A_87 = arith.constant 0 : i32
        %dma_wait3A_88 = tpu.memref_slice %arg9[%dma_wait3A_86, %dma_wait3A_87] : memref<40x128xi32, #tpu.memory_space<vmem>> -> memref<40x128xi32, #tpu.memory_space<vmem>>
        %dma_wait3A_89 = arith.constant 0 : i32
        %dma_wait3A_90 = tpu.memref_slice %arg4[%add3A_43, %dma_wait3A_89] : memref<2560x128xi32, #tpu.memory_space<hbm>> -> memref<40x128xi32, #tpu.memory_space<hbm>>
        tpu.wait_dma2 semaphore(%run_scoped3A : memref<!tpu.dma_semaphore, #tpu.memory_space<semaphore_mem>>) src(%dma_wait3A_90 : memref<40x128xi32, #tpu.memory_space<hbm>>) dst(%dma_wait3A_88 : memref<40x128xi32, #tpu.memory_space<vmem>>)
        tpu.yield
      }) : () -> ()
      %dma_start3A_44 = arith.constant 0 : i32
      %dma_start3A_45 = arith.constant 0 : i32
      %dma_start3A_46 = tpu.memref_slice %arg8[%dma_start3A_44, %dma_start3A_45] : memref<40x128xi32, #tpu.memory_space<vmem>> -> memref<1x128xi32, #tpu.memory_space<vmem>>
      %dma_start3A_47 = tpu.memref_squeeze %dma_start3A_46 : memref<1x128xi32, #tpu.memory_space<vmem>> -> memref<128xi32, #tpu.memory_space<vmem>>
      %dma_start3A_48 = arith.constant 0 : i32
      %dma_start3A_49 = arith.constant 0 : i32
      %dma_start3A_50 = tpu.memref_slice %arg2[%dma_start3A_48, %dma_start3A_49] : memref<10000x128xf32, #tpu.memory_space<hbm>> -> memref<10000x128xf32, #tpu.memory_space<hbm>>
      tpu.enqueue_indirect_dma source(%dma_start3A_50 : memref<10000x128xf32, #tpu.memory_space<hbm>>) target(%arg10 : memref<128x128xf32, #tpu.memory_space<vmem>>) offsets(%dma_start3A_47 : memref<128xi32, #tpu.memory_space<vmem>>) semaphore(%arg12 : memref<!tpu.dma_semaphore, #tpu.memory_space<semaphore_mem>>)
      %scan3A_51 = arith.constant 0 : i32
      %scan3A_52 = arith.constant 0 : i32
      %scan3A_53 = arith.constant 20 : i32
      %scan3A_54 = arith.addi %scan3A_52, %scan3A_53 : i32
      %scan3A_55 = arith.constant 1 : i32
      scf.for %scan3A_72 = %scan3A_52 to %scan3A_54 step %scan3A_55  : i32 {
        %mul3A_73 = arith.constant 2 : i32
        %mul3A_74 = arith.muli %mul3A_73, %scan3A_72 : i32
        %add3A_75 = arith.constant 1 : i32
        %add3A_76 = arith.addi %mul3A_74, %add3A_75 : i32
        %dma_start3A_77 = arith.constant 0 : i32
        %dma_start3A_78 = tpu.memref_slice %arg8[%add3A_76, %dma_start3A_77] : memref<40x128xi32, #tpu.memory_space<vmem>> -> memref<1x128xi32, #tpu.memory_space<vmem>>
        %dma_start3A_79 = tpu.memref_squeeze %dma_start3A_78 : memref<1x128xi32, #tpu.memory_space<vmem>> -> memref<128xi32, #tpu.memory_space<vmem>>
        %dma_start3A_80 = arith.constant 0 : i32
        %dma_start3A_81 = arith.constant 0 : i32
        %dma_start3A_82 = tpu.memref_slice %arg2[%dma_start3A_80, %dma_start3A_81] : memref<10000x128xf32, #tpu.memory_space<hbm>> -> memref<10000x128xf32, #tpu.memory_space<hbm>>
        tpu.enqueue_indirect_dma source(%dma_start3A_82 : memref<10000x128xf32, #tpu.memory_space<hbm>>) target(%arg11 : memref<128x128xf32, #tpu.memory_space<vmem>>) offsets(%dma_start3A_79 : memref<128xi32, #tpu.memory_space<vmem>>) semaphore(%arg13 : memref<!tpu.dma_semaphore, #tpu.memory_space<semaphore_mem>>)
        %dma_wait3A = arith.constant 0 : i32
        %dma_wait3A_83 = tpu.memref_slice %arg8[%mul3A_74, %dma_wait3A] : memref<40x128xi32, #tpu.memory_space<vmem>> -> memref<1x128xi32, #tpu.memory_space<vmem>>
        %dma_wait3A_84 = tpu.memref_squeeze %dma_wait3A_83 : memref<1x128xi32, #tpu.memory_space<vmem>> -> memref<128xi32, #tpu.memory_space<vmem>>
        %dma_wait3A_85 = arith.constant 0 : i32
        %dma_wait3A_86 = arith.constant 0 : i32
        %dma_wait3A_87 = tpu.memref_slice %arg2[%dma_wait3A_85, %dma_wait3A_86] : memref<10000x128xf32, #tpu.memory_space<hbm>> -> memref<10000x128xf32, #tpu.memory_space<hbm>>
        tpu.wait_indirect_dma semaphore(%arg12 : memref<!tpu.dma_semaphore, #tpu.memory_space<semaphore_mem>>) src(%dma_wait3A_87 : memref<10000x128xf32, #tpu.memory_space<hbm>>) dst(%arg10 : memref<128x128xf32, #tpu.memory_space<vmem>>)
        "tpu.region"() ({
          %run_scoped3A = tpu.sem_alloc : memref<!tpu.dma_semaphore, #tpu.memory_space<semaphore_mem>>
          %dma_start3A_104 = arith.constant 0 : i32
          %dma_start3A_105 = tpu.memref_slice %arg9[%mul3A_74, %dma_start3A_104] : memref<40x128xi32, #tpu.memory_space<vmem>> -> memref<1x128xi32, #tpu.memory_space<vmem>>
          %dma_start3A_106 = tpu.memref_squeeze %dma_start3A_105 : memref<1x128xi32, #tpu.memory_space<vmem>> -> memref<128xi32, #tpu.memory_space<vmem>>
          %dma_start3A_107 = arith.constant 0 : i32
          %dma_start3A_108 = arith.constant 0 : i32
          %dma_start3A_109 = tpu.memref_slice %arg7[%dma_start3A_107, %dma_start3A_108] : memref<10240x128xf32, #tpu.memory_space<vmem_shared>> -> memref<10240x128xf32, #tpu.memory_space<vmem_shared>>
          tpu.enqueue_indirect_dma source(%arg10 : memref<128x128xf32, #tpu.memory_space<vmem>>) target(%dma_start3A_109 : memref<10240x128xf32, #tpu.memory_space<vmem_shared>>) offsets(%dma_start3A_106 : memref<128xi32, #tpu.memory_space<vmem>>) semaphore(%run_scoped3A : memref<!tpu.dma_semaphore, #tpu.memory_space<semaphore_mem>>) {add = true}
          %dma_wait3A_110 = arith.constant 0 : i32
          %dma_wait3A_111 = tpu.memref_slice %arg9[%mul3A_74, %dma_wait3A_110] : memref<40x128xi32, #tpu.memory_space<vmem>> -> memref<1x128xi32, #tpu.memory_space<vmem>>
          %dma_wait3A_112 = tpu.memref_squeeze %dma_wait3A_111 : memref<1x128xi32, #tpu.memory_space<vmem>> -> memref<128xi32, #tpu.memory_space<vmem>>
          %dma_wait3A_113 = arith.constant 0 : i32
          %dma_wait3A_114 = arith.constant 0 : i32
          %dma_wait3A_115 = tpu.memref_slice %arg7[%dma_wait3A_113, %dma_wait3A_114] : memref<10240x128xf32, #tpu.memory_space<vmem_shared>> -> memref<10240x128xf32, #tpu.memory_space<vmem_shared>>
          tpu.wait_indirect_dma semaphore(%run_scoped3A : memref<!tpu.dma_semaphore, #tpu.memory_space<semaphore_mem>>) src(%arg10 : memref<128x128xf32, #tpu.memory_space<vmem>>) dst(%dma_wait3A_115 : memref<10240x128xf32, #tpu.memory_space<vmem_shared>>)
          tpu.yield
        }) : () -> ()
        %add3A_88 = arith.constant 2 : i32
        %add3A_89 = arith.addi %mul3A_74, %add3A_88 : i32
        %lt3A = arith.constant 40 : i32
        %lt3A_90 = arith.cmpi slt, %add3A_89, %lt3A : i32
        %convert_element_type3A_91 = arith.extui %lt3A_90 : i1 to i32
        %cond3A_92 = arith.constant 0 : i32
        %cond3A_93 = arith.cmpi ne, %convert_element_type3A_91, %cond3A_92 : i32
        scf.if %cond3A_93 {
          %add3A_104 = arith.constant 2 : i32
          %add3A_105 = arith.addi %mul3A_74, %add3A_104 : i32
          %dma_start3A_106 = arith.constant 0 : i32
          %dma_start3A_107 = tpu.memref_slice %arg8[%add3A_105, %dma_start3A_106] : memref<40x128xi32, #tpu.memory_space<vmem>> -> memref<1x128xi32, #tpu.memory_space<vmem>>
          %dma_start3A_108 = tpu.memref_squeeze %dma_start3A_107 : memref<1x128xi32, #tpu.memory_space<vmem>> -> memref<128xi32, #tpu.memory_space<vmem>>
          %dma_start3A_109 = arith.constant 0 : i32
          %dma_start3A_110 = arith.constant 0 : i32
          %dma_start3A_111 = tpu.memref_slice %arg2[%dma_start3A_109, %dma_start3A_110] : memref<10000x128xf32, #tpu.memory_space<hbm>> -> memref<10000x128xf32, #tpu.memory_space<hbm>>
          tpu.enqueue_indirect_dma source(%dma_start3A_111 : memref<10000x128xf32, #tpu.memory_space<hbm>>) target(%arg10 : memref<128x128xf32, #tpu.memory_space<vmem>>) offsets(%dma_start3A_108 : memref<128xi32, #tpu.memory_space<vmem>>) semaphore(%arg12 : memref<!tpu.dma_semaphore, #tpu.memory_space<semaphore_mem>>)
        } else {
        }
        %add3A_94 = arith.constant 1 : i32
        %add3A_95 = arith.addi %mul3A_74, %add3A_94 : i32
        %dma_wait3A_96 = arith.constant 0 : i32
        %dma_wait3A_97 = tpu.memref_slice %arg8[%add3A_95, %dma_wait3A_96] : memref<40x128xi32, #tpu.memory_space<vmem>> -> memref<1x128xi32, #tpu.memory_space<vmem>>
        %dma_wait3A_98 = tpu.memref_squeeze %dma_wait3A_97 : memref<1x128xi32, #tpu.memory_space<vmem>> -> memref<128xi32, #tpu.memory_space<vmem>>
        %dma_wait3A_99 = arith.constant 0 : i32
        %dma_wait3A_100 = arith.constant 0 : i32
        %dma_wait3A_101 = tpu.memref_slice %arg2[%dma_wait3A_99, %dma_wait3A_100] : memref<10000x128xf32, #tpu.memory_space<hbm>> -> memref<10000x128xf32, #tpu.memory_space<hbm>>
        tpu.wait_indirect_dma semaphore(%arg13 : memref<!tpu.dma_semaphore, #tpu.memory_space<semaphore_mem>>) src(%dma_wait3A_101 : memref<10000x128xf32, #tpu.memory_space<hbm>>) dst(%arg11 : memref<128x128xf32, #tpu.memory_space<vmem>>)
        %add3A_102 = arith.constant 1 : i32
        %add3A_103 = arith.addi %mul3A_74, %add3A_102 : i32
        "tpu.region"() ({
          %run_scoped3A = tpu.sem_alloc : memref<!tpu.dma_semaphore, #tpu.memory_space<semaphore_mem>>
          %dma_start3A_104 = arith.constant 0 : i32
          %dma_start3A_105 = tpu.memref_slice %arg9[%add3A_103, %dma_start3A_104] : memref<40x128xi32, #tpu.memory_space<vmem>> -> memref<1x128xi32, #tpu.memory_space<vmem>>
          %dma_start3A_106 = tpu.memref_squeeze %dma_start3A_105 : memref<1x128xi32, #tpu.memory_space<vmem>> -> memref<128xi32, #tpu.memory_space<vmem>>
          %dma_start3A_107 = arith.constant 0 : i32
          %dma_start3A_108 = arith.constant 0 : i32
          %dma_start3A_109 = tpu.memref_slice %arg7[%dma_start3A_107, %dma_start3A_108] : memref<10240x128xf32, #tpu.memory_space<vmem_shared>> -> memref<10240x128xf32, #tpu.memory_space<vmem_shared>>
          tpu.enqueue_indirect_dma source(%arg11 : memref<128x128xf32, #tpu.memory_space<vmem>>) target(%dma_start3A_109 : memref<10240x128xf32, #tpu.memory_space<vmem_shared>>) offsets(%dma_start3A_106 : memref<128xi32, #tpu.memory_space<vmem>>) semaphore(%run_scoped3A : memref<!tpu.dma_semaphore, #tpu.memory_space<semaphore_mem>>) {add = true}
          %dma_wait3A_110 = arith.constant 0 : i32
          %dma_wait3A_111 = tpu.memref_slice %arg9[%add3A_103, %dma_wait3A_110] : memref<40x128xi32, #tpu.memory_space<vmem>> -> memref<1x128xi32, #tpu.memory_space<vmem>>
          %dma_wait3A_112 = tpu.memref_squeeze %dma_wait3A_111 : memref<1x128xi32, #tpu.memory_space<vmem>> -> memref<128xi32, #tpu.memory_space<vmem>>
          %dma_wait3A_113 = arith.constant 0 : i32
          %dma_wait3A_114 = arith.constant 0 : i32
          %dma_wait3A_115 = tpu.memref_slice %arg7[%dma_wait3A_113, %dma_wait3A_114] : memref<10240x128xf32, #tpu.memory_space<vmem_shared>> -> memref<10240x128xf32, #tpu.memory_space<vmem_shared>>
          tpu.wait_indirect_dma semaphore(%run_scoped3A : memref<!tpu.dma_semaphore, #tpu.memory_space<semaphore_mem>>) src(%arg11 : memref<128x128xf32, #tpu.memory_space<vmem>>) dst(%dma_wait3A_115 : memref<10240x128xf32, #tpu.memory_space<vmem_shared>>)
          tpu.yield
        }) : () -> ()
      }
      %scan3A_56 = arith.constant 20 : i32
      %add3A_57 = arith.constant 120 : i32
      %add3A_58 = arith.addi %mul3A_14, %add3A_57 : i32
      "tpu.region"() ({
        %run_scoped3A = tpu.sem_alloc : memref<!tpu.dma_semaphore, #tpu.memory_space<semaphore_mem>>
        %dma_start3A_72 = arith.constant 0 : i32
        %dma_start3A_73 = arith.constant 0 : i32
        %dma_start3A_74 = tpu.memref_slice %arg8[%dma_start3A_72, %dma_start3A_73] : memref<40x128xi32, #tpu.memory_space<vmem>> -> memref<32x128xi32, #tpu.memory_space<vmem>>
        %dma_start3A_75 = arith.constant 0 : i32
        %dma_start3A_76 = tpu.memref_slice %arg3[%add3A_58, %dma_start3A_75] : memref<2560x128xi32, #tpu.memory_space<hbm>> -> memref<32x128xi32, #tpu.memory_space<hbm>>
        %dma_start3A_77 = arith.constant 0 : i32
        %dma_start3A_78 = arith.constant 0 : i32
        %dma_start3A_79 = tpu.memref_slice %arg8[%dma_start3A_77, %dma_start3A_78] : memref<40x128xi32, #tpu.memory_space<vmem>> -> memref<32x128xi32, #tpu.memory_space<vmem>>
        %dma_start3A_80 = arith.constant 0 : i32
        %dma_start3A_81 = tpu.memref_slice %arg3[%add3A_58, %dma_start3A_80] : memref<2560x128xi32, #tpu.memory_space<hbm>> -> memref<32x128xi32, #tpu.memory_space<hbm>>
        tpu.enqueue_dma source(%dma_start3A_81 : memref<32x128xi32, #tpu.memory_space<hbm>>) target(%dma_start3A_79 : memref<32x128xi32, #tpu.memory_space<vmem>>) target_semaphore(%run_scoped3A : memref<!tpu.dma_semaphore, #tpu.memory_space<semaphore_mem>>)
        %dma_wait3A = arith.constant 0 : i32
        %dma_wait3A_82 = arith.constant 0 : i32
        %dma_wait3A_83 = tpu.memref_slice %arg8[%dma_wait3A, %dma_wait3A_82] : memref<40x128xi32, #tpu.memory_space<vmem>> -> memref<32x128xi32, #tpu.memory_space<vmem>>
        %dma_wait3A_84 = arith.constant 0 : i32
        %dma_wait3A_85 = tpu.memref_slice %arg3[%add3A_58, %dma_wait3A_84] : memref<2560x128xi32, #tpu.memory_space<hbm>> -> memref<32x128xi32, #tpu.memory_space<hbm>>
        %dma_wait3A_86 = arith.constant 0 : i32
        %dma_wait3A_87 = arith.constant 0 : i32
        %dma_wait3A_88 = tpu.memref_slice %arg8[%dma_wait3A_86, %dma_wait3A_87] : memref<40x128xi32, #tpu.memory_space<vmem>> -> memref<32x128xi32, #tpu.memory_space<vmem>>
        %dma_wait3A_89 = arith.constant 0 : i32
        %dma_wait3A_90 = tpu.memref_slice %arg3[%add3A_58, %dma_wait3A_89] : memref<2560x128xi32, #tpu.memory_space<hbm>> -> memref<32x128xi32, #tpu.memory_space<hbm>>
        tpu.wait_dma2 semaphore(%run_scoped3A : memref<!tpu.dma_semaphore, #tpu.memory_space<semaphore_mem>>) src(%dma_wait3A_90 : memref<32x128xi32, #tpu.memory_space<hbm>>) dst(%dma_wait3A_88 : memref<32x128xi32, #tpu.memory_space<vmem>>)
        tpu.yield
      }) : () -> ()
      "tpu.region"() ({
        %run_scoped3A = tpu.sem_alloc : memref<!tpu.dma_semaphore, #tpu.memory_space<semaphore_mem>>
        %dma_start3A_72 = arith.constant 0 : i32
        %dma_start3A_73 = arith.constant 0 : i32
        %dma_start3A_74 = tpu.memref_slice %arg9[%dma_start3A_72, %dma_start3A_73] : memref<40x128xi32, #tpu.memory_space<vmem>> -> memref<32x128xi32, #tpu.memory_space<vmem>>
        %dma_start3A_75 = arith.constant 0 : i32
        %dma_start3A_76 = tpu.memref_slice %arg4[%add3A_58, %dma_start3A_75] : memref<2560x128xi32, #tpu.memory_space<hbm>> -> memref<32x128xi32, #tpu.memory_space<hbm>>
        %dma_start3A_77 = arith.constant 0 : i32
        %dma_start3A_78 = arith.constant 0 : i32
        %dma_start3A_79 = tpu.memref_slice %arg9[%dma_start3A_77, %dma_start3A_78] : memref<40x128xi32, #tpu.memory_space<vmem>> -> memref<32x128xi32, #tpu.memory_space<vmem>>
        %dma_start3A_80 = arith.constant 0 : i32
        %dma_start3A_81 = tpu.memref_slice %arg4[%add3A_58, %dma_start3A_80] : memref<2560x128xi32, #tpu.memory_space<hbm>> -> memref<32x128xi32, #tpu.memory_space<hbm>>
        tpu.enqueue_dma source(%dma_start3A_81 : memref<32x128xi32, #tpu.memory_space<hbm>>) target(%dma_start3A_79 : memref<32x128xi32, #tpu.memory_space<vmem>>) target_semaphore(%run_scoped3A : memref<!tpu.dma_semaphore, #tpu.memory_space<semaphore_mem>>)
        %dma_wait3A = arith.constant 0 : i32
        %dma_wait3A_82 = arith.constant 0 : i32
        %dma_wait3A_83 = tpu.memref_slice %arg9[%dma_wait3A, %dma_wait3A_82] : memref<40x128xi32, #tpu.memory_space<vmem>> -> memref<32x128xi32, #tpu.memory_space<vmem>>
        %dma_wait3A_84 = arith.constant 0 : i32
        %dma_wait3A_85 = tpu.memref_slice %arg4[%add3A_58, %dma_wait3A_84] : memref<2560x128xi32, #tpu.memory_space<hbm>> -> memref<32x128xi32, #tpu.memory_space<hbm>>
        %dma_wait3A_86 = arith.constant 0 : i32
        %dma_wait3A_87 = arith.constant 0 : i32
        %dma_wait3A_88 = tpu.memref_slice %arg9[%dma_wait3A_86, %dma_wait3A_87] : memref<40x128xi32, #tpu.memory_space<vmem>> -> memref<32x128xi32, #tpu.memory_space<vmem>>
        %dma_wait3A_89 = arith.constant 0 : i32
        %dma_wait3A_90 = tpu.memref_slice %arg4[%add3A_58, %dma_wait3A_89] : memref<2560x128xi32, #tpu.memory_space<hbm>> -> memref<32x128xi32, #tpu.memory_space<hbm>>
        tpu.wait_dma2 semaphore(%run_scoped3A : memref<!tpu.dma_semaphore, #tpu.memory_space<semaphore_mem>>) src(%dma_wait3A_90 : memref<32x128xi32, #tpu.memory_space<hbm>>) dst(%dma_wait3A_88 : memref<32x128xi32, #tpu.memory_space<vmem>>)
        tpu.yield
      }) : () -> ()
      %dma_start3A_59 = arith.constant 0 : i32
      %dma_start3A_60 = arith.constant 0 : i32
      %dma_start3A_61 = tpu.memref_slice %arg8[%dma_start3A_59, %dma_start3A_60] : memref<40x128xi32, #tpu.memory_space<vmem>> -> memref<1x128xi32, #tpu.memory_space<vmem>>
      %dma_start3A_62 = tpu.memref_squeeze %dma_start3A_61 : memref<1x128xi32, #tpu.memory_space<vmem>> -> memref<128xi32, #tpu.memory_space<vmem>>
      %dma_start3A_63 = arith.constant 0 : i32
      %dma_start3A_64 = arith.constant 0 : i32
      %dma_start3A_65 = tpu.memref_slice %arg2[%dma_start3A_63, %dma_start3A_64] : memref<10000x128xf32, #tpu.memory_space<hbm>> -> memref<10000x128xf32, #tpu.memory_space<hbm>>
      tpu.enqueue_indirect_dma source(%dma_start3A_65 : memref<10000x128xf32, #tpu.memory_space<hbm>>) target(%arg10 : memref<128x128xf32, #tpu.memory_space<vmem>>) offsets(%dma_start3A_62 : memref<128xi32, #tpu.memory_space<vmem>>) semaphore(%arg12 : memref<!tpu.dma_semaphore, #tpu.memory_space<semaphore_mem>>)
      %scan3A_66 = arith.constant 0 : i32
      %scan3A_67 = arith.constant 0 : i32
      %scan3A_68 = arith.constant 16 : i32
      %scan3A_69 = arith.addi %scan3A_67, %scan3A_68 : i32
      %scan3A_70 = arith.constant 1 : i32
      scf.for %scan3A_72 = %scan3A_67 to %scan3A_69 step %scan3A_70  : i32 {
        %mul3A_73 = arith.constant 2 : i32
        %mul3A_74 = arith.muli %mul3A_73, %scan3A_72 : i32
        %add3A_75 = arith.constant 1 : i32
        %add3A_76 = arith.addi %mul3A_74, %add3A_75 : i32
        %dma_start3A_77 = arith.constant 0 : i32
        %dma_start3A_78 = tpu.memref_slice %arg8[%add3A_76, %dma_start3A_77] : memref<40x128xi32, #tpu.memory_space<vmem>> -> memref<1x128xi32, #tpu.memory_space<vmem>>
        %dma_start3A_79 = tpu.memref_squeeze %dma_start3A_78 : memref<1x128xi32, #tpu.memory_space<vmem>> -> memref<128xi32, #tpu.memory_space<vmem>>
        %dma_start3A_80 = arith.constant 0 : i32
        %dma_start3A_81 = arith.constant 0 : i32
        %dma_start3A_82 = tpu.memref_slice %arg2[%dma_start3A_80, %dma_start3A_81] : memref<10000x128xf32, #tpu.memory_space<hbm>> -> memref<10000x128xf32, #tpu.memory_space<hbm>>
        tpu.enqueue_indirect_dma source(%dma_start3A_82 : memref<10000x128xf32, #tpu.memory_space<hbm>>) target(%arg11 : memref<128x128xf32, #tpu.memory_space<vmem>>) offsets(%dma_start3A_79 : memref<128xi32, #tpu.memory_space<vmem>>) semaphore(%arg13 : memref<!tpu.dma_semaphore, #tpu.memory_space<semaphore_mem>>)
        %dma_wait3A = arith.constant 0 : i32
        %dma_wait3A_83 = tpu.memref_slice %arg8[%mul3A_74, %dma_wait3A] : memref<40x128xi32, #tpu.memory_space<vmem>> -> memref<1x128xi32, #tpu.memory_space<vmem>>
        %dma_wait3A_84 = tpu.memref_squeeze %dma_wait3A_83 : memref<1x128xi32, #tpu.memory_space<vmem>> -> memref<128xi32, #tpu.memory_space<vmem>>
        %dma_wait3A_85 = arith.constant 0 : i32
        %dma_wait3A_86 = arith.constant 0 : i32
        %dma_wait3A_87 = tpu.memref_slice %arg2[%dma_wait3A_85, %dma_wait3A_86] : memref<10000x128xf32, #tpu.memory_space<hbm>> -> memref<10000x128xf32, #tpu.memory_space<hbm>>
        tpu.wait_indirect_dma semaphore(%arg12 : memref<!tpu.dma_semaphore, #tpu.memory_space<semaphore_mem>>) src(%dma_wait3A_87 : memref<10000x128xf32, #tpu.memory_space<hbm>>) dst(%arg10 : memref<128x128xf32, #tpu.memory_space<vmem>>)
        "tpu.region"() ({
          %run_scoped3A = tpu.sem_alloc : memref<!tpu.dma_semaphore, #tpu.memory_space<semaphore_mem>>
          %dma_start3A_104 = arith.constant 0 : i32
          %dma_start3A_105 = tpu.memref_slice %arg9[%mul3A_74, %dma_start3A_104] : memref<40x128xi32, #tpu.memory_space<vmem>> -> memref<1x128xi32, #tpu.memory_space<vmem>>
          %dma_start3A_106 = tpu.memref_squeeze %dma_start3A_105 : memref<1x128xi32, #tpu.memory_space<vmem>> -> memref<128xi32, #tpu.memory_space<vmem>>
          %dma_start3A_107 = arith.constant 0 : i32
          %dma_start3A_108 = arith.constant 0 : i32
          %dma_start3A_109 = tpu.memref_slice %arg7[%dma_start3A_107, %dma_start3A_108] : memref<10240x128xf32, #tpu.memory_space<vmem_shared>> -> memref<10240x128xf32, #tpu.memory_space<vmem_shared>>
          tpu.enqueue_indirect_dma source(%arg10 : memref<128x128xf32, #tpu.memory_space<vmem>>) target(%dma_start3A_109 : memref<10240x128xf32, #tpu.memory_space<vmem_shared>>) offsets(%dma_start3A_106 : memref<128xi32, #tpu.memory_space<vmem>>) semaphore(%run_scoped3A : memref<!tpu.dma_semaphore, #tpu.memory_space<semaphore_mem>>) {add = true}
          %dma_wait3A_110 = arith.constant 0 : i32
          %dma_wait3A_111 = tpu.memref_slice %arg9[%mul3A_74, %dma_wait3A_110] : memref<40x128xi32, #tpu.memory_space<vmem>> -> memref<1x128xi32, #tpu.memory_space<vmem>>
          %dma_wait3A_112 = tpu.memref_squeeze %dma_wait3A_111 : memref<1x128xi32, #tpu.memory_space<vmem>> -> memref<128xi32, #tpu.memory_space<vmem>>
          %dma_wait3A_113 = arith.constant 0 : i32
          %dma_wait3A_114 = arith.constant 0 : i32
          %dma_wait3A_115 = tpu.memref_slice %arg7[%dma_wait3A_113, %dma_wait3A_114] : memref<10240x128xf32, #tpu.memory_space<vmem_shared>> -> memref<10240x128xf32, #tpu.memory_space<vmem_shared>>
          tpu.wait_indirect_dma semaphore(%run_scoped3A : memref<!tpu.dma_semaphore, #tpu.memory_space<semaphore_mem>>) src(%arg10 : memref<128x128xf32, #tpu.memory_space<vmem>>) dst(%dma_wait3A_115 : memref<10240x128xf32, #tpu.memory_space<vmem_shared>>)
          tpu.yield
        }) : () -> ()
        %add3A_88 = arith.constant 2 : i32
        %add3A_89 = arith.addi %mul3A_74, %add3A_88 : i32
        %lt3A = arith.constant 32 : i32
        %lt3A_90 = arith.cmpi slt, %add3A_89, %lt3A : i32
        %convert_element_type3A_91 = arith.extui %lt3A_90 : i1 to i32
        %cond3A_92 = arith.constant 0 : i32
        %cond3A_93 = arith.cmpi ne, %convert_element_type3A_91, %cond3A_92 : i32
        scf.if %cond3A_93 {
          %add3A_104 = arith.constant 2 : i32
          %add3A_105 = arith.addi %mul3A_74, %add3A_104 : i32
          %dma_start3A_106 = arith.constant 0 : i32
          %dma_start3A_107 = tpu.memref_slice %arg8[%add3A_105, %dma_start3A_106] : memref<40x128xi32, #tpu.memory_space<vmem>> -> memref<1x128xi32, #tpu.memory_space<vmem>>
          %dma_start3A_108 = tpu.memref_squeeze %dma_start3A_107 : memref<1x128xi32, #tpu.memory_space<vmem>> -> memref<128xi32, #tpu.memory_space<vmem>>
          %dma_start3A_109 = arith.constant 0 : i32
          %dma_start3A_110 = arith.constant 0 : i32
          %dma_start3A_111 = tpu.memref_slice %arg2[%dma_start3A_109, %dma_start3A_110] : memref<10000x128xf32, #tpu.memory_space<hbm>> -> memref<10000x128xf32, #tpu.memory_space<hbm>>
          tpu.enqueue_indirect_dma source(%dma_start3A_111 : memref<10000x128xf32, #tpu.memory_space<hbm>>) target(%arg10 : memref<128x128xf32, #tpu.memory_space<vmem>>) offsets(%dma_start3A_108 : memref<128xi32, #tpu.memory_space<vmem>>) semaphore(%arg12 : memref<!tpu.dma_semaphore, #tpu.memory_space<semaphore_mem>>)
        } else {
        }
        %add3A_94 = arith.constant 1 : i32
        %add3A_95 = arith.addi %mul3A_74, %add3A_94 : i32
        %dma_wait3A_96 = arith.constant 0 : i32
        %dma_wait3A_97 = tpu.memref_slice %arg8[%add3A_95, %dma_wait3A_96] : memref<40x128xi32, #tpu.memory_space<vmem>> -> memref<1x128xi32, #tpu.memory_space<vmem>>
        %dma_wait3A_98 = tpu.memref_squeeze %dma_wait3A_97 : memref<1x128xi32, #tpu.memory_space<vmem>> -> memref<128xi32, #tpu.memory_space<vmem>>
        %dma_wait3A_99 = arith.constant 0 : i32
        %dma_wait3A_100 = arith.constant 0 : i32
        %dma_wait3A_101 = tpu.memref_slice %arg2[%dma_wait3A_99, %dma_wait3A_100] : memref<10000x128xf32, #tpu.memory_space<hbm>> -> memref<10000x128xf32, #tpu.memory_space<hbm>>
        tpu.wait_indirect_dma semaphore(%arg13 : memref<!tpu.dma_semaphore, #tpu.memory_space<semaphore_mem>>) src(%dma_wait3A_101 : memref<10000x128xf32, #tpu.memory_space<hbm>>) dst(%arg11 : memref<128x128xf32, #tpu.memory_space<vmem>>)
        %add3A_102 = arith.constant 1 : i32
        %add3A_103 = arith.addi %mul3A_74, %add3A_102 : i32
        "tpu.region"() ({
          %run_scoped3A = tpu.sem_alloc : memref<!tpu.dma_semaphore, #tpu.memory_space<semaphore_mem>>
          %dma_start3A_104 = arith.constant 0 : i32
          %dma_start3A_105 = tpu.memref_slice %arg9[%add3A_103, %dma_start3A_104] : memref<40x128xi32, #tpu.memory_space<vmem>> -> memref<1x128xi32, #tpu.memory_space<vmem>>
          %dma_start3A_106 = tpu.memref_squeeze %dma_start3A_105 : memref<1x128xi32, #tpu.memory_space<vmem>> -> memref<128xi32, #tpu.memory_space<vmem>>
          %dma_start3A_107 = arith.constant 0 : i32
          %dma_start3A_108 = arith.constant 0 : i32
          %dma_start3A_109 = tpu.memref_slice %arg7[%dma_start3A_107, %dma_start3A_108] : memref<10240x128xf32, #tpu.memory_space<vmem_shared>> -> memref<10240x128xf32, #tpu.memory_space<vmem_shared>>
          tpu.enqueue_indirect_dma source(%arg11 : memref<128x128xf32, #tpu.memory_space<vmem>>) target(%dma_start3A_109 : memref<10240x128xf32, #tpu.memory_space<vmem_shared>>) offsets(%dma_start3A_106 : memref<128xi32, #tpu.memory_space<vmem>>) semaphore(%run_scoped3A : memref<!tpu.dma_semaphore, #tpu.memory_space<semaphore_mem>>) {add = true}
          %dma_wait3A_110 = arith.constant 0 : i32
          %dma_wait3A_111 = tpu.memref_slice %arg9[%add3A_103, %dma_wait3A_110] : memref<40x128xi32, #tpu.memory_space<vmem>> -> memref<1x128xi32, #tpu.memory_space<vmem>>
          %dma_wait3A_112 = tpu.memref_squeeze %dma_wait3A_111 : memref<1x128xi32, #tpu.memory_space<vmem>> -> memref<128xi32, #tpu.memory_space<vmem>>
          %dma_wait3A_113 = arith.constant 0 : i32
          %dma_wait3A_114 = arith.constant 0 : i32
          %dma_wait3A_115 = tpu.memref_slice %arg7[%dma_wait3A_113, %dma_wait3A_114] : memref<10240x128xf32, #tpu.memory_space<vmem_shared>> -> memref<10240x128xf32, #tpu.memory_space<vmem_shared>>
          tpu.wait_indirect_dma semaphore(%run_scoped3A : memref<!tpu.dma_semaphore, #tpu.memory_space<semaphore_mem>>) src(%arg11 : memref<128x128xf32, #tpu.memory_space<vmem>>) dst(%dma_wait3A_115 : memref<10240x128xf32, #tpu.memory_space<vmem_shared>>)
          tpu.yield
        }) : () -> ()
      }
      %scan3A_71 = arith.constant 16 : i32
    } else {
    }
    %eq3A_3 = arith.constant 1 : i32
    %eq3A_4 = arith.cmpi eq, %arg0, %eq3A_3 : i32
    %convert_element_type3A_5 = arith.extui %eq3A_4 : i1 to i32
    %cond3A_6 = arith.constant 0 : i32
    %cond3A_7 = arith.cmpi ne, %convert_element_type3A_5, %cond3A_6 : i32
    scf.if %cond3A_7 {
      %mul3A_13 = arith.constant 8 : i32
      %mul3A_14 = arith.muli %arg1, %mul3A_13 : i32
      %add3A = arith.constant 2432 : i32
      %add3A_15 = arith.addi %add3A, %mul3A_14 : i32
      %add3A_16 = arith.constant 0 : i32
      %add3A_17 = arith.addi %add3A_15, %add3A_16 : i32
      "tpu.region"() ({
        %run_scoped3A = tpu.sem_alloc : memref<!tpu.dma_semaphore, #tpu.memory_space<semaphore_mem>>
        %dma_start3A_29 = arith.constant 0 : i32
        %dma_start3A_30 = arith.constant 0 : i32
        %dma_start3A_31 = tpu.memref_slice %arg8[%dma_start3A_29, %dma_start3A_30] : memref<40x128xi32, #tpu.memory_space<vmem>> -> memref<8x128xi32, #tpu.memory_space<vmem>>
        %dma_start3A_32 = arith.constant 0 : i32
        %dma_start3A_33 = tpu.memref_slice %arg3[%add3A_17, %dma_start3A_32] : memref<2560x128xi32, #tpu.memory_space<hbm>> -> memref<8x128xi32, #tpu.memory_space<hbm>>
        %dma_start3A_34 = arith.constant 0 : i32
        %dma_start3A_35 = arith.constant 0 : i32
        %dma_start3A_36 = tpu.memref_slice %arg8[%dma_start3A_34, %dma_start3A_35] : memref<40x128xi32, #tpu.memory_space<vmem>> -> memref<8x128xi32, #tpu.memory_space<vmem>>
        %dma_start3A_37 = arith.constant 0 : i32
        %dma_start3A_38 = tpu.memref_slice %arg3[%add3A_17, %dma_start3A_37] : memref<2560x128xi32, #tpu.memory_space<hbm>> -> memref<8x128xi32, #tpu.memory_space<hbm>>
        tpu.enqueue_dma source(%dma_start3A_38 : memref<8x128xi32, #tpu.memory_space<hbm>>) target(%dma_start3A_36 : memref<8x128xi32, #tpu.memory_space<vmem>>) target_semaphore(%run_scoped3A : memref<!tpu.dma_semaphore, #tpu.memory_space<semaphore_mem>>)
        %dma_wait3A = arith.constant 0 : i32
        %dma_wait3A_39 = arith.constant 0 : i32
        %dma_wait3A_40 = tpu.memref_slice %arg8[%dma_wait3A, %dma_wait3A_39] : memref<40x128xi32, #tpu.memory_space<vmem>> -> memref<8x128xi32, #tpu.memory_space<vmem>>
        %dma_wait3A_41 = arith.constant 0 : i32
        %dma_wait3A_42 = tpu.memref_slice %arg3[%add3A_17, %dma_wait3A_41] : memref<2560x128xi32, #tpu.memory_space<hbm>> -> memref<8x128xi32, #tpu.memory_space<hbm>>
        %dma_wait3A_43 = arith.constant 0 : i32
        %dma_wait3A_44 = arith.constant 0 : i32
        %dma_wait3A_45 = tpu.memref_slice %arg8[%dma_wait3A_43, %dma_wait3A_44] : memref<40x128xi32, #tpu.memory_space<vmem>> -> memref<8x128xi32, #tpu.memory_space<vmem>>
        %dma_wait3A_46 = arith.constant 0 : i32
        %dma_wait3A_47 = tpu.memref_slice %arg3[%add3A_17, %dma_wait3A_46] : memref<2560x128xi32, #tpu.memory_space<hbm>> -> memref<8x128xi32, #tpu.memory_space<hbm>>
        tpu.wait_dma2 semaphore(%run_scoped3A : memref<!tpu.dma_semaphore, #tpu.memory_space<semaphore_mem>>) src(%dma_wait3A_47 : memref<8x128xi32, #tpu.memory_space<hbm>>) dst(%dma_wait3A_45 : memref<8x128xi32, #tpu.memory_space<vmem>>)
        tpu.yield
      }) : () -> ()
      "tpu.region"() ({
        %run_scoped3A = tpu.sem_alloc : memref<!tpu.dma_semaphore, #tpu.memory_space<semaphore_mem>>
        %dma_start3A_29 = arith.constant 0 : i32
        %dma_start3A_30 = arith.constant 0 : i32
        %dma_start3A_31 = tpu.memref_slice %arg9[%dma_start3A_29, %dma_start3A_30] : memref<40x128xi32, #tpu.memory_space<vmem>> -> memref<8x128xi32, #tpu.memory_space<vmem>>
        %dma_start3A_32 = arith.constant 0 : i32
        %dma_start3A_33 = tpu.memref_slice %arg4[%add3A_17, %dma_start3A_32] : memref<2560x128xi32, #tpu.memory_space<hbm>> -> memref<8x128xi32, #tpu.memory_space<hbm>>
        %dma_start3A_34 = arith.constant 0 : i32
        %dma_start3A_35 = arith.constant 0 : i32
        %dma_start3A_36 = tpu.memref_slice %arg9[%dma_start3A_34, %dma_start3A_35] : memref<40x128xi32, #tpu.memory_space<vmem>> -> memref<8x128xi32, #tpu.memory_space<vmem>>
        %dma_start3A_37 = arith.constant 0 : i32
        %dma_start3A_38 = tpu.memref_slice %arg4[%add3A_17, %dma_start3A_37] : memref<2560x128xi32, #tpu.memory_space<hbm>> -> memref<8x128xi32, #tpu.memory_space<hbm>>
        tpu.enqueue_dma source(%dma_start3A_38 : memref<8x128xi32, #tpu.memory_space<hbm>>) target(%dma_start3A_36 : memref<8x128xi32, #tpu.memory_space<vmem>>) target_semaphore(%run_scoped3A : memref<!tpu.dma_semaphore, #tpu.memory_space<semaphore_mem>>)
        %dma_wait3A = arith.constant 0 : i32
        %dma_wait3A_39 = arith.constant 0 : i32
        %dma_wait3A_40 = tpu.memref_slice %arg9[%dma_wait3A, %dma_wait3A_39] : memref<40x128xi32, #tpu.memory_space<vmem>> -> memref<8x128xi32, #tpu.memory_space<vmem>>
        %dma_wait3A_41 = arith.constant 0 : i32
        %dma_wait3A_42 = tpu.memref_slice %arg4[%add3A_17, %dma_wait3A_41] : memref<2560x128xi32, #tpu.memory_space<hbm>> -> memref<8x128xi32, #tpu.memory_space<hbm>>
        %dma_wait3A_43 = arith.constant 0 : i32
        %dma_wait3A_44 = arith.constant 0 : i32
        %dma_wait3A_45 = tpu.memref_slice %arg9[%dma_wait3A_43, %dma_wait3A_44] : memref<40x128xi32, #tpu.memory_space<vmem>> -> memref<8x128xi32, #tpu.memory_space<vmem>>
        %dma_wait3A_46 = arith.constant 0 : i32
        %dma_wait3A_47 = tpu.memref_slice %arg4[%add3A_17, %dma_wait3A_46] : memref<2560x128xi32, #tpu.memory_space<hbm>> -> memref<8x128xi32, #tpu.memory_space<hbm>>
        tpu.wait_dma2 semaphore(%run_scoped3A : memref<!tpu.dma_semaphore, #tpu.memory_space<semaphore_mem>>) src(%dma_wait3A_47 : memref<8x128xi32, #tpu.memory_space<hbm>>) dst(%dma_wait3A_45 : memref<8x128xi32, #tpu.memory_space<vmem>>)
        tpu.yield
      }) : () -> ()
      %dma_start3A = arith.constant 0 : i32
      %dma_start3A_18 = arith.constant 0 : i32
      %dma_start3A_19 = tpu.memref_slice %arg8[%dma_start3A, %dma_start3A_18] : memref<40x128xi32, #tpu.memory_space<vmem>> -> memref<1x128xi32, #tpu.memory_space<vmem>>
      %dma_start3A_20 = tpu.memref_squeeze %dma_start3A_19 : memref<1x128xi32, #tpu.memory_space<vmem>> -> memref<128xi32, #tpu.memory_space<vmem>>
      %dma_start3A_21 = arith.constant 0 : i32
      %dma_start3A_22 = arith.constant 0 : i32
      %dma_start3A_23 = tpu.memref_slice %arg2[%dma_start3A_21, %dma_start3A_22] : memref<10000x128xf32, #tpu.memory_space<hbm>> -> memref<10000x128xf32, #tpu.memory_space<hbm>>
      tpu.enqueue_indirect_dma source(%dma_start3A_23 : memref<10000x128xf32, #tpu.memory_space<hbm>>) target(%arg10 : memref<128x128xf32, #tpu.memory_space<vmem>>) offsets(%dma_start3A_20 : memref<128xi32, #tpu.memory_space<vmem>>) semaphore(%arg12 : memref<!tpu.dma_semaphore, #tpu.memory_space<semaphore_mem>>)
      %scan3A = arith.constant 0 : i32
      %scan3A_24 = arith.constant 0 : i32
      %scan3A_25 = arith.constant 4 : i32
      %scan3A_26 = arith.addi %scan3A_24, %scan3A_25 : i32
      %scan3A_27 = arith.constant 1 : i32
      scf.for %scan3A_29 = %scan3A_24 to %scan3A_26 step %scan3A_27  : i32 {
        %mul3A_30 = arith.constant 2 : i32
        %mul3A_31 = arith.muli %mul3A_30, %scan3A_29 : i32
        %add3A_32 = arith.constant 1 : i32
        %add3A_33 = arith.addi %mul3A_31, %add3A_32 : i32
        %dma_start3A_34 = arith.constant 0 : i32
        %dma_start3A_35 = tpu.memref_slice %arg8[%add3A_33, %dma_start3A_34] : memref<40x128xi32, #tpu.memory_space<vmem>> -> memref<1x128xi32, #tpu.memory_space<vmem>>
        %dma_start3A_36 = tpu.memref_squeeze %dma_start3A_35 : memref<1x128xi32, #tpu.memory_space<vmem>> -> memref<128xi32, #tpu.memory_space<vmem>>
        %dma_start3A_37 = arith.constant 0 : i32
        %dma_start3A_38 = arith.constant 0 : i32
        %dma_start3A_39 = tpu.memref_slice %arg2[%dma_start3A_37, %dma_start3A_38] : memref<10000x128xf32, #tpu.memory_space<hbm>> -> memref<10000x128xf32, #tpu.memory_space<hbm>>
        tpu.enqueue_indirect_dma source(%dma_start3A_39 : memref<10000x128xf32, #tpu.memory_space<hbm>>) target(%arg11 : memref<128x128xf32, #tpu.memory_space<vmem>>) offsets(%dma_start3A_36 : memref<128xi32, #tpu.memory_space<vmem>>) semaphore(%arg13 : memref<!tpu.dma_semaphore, #tpu.memory_space<semaphore_mem>>)
        %dma_wait3A = arith.constant 0 : i32
        %dma_wait3A_40 = tpu.memref_slice %arg8[%mul3A_31, %dma_wait3A] : memref<40x128xi32, #tpu.memory_space<vmem>> -> memref<1x128xi32, #tpu.memory_space<vmem>>
        %dma_wait3A_41 = tpu.memref_squeeze %dma_wait3A_40 : memref<1x128xi32, #tpu.memory_space<vmem>> -> memref<128xi32, #tpu.memory_space<vmem>>
        %dma_wait3A_42 = arith.constant 0 : i32
        %dma_wait3A_43 = arith.constant 0 : i32
        %dma_wait3A_44 = tpu.memref_slice %arg2[%dma_wait3A_42, %dma_wait3A_43] : memref<10000x128xf32, #tpu.memory_space<hbm>> -> memref<10000x128xf32, #tpu.memory_space<hbm>>
        tpu.wait_indirect_dma semaphore(%arg12 : memref<!tpu.dma_semaphore, #tpu.memory_space<semaphore_mem>>) src(%dma_wait3A_44 : memref<10000x128xf32, #tpu.memory_space<hbm>>) dst(%arg10 : memref<128x128xf32, #tpu.memory_space<vmem>>)
        "tpu.region"() ({
          %run_scoped3A = tpu.sem_alloc : memref<!tpu.dma_semaphore, #tpu.memory_space<semaphore_mem>>
          %dma_start3A_61 = arith.constant 0 : i32
          %dma_start3A_62 = tpu.memref_slice %arg9[%mul3A_31, %dma_start3A_61] : memref<40x128xi32, #tpu.memory_space<vmem>> -> memref<1x128xi32, #tpu.memory_space<vmem>>
          %dma_start3A_63 = tpu.memref_squeeze %dma_start3A_62 : memref<1x128xi32, #tpu.memory_space<vmem>> -> memref<128xi32, #tpu.memory_space<vmem>>
          %dma_start3A_64 = arith.constant 0 : i32
          %dma_start3A_65 = arith.constant 0 : i32
          %dma_start3A_66 = tpu.memref_slice %arg7[%dma_start3A_64, %dma_start3A_65] : memref<10240x128xf32, #tpu.memory_space<vmem_shared>> -> memref<10240x128xf32, #tpu.memory_space<vmem_shared>>
          tpu.enqueue_indirect_dma source(%arg10 : memref<128x128xf32, #tpu.memory_space<vmem>>) target(%dma_start3A_66 : memref<10240x128xf32, #tpu.memory_space<vmem_shared>>) offsets(%dma_start3A_63 : memref<128xi32, #tpu.memory_space<vmem>>) semaphore(%run_scoped3A : memref<!tpu.dma_semaphore, #tpu.memory_space<semaphore_mem>>) {add = true}
          %dma_wait3A_67 = arith.constant 0 : i32
          %dma_wait3A_68 = tpu.memref_slice %arg9[%mul3A_31, %dma_wait3A_67] : memref<40x128xi32, #tpu.memory_space<vmem>> -> memref<1x128xi32, #tpu.memory_space<vmem>>
          %dma_wait3A_69 = tpu.memref_squeeze %dma_wait3A_68 : memref<1x128xi32, #tpu.memory_space<vmem>> -> memref<128xi32, #tpu.memory_space<vmem>>
          %dma_wait3A_70 = arith.constant 0 : i32
          %dma_wait3A_71 = arith.constant 0 : i32
          %dma_wait3A_72 = tpu.memref_slice %arg7[%dma_wait3A_70, %dma_wait3A_71] : memref<10240x128xf32, #tpu.memory_space<vmem_shared>> -> memref<10240x128xf32, #tpu.memory_space<vmem_shared>>
          tpu.wait_indirect_dma semaphore(%run_scoped3A : memref<!tpu.dma_semaphore, #tpu.memory_space<semaphore_mem>>) src(%arg10 : memref<128x128xf32, #tpu.memory_space<vmem>>) dst(%dma_wait3A_72 : memref<10240x128xf32, #tpu.memory_space<vmem_shared>>)
          tpu.yield
        }) : () -> ()
        %add3A_45 = arith.constant 2 : i32
        %add3A_46 = arith.addi %mul3A_31, %add3A_45 : i32
        %lt3A = arith.constant 8 : i32
        %lt3A_47 = arith.cmpi slt, %add3A_46, %lt3A : i32
        %convert_element_type3A_48 = arith.extui %lt3A_47 : i1 to i32
        %cond3A_49 = arith.constant 0 : i32
        %cond3A_50 = arith.cmpi ne, %convert_element_type3A_48, %cond3A_49 : i32
        scf.if %cond3A_50 {
          %add3A_61 = arith.constant 2 : i32
          %add3A_62 = arith.addi %mul3A_31, %add3A_61 : i32
          %dma_start3A_63 = arith.constant 0 : i32
          %dma_start3A_64 = tpu.memref_slice %arg8[%add3A_62, %dma_start3A_63] : memref<40x128xi32, #tpu.memory_space<vmem>> -> memref<1x128xi32, #tpu.memory_space<vmem>>
          %dma_start3A_65 = tpu.memref_squeeze %dma_start3A_64 : memref<1x128xi32, #tpu.memory_space<vmem>> -> memref<128xi32, #tpu.memory_space<vmem>>
          %dma_start3A_66 = arith.constant 0 : i32
          %dma_start3A_67 = arith.constant 0 : i32
          %dma_start3A_68 = tpu.memref_slice %arg2[%dma_start3A_66, %dma_start3A_67] : memref<10000x128xf32, #tpu.memory_space<hbm>> -> memref<10000x128xf32, #tpu.memory_space<hbm>>
          tpu.enqueue_indirect_dma source(%dma_start3A_68 : memref<10000x128xf32, #tpu.memory_space<hbm>>) target(%arg10 : memref<128x128xf32, #tpu.memory_space<vmem>>) offsets(%dma_start3A_65 : memref<128xi32, #tpu.memory_space<vmem>>) semaphore(%arg12 : memref<!tpu.dma_semaphore, #tpu.memory_space<semaphore_mem>>)
        } else {
        }
        %add3A_51 = arith.constant 1 : i32
        %add3A_52 = arith.addi %mul3A_31, %add3A_51 : i32
        %dma_wait3A_53 = arith.constant 0 : i32
        %dma_wait3A_54 = tpu.memref_slice %arg8[%add3A_52, %dma_wait3A_53] : memref<40x128xi32, #tpu.memory_space<vmem>> -> memref<1x128xi32, #tpu.memory_space<vmem>>
        %dma_wait3A_55 = tpu.memref_squeeze %dma_wait3A_54 : memref<1x128xi32, #tpu.memory_space<vmem>> -> memref<128xi32, #tpu.memory_space<vmem>>
        %dma_wait3A_56 = arith.constant 0 : i32
        %dma_wait3A_57 = arith.constant 0 : i32
        %dma_wait3A_58 = tpu.memref_slice %arg2[%dma_wait3A_56, %dma_wait3A_57] : memref<10000x128xf32, #tpu.memory_space<hbm>> -> memref<10000x128xf32, #tpu.memory_space<hbm>>
        tpu.wait_indirect_dma semaphore(%arg13 : memref<!tpu.dma_semaphore, #tpu.memory_space<semaphore_mem>>) src(%dma_wait3A_58 : memref<10000x128xf32, #tpu.memory_space<hbm>>) dst(%arg11 : memref<128x128xf32, #tpu.memory_space<vmem>>)
        %add3A_59 = arith.constant 1 : i32
        %add3A_60 = arith.addi %mul3A_31, %add3A_59 : i32
        "tpu.region"() ({
          %run_scoped3A = tpu.sem_alloc : memref<!tpu.dma_semaphore, #tpu.memory_space<semaphore_mem>>
          %dma_start3A_61 = arith.constant 0 : i32
          %dma_start3A_62 = tpu.memref_slice %arg9[%add3A_60, %dma_start3A_61] : memref<40x128xi32, #tpu.memory_space<vmem>> -> memref<1x128xi32, #tpu.memory_space<vmem>>
          %dma_start3A_63 = tpu.memref_squeeze %dma_start3A_62 : memref<1x128xi32, #tpu.memory_space<vmem>> -> memref<128xi32, #tpu.memory_space<vmem>>
          %dma_start3A_64 = arith.constant 0 : i32
          %dma_start3A_65 = arith.constant 0 : i32
          %dma_start3A_66 = tpu.memref_slice %arg7[%dma_start3A_64, %dma_start3A_65] : memref<10240x128xf32, #tpu.memory_space<vmem_shared>> -> memref<10240x128xf32, #tpu.memory_space<vmem_shared>>
          tpu.enqueue_indirect_dma source(%arg11 : memref<128x128xf32, #tpu.memory_space<vmem>>) target(%dma_start3A_66 : memref<10240x128xf32, #tpu.memory_space<vmem_shared>>) offsets(%dma_start3A_63 : memref<128xi32, #tpu.memory_space<vmem>>) semaphore(%run_scoped3A : memref<!tpu.dma_semaphore, #tpu.memory_space<semaphore_mem>>) {add = true}
          %dma_wait3A_67 = arith.constant 0 : i32
          %dma_wait3A_68 = tpu.memref_slice %arg9[%add3A_60, %dma_wait3A_67] : memref<40x128xi32, #tpu.memory_space<vmem>> -> memref<1x128xi32, #tpu.memory_space<vmem>>
          %dma_wait3A_69 = tpu.memref_squeeze %dma_wait3A_68 : memref<1x128xi32, #tpu.memory_space<vmem>> -> memref<128xi32, #tpu.memory_space<vmem>>
          %dma_wait3A_70 = arith.constant 0 : i32
          %dma_wait3A_71 = arith.constant 0 : i32
          %dma_wait3A_72 = tpu.memref_slice %arg7[%dma_wait3A_70, %dma_wait3A_71] : memref<10240x128xf32, #tpu.memory_space<vmem_shared>> -> memref<10240x128xf32, #tpu.memory_space<vmem_shared>>
          tpu.wait_indirect_dma semaphore(%run_scoped3A : memref<!tpu.dma_semaphore, #tpu.memory_space<semaphore_mem>>) src(%arg11 : memref<128x128xf32, #tpu.memory_space<vmem>>) dst(%dma_wait3A_72 : memref<10240x128xf32, #tpu.memory_space<vmem_shared>>)
          tpu.yield
        }) : () -> ()
      }
      %scan3A_28 = arith.constant 4 : i32
    } else {
    }
    %barrier3A_8 = arith.constant 0 : index
    tpu.barrier barrier_id(%barrier3A_8)
    %mul3A_9 = arith.constant 640 : i32
    %mul3A_10 = arith.muli %arg1, %mul3A_9 : i32
    %mul3A_11 = arith.constant 640 : i32
    %mul3A_12 = arith.muli %arg1, %mul3A_11 : i32
    "tpu.region"() ({
      %run_scoped3A = tpu.sem_alloc : memref<!tpu.dma_semaphore, #tpu.memory_space<semaphore_mem>>
      %dma_start3A = arith.constant 0 : i32
      %dma_start3A_13 = tpu.memref_slice %arg6[%arg0, %mul3A_12, %dma_start3A] : memref<2x10240x128xf32, #tpu.memory_space<hbm>> -> memref<1x640x128xf32, #tpu.memory_space<hbm>>
      %dma_start3A_14 = tpu.memref_squeeze %dma_start3A_13 : memref<1x640x128xf32, #tpu.memory_space<hbm>> -> memref<640x128xf32, #tpu.memory_space<hbm>>
      %dma_start3A_15 = arith.constant 0 : i32
      %dma_start3A_16 = tpu.memref_slice %arg7[%mul3A_10, %dma_start3A_15] : memref<10240x128xf32, #tpu.memory_space<vmem_shared>> -> memref<640x128xf32, #tpu.memory_space<vmem_shared>>
      tpu.enqueue_dma source(%dma_start3A_16 : memref<640x128xf32, #tpu.memory_space<vmem_shared>>) target(%dma_start3A_14 : memref<640x128xf32, #tpu.memory_space<hbm>>) target_semaphore(%run_scoped3A : memref<!tpu.dma_semaphore, #tpu.memory_space<semaphore_mem>>)
      %dma_wait3A = arith.constant 0 : i32
      %dma_wait3A_17 = tpu.memref_slice %arg6[%arg0, %mul3A_12, %dma_wait3A] : memref<2x10240x128xf32, #tpu.memory_space<hbm>> -> memref<1x640x128xf32, #tpu.memory_space<hbm>>
      %dma_wait3A_18 = tpu.memref_squeeze %dma_wait3A_17 : memref<1x640x128xf32, #tpu.memory_space<hbm>> -> memref<640x128xf32, #tpu.memory_space<hbm>>
      %dma_wait3A_19 = arith.constant 0 : i32
      %dma_wait3A_20 = tpu.memref_slice %arg7[%mul3A_10, %dma_wait3A_19] : memref<10240x128xf32, #tpu.memory_space<vmem_shared>> -> memref<640x128xf32, #tpu.memory_space<vmem_shared>>
      tpu.wait_dma2 semaphore(%run_scoped3A : memref<!tpu.dma_semaphore, #tpu.memory_space<semaphore_mem>>) src(%dma_wait3A_20 : memref<640x128xf32, #tpu.memory_space<vmem_shared>>) dst(%dma_wait3A_18 : memref<640x128xf32, #tpu.memory_space<hbm>>)
      tpu.yield
    }) : () -> ()
    return
  }
}

module attributes {stable_mosaic.version = 14 : i64} {
  func.func @_mm1_body(%arg0: i32, %arg1: memref<2000x128xf32, #tpu.memory_space<vmem>>, %arg2: memref<128x128xf32, #tpu.memory_space<vmem>>, %arg3: memref<2000x16xf32, #tpu.memory_space<vmem>>, %arg4: memref<2000x16xf32, #tpu.memory_space<vmem>>, %arg5: memref<2000x128xf32, #tpu.memory_space<vmem>>, %arg6: memref<2000x16xf32, #tpu.memory_space<vmem>>) attributes {dimension_semantics = [#tpu.dimension_semantics<arbitrary>], iteration_bounds = array<i64: 5>, scalar_prefetch = 0 : i64, scratch_operands = 0 : i64, tpu.core_type = #tpu.core_type<tc>, window_params = [{transform_indices = @transform_0, window_bounds = array<i64: 2000, 128>}, {pipeline_mode = #tpu.pipeline_mode<synchronous>, transform_indices = @transform_1, window_bounds = array<i64: 128, 128>}, {transform_indices = @transform_2, window_bounds = array<i64: 2000, 16>}, {transform_indices = @transform_3, window_bounds = array<i64: 2000, 16>}, {transform_indices = @transform_4, window_bounds = array<i64: 2000, 128>}, {transform_indices = @transform_5, window_bounds = array<i64: 2000, 16>}]} {
    %get3A = arith.constant 0 : index
    %get3A_0 = arith.constant 0 : index
    %get3A_1 = vector.load %arg3[%get3A, %get3A_0] : memref<2000x16xf32, #tpu.memory_space<vmem>>, vector<2000x16xf32>
    %get3A_2 = arith.constant 0 : index
    %get3A_3 = arith.constant 0 : index
    %get3A_4 = vector.load %arg4[%get3A_2, %get3A_3] : memref<2000x16xf32, #tpu.memory_space<vmem>>, vector<2000x16xf32>
    %add3A = arith.addf %get3A_1, %get3A_4 : vector<2000x16xf32>
    %add3A_5 = arith.constant 1.000000e+00 : f32
    %add3A_6 = vector.broadcast %add3A_5 : f32 to vector<2000x16xf32>
    %add3A_7 = arith.addf %add3A, %add3A_6 : vector<2000x16xf32>
    %rsqrt3A = math.rsqrt %add3A_7 : vector<2000x16xf32>
    %get3A_8 = arith.constant 0 : index
    %get3A_9 = arith.constant 0 : index
    %get3A_10 = vector.load %arg1[%get3A_8, %get3A_9] : memref<2000x128xf32, #tpu.memory_space<vmem>>, vector<2000x128xf32>
    %get3A_11 = arith.constant 0 : index
    %get3A_12 = arith.constant 0 : index
    %get3A_13 = vector.load %arg2[%get3A_11, %get3A_12] : memref<128x128xf32, #tpu.memory_space<vmem>>, vector<128x128xf32>
    %dot_general3A = arith.constant dense<0.000000e+00> : vector<2000x128xf32>
    %dot_general3A_14 = tpu.matmul %get3A_10, %get3A_13, %dot_general3A {dimension_numbers = #tpu.dot_dimension_numbers<[1], [0], [0], [1], [0, 0, 1, 1], [], []>, transpose_lhs_hint = false} : vector<2000x128xf32>, vector<128x128xf32>, vector<2000x128xf32> -> vector<2000x128xf32>
    %slice3A = vector.extract_strided_slice %rsqrt3A {offsets = [0, 0], sizes = [2000, 1], strides = [1, 1]} : vector<2000x16xf32> to vector<2000x1xf32>
    %mul3A = vector.broadcast %slice3A : vector<2000x1xf32> to vector<2000x128xf32>
    %mul3A_15 = arith.mulf %dot_general3A_14, %mul3A : vector<2000x128xf32>
    %swap3A = arith.constant 0 : index
    %swap3A_16 = arith.constant 0 : index
    %swap3A_17 = vector.load %arg5[%swap3A, %swap3A_16] : memref<2000x128xf32, #tpu.memory_space<vmem>>, vector<2000x128xf32>
    tpu.vector_store %arg5[%swap3A, %swap3A_16], %mul3A_15 {strides = array<i32>} : memref<2000x128xf32, #tpu.memory_space<vmem>>, vector<2000x128xf32>,
    %swap3A_18 = arith.constant 0 : index
    %swap3A_19 = arith.constant 0 : index
    %swap3A_20 = vector.load %arg6[%swap3A_18, %swap3A_19] : memref<2000x16xf32, #tpu.memory_space<vmem>>, vector<2000x16xf32>
    tpu.vector_store %arg6[%swap3A_18, %swap3A_19], %rsqrt3A {strides = array<i32>} : memref<2000x16xf32, #tpu.memory_space<vmem>>, vector<2000x16xf32>,
    return
  }
  func.func @transform_0(%arg0: i32) -> (i32, i32) {
    %c0_i32 = arith.constant 0 : i32
    %c0_i32_0 = arith.constant 0 : i32
    return %arg0, %c0_i32 : i32, i32
  }
  func.func @transform_1(%arg0: i32) -> (i32, i32) {
    %c0_i32 = arith.constant 0 : i32
    %c0_i32_0 = arith.constant 0 : i32
    %c0_i32_1 = arith.constant 0 : i32
    return %c0_i32, %c0_i32_0 : i32, i32
  }
  func.func @transform_2(%arg0: i32) -> (i32, i32) {
    %c0_i32 = arith.constant 0 : i32
    %c0_i32_0 = arith.constant 0 : i32
    return %arg0, %c0_i32 : i32, i32
  }
  func.func @transform_3(%arg0: i32) -> (i32, i32) {
    %c0_i32 = arith.constant 0 : i32
    %c0_i32_0 = arith.constant 0 : i32
    return %arg0, %c0_i32 : i32, i32
  }
  func.func @transform_4(%arg0: i32) -> (i32, i32) {
    %c0_i32 = arith.constant 0 : i32
    %c0_i32_0 = arith.constant 0 : i32
    return %arg0, %c0_i32 : i32, i32
  }
  func.func @transform_5(%arg0: i32) -> (i32, i32) {
    %c0_i32 = arith.constant 0 : i32
    %c0_i32_0 = arith.constant 0 : i32
    return %arg0, %c0_i32 : i32, i32
  }
}

module attributes {stable_mosaic.version = 14 : i64} {
  func.func @_mm2_body(%arg0: i32, %arg1: memref<2000x128xf32, #tpu.memory_space<vmem>>, %arg2: memref<2000x128xf32, #tpu.memory_space<vmem>>, %arg3: memref<2000x128xf32, #tpu.memory_space<vmem>>, %arg4: memref<2000x16xf32, #tpu.memory_space<vmem>>, %arg5: memref<1x128xf32, #tpu.memory_space<vmem>>, %arg6: memref<128x128xf32, #tpu.memory_space<vmem>>, %arg7: memref<2000x128xf32, #tpu.memory_space<vmem>>) attributes {dimension_semantics = [#tpu.dimension_semantics<arbitrary>], iteration_bounds = array<i64: 5>, scalar_prefetch = 0 : i64, scratch_operands = 0 : i64, tpu.core_type = #tpu.core_type<tc>, window_params = [{transform_indices = @transform_0, window_bounds = array<i64: 2000, 128>}, {transform_indices = @transform_1, window_bounds = array<i64: 2000, 128>}, {transform_indices = @transform_2, window_bounds = array<i64: 2000, 128>}, {transform_indices = @transform_3, window_bounds = array<i64: 2000, 16>}, {pipeline_mode = #tpu.pipeline_mode<synchronous>, transform_indices = @transform_4, window_bounds = array<i64: 1, 128>}, {pipeline_mode = #tpu.pipeline_mode<synchronous>, transform_indices = @transform_5, window_bounds = array<i64: 128, 128>}, {transform_indices = @transform_6, window_bounds = array<i64: 2000, 128>}]} {
    %get3A = arith.constant 0 : index
    %get3A_0 = arith.constant 0 : index
    %get3A_1 = vector.load %arg4[%get3A, %get3A_0] : memref<2000x16xf32, #tpu.memory_space<vmem>>, vector<2000x16xf32>
    %slice3A = vector.extract_strided_slice %get3A_1 {offsets = [0, 0], sizes = [2000, 1], strides = [1, 1]} : vector<2000x16xf32> to vector<2000x1xf32>
    %get3A_2 = arith.constant 0 : index
    %get3A_3 = arith.constant 0 : index
    %get3A_4 = vector.load %arg1[%get3A_2, %get3A_3] : memref<2000x128xf32, #tpu.memory_space<vmem>>, vector<2000x128xf32>
    %get3A_5 = arith.constant 0 : index
    %get3A_6 = arith.constant 0 : index
    %get3A_7 = vector.load %arg2[%get3A_5, %get3A_6] : memref<2000x128xf32, #tpu.memory_space<vmem>>, vector<2000x128xf32>
    %add3A = arith.addf %get3A_4, %get3A_7 : vector<2000x128xf32>
    %get3A_8 = arith.constant 0 : index
    %get3A_9 = arith.constant 0 : index
    %get3A_10 = vector.load %arg3[%get3A_8, %get3A_9] : memref<2000x128xf32, #tpu.memory_space<vmem>>, vector<2000x128xf32>
    %add3A_11 = arith.addf %add3A, %get3A_10 : vector<2000x128xf32>
    %mul3A = vector.broadcast %slice3A : vector<2000x1xf32> to vector<2000x128xf32>
    %mul3A_12 = arith.mulf %mul3A, %add3A_11 : vector<2000x128xf32>
    %get3A_13 = arith.constant 0 : index
    %get3A_14 = arith.constant 0 : index
    %get3A_15 = vector.load %arg5[%get3A_13, %get3A_14] : memref<1x128xf32, #tpu.memory_space<vmem>>, vector<1x128xf32>
    %add3A_16 = vector.broadcast %get3A_15 : vector<1x128xf32> to vector<2000x128xf32>
    %add3A_17 = arith.addf %mul3A_12, %add3A_16 : vector<2000x128xf32>
    %max3A = arith.constant 0.000000e+00 : f32
    %max3A_18 = vector.broadcast %max3A : f32 to vector<2000x128xf32>
    %max3A_19 = arith.maximumf %add3A_17, %max3A_18 : vector<2000x128xf32>
    %get3A_20 = arith.constant 0 : index
    %get3A_21 = arith.constant 0 : index
    %get3A_22 = vector.load %arg6[%get3A_20, %get3A_21] : memref<128x128xf32, #tpu.memory_space<vmem>>, vector<128x128xf32>
    %dot_general3A = arith.constant dense<0.000000e+00> : vector<2000x128xf32>
    %dot_general3A_23 = tpu.matmul %max3A_19, %get3A_22, %dot_general3A {dimension_numbers = #tpu.dot_dimension_numbers<[1], [0], [0], [1], [0, 0, 1, 1], [], []>, transpose_lhs_hint = false} : vector<2000x128xf32>, vector<128x128xf32>, vector<2000x128xf32> -> vector<2000x128xf32>
    %mul3A_24 = vector.broadcast %slice3A : vector<2000x1xf32> to vector<2000x128xf32>
    %mul3A_25 = arith.mulf %dot_general3A_23, %mul3A_24 : vector<2000x128xf32>
    %swap3A = arith.constant 0 : index
    %swap3A_26 = arith.constant 0 : index
    %swap3A_27 = vector.load %arg7[%swap3A, %swap3A_26] : memref<2000x128xf32, #tpu.memory_space<vmem>>, vector<2000x128xf32>
    tpu.vector_store %arg7[%swap3A, %swap3A_26], %mul3A_25 {strides = array<i32>} : memref<2000x128xf32, #tpu.memory_space<vmem>>, vector<2000x128xf32>,
    return
  }
  func.func @transform_0(%arg0: i32) -> (i32, i32) {
    %c0_i32 = arith.constant 0 : i32
    %c0_i32_0 = arith.constant 0 : i32
    return %arg0, %c0_i32 : i32, i32
  }
  func.func @transform_1(%arg0: i32) -> (i32, i32) {
    %c0_i32 = arith.constant 0 : i32
    %c0_i32_0 = arith.constant 0 : i32
    return %arg0, %c0_i32 : i32, i32
  }
  func.func @transform_2(%arg0: i32) -> (i32, i32) {
    %c0_i32 = arith.constant 0 : i32
    %c0_i32_0 = arith.constant 0 : i32
    return %arg0, %c0_i32 : i32, i32
  }
  func.func @transform_3(%arg0: i32) -> (i32, i32) {
    %c0_i32 = arith.constant 0 : i32
    %c0_i32_0 = arith.constant 0 : i32
    return %arg0, %c0_i32 : i32, i32
  }
  func.func @transform_4(%arg0: i32) -> (i32, i32) {
    %c0_i32 = arith.constant 0 : i32
    %c0_i32_0 = arith.constant 0 : i32
    %c0_i32_1 = arith.constant 0 : i32
    return %c0_i32, %c0_i32_0 : i32, i32
  }
  func.func @transform_5(%arg0: i32) -> (i32, i32) {
    %c0_i32 = arith.constant 0 : i32
    %c0_i32_0 = arith.constant 0 : i32
    %c0_i32_1 = arith.constant 0 : i32
    return %c0_i32, %c0_i32_0 : i32, i32
  }
  func.func @transform_6(%arg0: i32) -> (i32, i32) {
    %c0_i32 = arith.constant 0 : i32
    %c0_i32_0 = arith.constant 0 : i32
    return %arg0, %c0_i32 : i32, i32
  }
}

module attributes {stable_mosaic.version = 14 : i64} {
  func.func @_final_body(%arg0: i32, %arg1: memref<2000x128xf32, #tpu.memory_space<vmem>>, %arg2: memref<2000x128xf32, #tpu.memory_space<vmem>>, %arg3: memref<2000x128xf32, #tpu.memory_space<vmem>>, %arg4: memref<2000x16xf32, #tpu.memory_space<vmem>>, %arg5: memref<1x128xf32, #tpu.memory_space<vmem>>, %arg6: memref<2000x128xf32, #tpu.memory_space<vmem>>) attributes {dimension_semantics = [#tpu.dimension_semantics<arbitrary>], iteration_bounds = array<i64: 5>, scalar_prefetch = 0 : i64, scratch_operands = 0 : i64, tpu.core_type = #tpu.core_type<tc>, window_params = [{transform_indices = @transform_0, window_bounds = array<i64: 2000, 128>}, {transform_indices = @transform_1, window_bounds = array<i64: 2000, 128>}, {transform_indices = @transform_2, window_bounds = array<i64: 2000, 128>}, {transform_indices = @transform_3, window_bounds = array<i64: 2000, 16>}, {pipeline_mode = #tpu.pipeline_mode<synchronous>, transform_indices = @transform_4, window_bounds = array<i64: 1, 128>}, {transform_indices = @transform_5, window_bounds = array<i64: 2000, 128>}]} {
    %get3A = arith.constant 0 : index
    %get3A_0 = arith.constant 0 : index
    %get3A_1 = vector.load %arg4[%get3A, %get3A_0] : memref<2000x16xf32, #tpu.memory_space<vmem>>, vector<2000x16xf32>
    %slice3A = vector.extract_strided_slice %get3A_1 {offsets = [0, 0], sizes = [2000, 1], strides = [1, 1]} : vector<2000x16xf32> to vector<2000x1xf32>
    %get3A_2 = arith.constant 0 : index
    %get3A_3 = arith.constant 0 : index
    %get3A_4 = vector.load %arg1[%get3A_2, %get3A_3] : memref<2000x128xf32, #tpu.memory_space<vmem>>, vector<2000x128xf32>
    %get3A_5 = arith.constant 0 : index
    %get3A_6 = arith.constant 0 : index
    %get3A_7 = vector.load %arg2[%get3A_5, %get3A_6] : memref<2000x128xf32, #tpu.memory_space<vmem>>, vector<2000x128xf32>
    %add3A = arith.addf %get3A_4, %get3A_7 : vector<2000x128xf32>
    %get3A_8 = arith.constant 0 : index
    %get3A_9 = arith.constant 0 : index
    %get3A_10 = vector.load %arg3[%get3A_8, %get3A_9] : memref<2000x128xf32, #tpu.memory_space<vmem>>, vector<2000x128xf32>
    %add3A_11 = arith.addf %add3A, %get3A_10 : vector<2000x128xf32>
    %mul3A = vector.broadcast %slice3A : vector<2000x1xf32> to vector<2000x128xf32>
    %mul3A_12 = arith.mulf %mul3A, %add3A_11 : vector<2000x128xf32>
    %get3A_13 = arith.constant 0 : index
    %get3A_14 = arith.constant 0 : index
    %get3A_15 = vector.load %arg5[%get3A_13, %get3A_14] : memref<1x128xf32, #tpu.memory_space<vmem>>, vector<1x128xf32>
    %add3A_16 = vector.broadcast %get3A_15 : vector<1x128xf32> to vector<2000x128xf32>
    %add3A_17 = arith.addf %mul3A_12, %add3A_16 : vector<2000x128xf32>
    %swap3A = arith.constant 0 : index
    %swap3A_18 = arith.constant 0 : index
    %swap3A_19 = vector.load %arg6[%swap3A, %swap3A_18] : memref<2000x128xf32, #tpu.memory_space<vmem>>, vector<2000x128xf32>
    tpu.vector_store %arg6[%swap3A, %swap3A_18], %add3A_17 {strides = array<i32>} : memref<2000x128xf32, #tpu.memory_space<vmem>>, vector<2000x128xf32>,
    return
  }
  func.func @transform_0(%arg0: i32) -> (i32, i32) {
    %c0_i32 = arith.constant 0 : i32
    %c0_i32_0 = arith.constant 0 : i32
    return %arg0, %c0_i32 : i32, i32
  }
  func.func @transform_1(%arg0: i32) -> (i32, i32) {
    %c0_i32 = arith.constant 0 : i32
    %c0_i32_0 = arith.constant 0 : i32
    return %arg0, %c0_i32 : i32, i32
  }
  func.func @transform_2(%arg0: i32) -> (i32, i32) {
    %c0_i32 = arith.constant 0 : i32
    %c0_i32_0 = arith.constant 0 : i32
    return %arg0, %c0_i32 : i32, i32
  }
  func.func @transform_3(%arg0: i32) -> (i32, i32) {
    %c0_i32 = arith.constant 0 : i32
    %c0_i32_0 = arith.constant 0 : i32
    return %arg0, %c0_i32 : i32, i32
  }
  func.func @transform_4(%arg0: i32) -> (i32, i32) {
    %c0_i32 = arith.constant 0 : i32
    %c0_i32_0 = arith.constant 0 : i32
    %c0_i32_1 = arith.constant 0 : i32
    return %c0_i32, %c0_i32_0 : i32, i32
  }
  func.func @transform_5(%arg0: i32) -> (i32, i32) {
    %c0_i32 = arith.constant 0 : i32
    %c0_i32_0 = arith.constant 0 : i32
    return %arg0, %c0_i32 : i32, i32
  }
}

</mosaic_0001>

<sc_bundles>
// kernel: kernel.11.cloned.1.call-start
scs
__scs_entry_jumppad:
0x0: {  	(pc) =	sbr.rel $0x88, $3  }
0x1: {  	(tag) =	ssettag $0x0;
	lr =	simm.s32 $0x1  }
0x2: {  	[smem:$0x3F9B] =	sst lr;
	_ =	strace $0xD0000000  }
0x3: {  	_ = 	snop  }
0x4: {  	_ = 	snop  }
0x5: {  	_ = 	snop  }
0x6: {  	_ = 	snop  }
0x7: {  	_ = 	snop  }
__scs_overlays_trampoline_lowered:
0x8: {  	[smem:$0x3FAA] =	sst s0  }
0x9: {  	[smem:$0x3FAB] =	sst s1  }
0xa: {  	[smem:$0x3FAC] =	sst s2  }
0xb: {  	[smem:$0x3FAD] =	sst s3  }
0xc: {  	[smem:$0x3FAE] =	sst s4  }
0xd: {  	[smem:$0x3FAF] =	sst s5  }
0xe: {  	[smem:$0x3FB0] =	sst s6  }
0xf: {  	[smem:$0x3FB1] =	sst s7  }
0x10: {  	[smem:$0x3FB2] =	sst s8  }
0x11: {  	[smem:$0x3FB3] =	sst s9;
	s0 =	simm.s32 @!p0 $0x0  }
0x12: {  	s1 =	sld [smem:$0x3F99];
	s0 =	simm.s32 @p0 $0x1  }
0x13: {  	[smem:$0x3FB4] =	sst s0;
	s0 =	simm.s32 @!p1 $0x0  }
0x14: {  	s2 =	sld [smem:$0x3F98];
	s0 =	simm.s32 @p1 $0x1  }
0x15: {  	[smem:$0x3FB5] =	sst s0;
	s0 =	simm.s32 @!p2 $0x0  }
0x16: {  	s3 =	sld [smem:$0x3FDB];
	s0 =	simm.s32 @p2 $0x1  }
0x17: {  	s4 =	simm.s32 $0x1BF5;
	[smem:$0x3FB7] =	sst s0  }
0x18: {  	s0 =	sld [smem:$0x3F9A];
	_ =	swait.ge [sflag:s4], $0x0  }
0x19: {  	s7 =	sld [smem:$0x3F9B]  }
0x1a: {  	s8 =	sadd.s32 $0xFFFFE003, lr  }
0x1b: {  	s9 =	sadd.s32 $0xFFFFFEF7, lr;
	s5 =	simm.s32 $0xFFFFFFFF;
	p2 =	slt.u32 s8, $0xFFFFF086  }
0x1c: {  	p1 =	slt.u32 s9, $0xF7A;
	s5 =	simm.s32 @!p2 $0x0  }
0x1d: {  	s5 =	simm.s32 @p1 $0x1;
	p0 =	seq.s32 s7, s2  }
0x1e: {  	s7 =	smul.u32 @!p0 $0xF7A, s2;
	p2 =	seq.s32 @!p0 s5, $0x0  }
0x1f: {  	s9 =	smul.u32 $0xF7A, s1;
	s8 =	simm.s32 @!p0 $0x1BF5;
	p2 =	por !p2, p0  }
0x20: {  	[sflag:s8] =	ssyncset.s32 @!p0 $0xFFFFF086;
	s6 =	sadd.s32 @!p0 s3, s7;
	s7 =	simm.s32 @!p0 $0x108  }
0x21: {  	s3 =	sadd.s32 s3, s9;
	s6 =	sadd.s32 @!p0 $0x88, s6;
	s7 =	simm.s32 @p2 $0x1082  }
0x22: {  	[simem:s7], [sflag:s8] =	dma.local @!p0 [hbm:s6], $0xF7A  }
0x23: {  	s9 =	sor.u32 $0xD0000000, s2;
	s6 =	simm.s32 $0x108;
	_ =	swait.ge @!p0 [sflag:s8], $0x0  }
0x24: {  	s3 =	sadd.s32 $0x88, s3;
	s6 =	simm.s32 @!p1 $0x1082;
	[sflag:s4] =	ssyncset.s32 $0xFFFFF086  }
0x25: {  	[simem:s6], [sflag:s4] =	dma.local [hbm:s3], $0xF7A  }
0x26: {  	[smem:$0x3F9B] =	sst s1;
	(tag) =	ssettag s2;
	_ =	strace s9  }
0x27: {  	s1 =	sld [smem:$0x3FAB]  }
0x28: {  	s2 =	sld [smem:$0x3FAC]  }
0x29: {  	s4 =	sld [smem:$0x3FAE]  }
0x2a: {  	p0 =	seq.s32 s5, $0x0;
	s5 =	sld [smem:$0x3FAF]  }
0x2b: {  	s6 =	sld [smem:$0x3FB0]  }
0x2c: {  	s7 =	sld [smem:$0x3FB1]  }
0x2d: {  	s3 =	simm.s32 $0x108;
	s8 =	sld [smem:$0x3FB2]  }
0x2e: {  	s3 =	simm.s32 @!p0 $0x1082;
	s9 =	sld [smem:$0x3FB3]  }
0x2f: {  	lr =	sadd.s32 s0, s3;
	s0 =	sld [smem:$0x3FAA]  }
0x30: {  	s3 =	sld [smem:$0x3FAD]  }
0x31: {  	[smem:$0x3FB6] =	sst s10  }
0x32: {  	s10 =	sld [smem:$0x3FB4];
	_ =	sdelay $0x3  }
0x33: {  	p0 =	seq.s32 s10, $0x1;
	s10 =	sld [smem:$0x3FB6];
	_ =	sdelay $0x3  }
0x34: {  	[smem:$0x3FB6] =	sst s10  }
0x35: {  	s10 =	sld [smem:$0x3FB5];
	_ =	sdelay $0x3  }
0x36: {  	p1 =	seq.s32 s10, $0x1;
	s10 =	sld [smem:$0x3FB6];
	_ =	sdelay $0x3  }
0x37: {  	[smem:$0x3FB6] =	sst s10  }
0x38: {  	s10 =	sld [smem:$0x3FB7]  }
0x39: {  	_ = 	snop;
	(pc) =	sbr.ind lr, $3  }
0x3a: {  	_ = 	snop  }
0x3b: {  	_ = 	snop  }
0x3c: {  	p2 =	seq.s32 s10, $0x1;
	s10 =	sld [smem:$0x3FB6]  }
0x3d: {  	_ =	shalt  }
0x3e: {  	_ =	shalt  }
0x3f: {  	_ =	shalt  }
0x40: {  	_ =	shalt  }
0x41: {  	_ =	shalt  }
0x42: {  	_ =	shalt  }
0x43: {  	_ =	shalt  }
0x44: {  	_ =	shalt  }
0x45: {  	_ =	shalt  }
0x46: {  	_ =	shalt  }
0x47: {  	_ =	shalt  }
0x48: {  	_ =	shalt  }
0x49: {  	_ =	shalt  }
0x4a: {  	_ =	shalt  }
0x4b: {  	_ =	shalt  }
0x4c: {  	_ =	shalt  }
0x4d: {  	_ =	shalt  }
0x4e: {  	_ =	shalt  }
0x4f: {  	_ =	shalt  }
0x50: {  	_ =	shalt  }
0x51: {  	_ =	shalt  }
0x52: {  	_ =	shalt  }
0x53: {  	_ =	shalt  }
0x54: {  	_ =	shalt  }
0x55: {  	_ =	shalt  }
0x56: {  	_ =	shalt  }
0x57: {  	_ =	shalt  }
0x58: {  	_ =	shalt  }
0x59: {  	_ =	shalt  }
0x5a: {  	_ =	shalt  }
0x5b: {  	_ =	shalt  }
0x5c: {  	_ =	shalt  }
0x5d: {  	_ =	shalt  }
0x5e: {  	_ =	shalt  }
0x5f: {  	_ =	shalt  }
0x60: {  	_ =	shalt  }
0x61: {  	_ =	shalt  }
0x62: {  	_ =	shalt  }
0x63: {  	_ =	shalt  }
0x64: {  	_ =	shalt  }
0x65: {  	_ =	shalt  }
0x66: {  	_ =	shalt  }
0x67: {  	_ =	shalt  }
0x68: {  	_ =	shalt  }
0x69: {  	_ =	shalt  }
0x6a: {  	_ =	shalt  }
0x6b: {  	_ =	shalt  }
0x6c: {  	_ =	shalt  }
0x6d: {  	_ =	shalt  }
0x6e: {  	_ =	shalt  }
0x6f: {  	_ =	shalt  }
0x70: {  	_ =	shalt  }
0x71: {  	_ =	shalt  }
0x72: {  	_ =	shalt  }
0x73: {  	_ =	shalt  }
0x74: {  	_ =	shalt  }
0x75: {  	_ =	shalt  }
0x76: {  	_ =	shalt  }
0x77: {  	_ =	shalt  }
0x78: {  	_ =	shalt  }
0x79: {  	_ =	shalt  }
0x7a: {  	_ =	shalt  }
0x7b: {  	_ =	shalt  }
0x7c: {  	_ =	shalt  }
0x7d: {  	_ =	shalt  }
0x7e: {  	_ =	shalt  }
0x7f: {  	_ =	shalt  }
0x80: {  	_ =	shalt  }
0x81: {  	_ =	shalt  }
0x82: {  	_ =	shalt  }
0x83: {  	_ =	shalt  }
0x84: {  	_ =	shalt  }
0x85: {  	_ =	shalt  }
0x86: {  	_ =	shalt  }
0x87: {  	_ =	shalt  }
.Lfunc_end0:
.L_simem_size_0:
called_computation.1_lowered:
.L_overlay_start_0:
0x88: {  	s2 =	sld [smem:$0x3FD9]  }
0x89: {  	s3 =	sld [smem:$0x3FFE];
	_ =	sdelay $0x1  }
0x8a: {  	s1 =	srdreg.scid  }
0x8b: {  	s0 =	sand.u32 $0x1, s1  }
0x8c: {  	s17 =	sshll.u32 s0, $0xA;
	s2 =	sadd.s32 s3, s2  }
0x8d: {  	s2 =	sadd.s32 s2, s17  }
0x8e: {  	[smem:$0x3FC2] =	sst s2  }
0x8f: {  	_ = 	snop  }
0x90: {  	s2 =	sld [smem:$0x3FD0];
	(tm) =	ssettm $0x1  }
0x91: {  	s18 =	sld [smem:$0x3FFB];
	_ =	sdelay $0x3  }
0x92: {  	_ =	strace s18  }
0x93: {  	s3 =	sld [smem:$0x3FFC];
	_ =	sdelay $0x3  }
0x94: {  	_ =	strace s3  }
0x95: {  	s3 =	sld [smem:$0x3FFD];
	_ =	sdelay $0x3  }
0x96: {  	_ =	strace s3  }
0x97: {  	_ =	strace $0x8FFFFFFF  }
0x98: {  	s19 =	sld [smem:$0x3FDB];
	_ =	sdelay $0x1  }
0x99: {  	s4 =	simm.s32 $_scs_section_size  }
0x9a: {  	s5 =	simm.s32 $_size__tile_overlayer_lowered;
	s6 =	simm.s32 $_tile_overlayer_lowered  }
0x9b: {  	s22 =	simm.s32 $0x1BFF;
	s21 =	sshll.u32 s6, $0x1;
	s3 =	sadd.s32 s4, s19  }
0x9c: {  	s7 =	simm.s32 $0x0;
	s20 =	sshll.u32 s5, $0x1;
	s5 =	sadd.s32 s21, s3  }
0x9d: {  	[timem:s7], [sflag:s22] =	dma.local [hbm:s5], s20  }
0x9e: {  	_ =	swait.ge [sflag:s22], s20  }
0x9f: {  	s4 =	ssub.s32 $0x0, s20;
	[sflag:s22] =	ssyncset.done $0x0  }
0xa0: {  	[sflag:s22] =	ssyncadd.s32 s4;
	_ =	sdelay $0x1  }
0xa1: {  	s23 =	simm.s32 $0x1B8B  }
0xa2: {  	_ =	swait.ge [sflag:s23], $0x1  }
0xa3: {  	[sflag:s23] =	ssyncset.done $0x0  }
0xa4: {  	s25 =	simm.s32 $0x1B8E;
	s24 =	sld [smem:$0x3FFE];
	[sflag:s23] =	ssyncadd.s32 $0xFFFFFFFF  }
0xa5: {  	s26 =	simm.s32 $execute0_lowered;
	[smem:$0x3FD2] =	sst s25  }
0xa6: {  	s5 =	sshll.u32 s26, $0x1;
	_ =	strace $0x80000049;
	[dreg:$0x1] =	wrdreg $0xFFFFFFFF  }
0xa7: {  	s28 =	simm.s32 $_size_execute0_lowered;
	s3 =	sadd.s32 s3, s5;
	[dreg:$0x0] =	wrdreg $0x0  }
0xa8: {  	s5 =	sshll.u32 s28, $0x1;
	[dreg:$0x2] =	wrdreg s3  }
0xa9: {  	[dreg:$0x3] =	wrdreg s5  }
0xaa: {  	[dreg:$0x4] =	wrdreg $0xC0  }
0xab: {  	_ =	task [dreg:s7], $0x5FFFF  }
0xac: {  	[dreg:$0x1] =	wrdreg $0xFFFFFFFF  }
0xad: {  	[dreg:$0x0] =	wrdreg $0x60  }
0xae: {  	[dreg:$0x2] =	wrdreg s2  }
0xaf: {  	[dreg:$0x3] =	wrdreg s24  }
0xb0: {  	[dreg:$0x4] =	wrdreg $0x0  }
0xb1: {  	[dreg:$0x5] =	wrdreg $0x9  }
0xb2: {  	_ =	task.clear_ibuf [dreg:s7], $0x6FFFF;
	_ =	strace $0x90000049  }
0xb3: {  	s29 =	simm.s32 $0x9;
	_ =	strace $0x8000004B  }
0xb4: {  	_ =	swait.ge [sflag:s29], $0x1  }
0xb5: {  	[sflag:s29] =	ssyncadd.s32 $0xFFFFFFFF  }
0xb6: {  	_ =	strace $0x9000004B  }
0xb7: {  	_ =	sfence  }
0xb8: {  	s30 =	sld [smem:$0x0];
	_ =	sdelay $0x2  }
0xb9: {  	s31 =	sshll.u32 s1, $0xD;
	s1 =	sshrl.u32 s1, $0x2  }
0xba: {  	s3 =	sand.u32 $0x4000, s31;
	s1 =	sadd.s32 s1, s30  }
0xbb: {  	s0 =	sor.u32 s3, s0;
	s1 =	sshll.u32 s1, $0x11  }
0xbc: {  	s0 =	sor.u32 s1, s0  }
0xbd: {  	s0 =	sadd.s32 $0x8F2B, s0  }
0xbe: {  	[sflag:s0] =	ssyncadd.remote.s32 $0x1  }
0xbf: {  	_ =	sfence.sel $0xFFFF  }
0xc0: {  	[dreg:$0x0] =	wrdreg $0xFFFFFFFF;
	(pc) =	sbr.abs _section_cstart, $3  }
0xc1: {  	[dreg:$0x1] =	wrdreg $0xFFFFFFFF  }
0xc2: {  	_ =	task.clear_ibuf [dreg:s7], $0x2FFFF;
	_ =	strace $0x9FFFFFFF  }
0xc3: {  	(tm) =	ssettm $0x7FFFFFFF  }
tec
execute0_lowered:
.L_overlay_start_1:
0x0: {  	(tag) =	ssettag $0x1  }
0x1: {  	s1 =	rddreg [dreg:$0x0]  }
0x2: {  	s0 =	rddreg [dreg:$0x1]  }
0x3: {  	s2 =	rddreg [dreg:$0x2]  }
0x4: {  	s3 =	srdreg.scid;
	s5 =	simm.s32 $0x0;
	s14 =	stileid.u32  }
0x5: {  	s28 =	simm.s32 $0x1;
	s30 =	simm.s32 $0x2;
	s29 =	simm.s32 $0x15380  }
0x6: {  	s31 =	simm.s32 $0x16700;
	s3 =	sand.u32 $0x1, s3;
	s6 =	smul.u32 $0x14000, s14  }
0x7: {  	[smem:$0x7FF] =	sst s5;
	s8 =	sadd.s32 $0x3600, s0;
	s7 =	smul.u32 $0x50000, s14  }
0x8: {  	s9 =	sadd.s32 $0xD600, s0;
	s5 =	sadd.s32 $0x17600, s0;
	s10 =	smul.u32 $0x980, s14  }
0x9: {  	s11 =	sshll.u32 s14, $0x6;
	s12 =	smul.u32 $0x4C00, s14;
	s16 =	sshll.u32 s14, $0x7  }
0xa: {  	s4 =	smul.u32 $0x140000, s3;
	_ =	strace $0x8000004A;
	s19 =	ssub.s32 $0x2, s3  }
0xb: {  	p0 =	seq.s32 s3, $0x1;
	s26 =	sor.u32 $0x9800, s16;
	s20 =	sshrl.u32 s19, $0x1  }
0xc: {  	s7 =	sshrl.u32 s7, $0x2;
	s21 =	sadd.s32 s8, s10;
	s22 =	sshrl.u32 s12, $0x3  }
0xd: {  	s10 =	sadd.s32 s9, s10;
	s16 =	sadd.s32 s8, s26;
	s17 =	sadd.s32 s9, s26  }
0xe: {  	s26 =	simm.s32 $0x1A800;
	s4 =	sadd.s32 s6, s4;
	[dreg:$0x4] =	wrdreg s21  }
0xf: {  	s6 =	sadd.s32 s7, s2;
	s7 =	sor.u32 $0x1C03, s11;
	[dreg:$0x5] =	wrdreg s10  }
0x10: {  	s23 =	sadd.s32 $0x280, s22;
	s13 =	sadd.s32 $0x500, s22;
	s3 =	sadd.s32 $0x780, s22  }
0x11: {  	s21 =	simm.s32 $0x14000;
	s22 =	simm.s32 $0x15400;
	s4 =	sshrl.u32 s4, $0x3  }
0x12: {  	s24 =	sadd.s32 s8, s23;
	s25 =	sadd.s32 s9, s23;
	s12 =	sadd.s32 s8, s13  }
.Ltmp0:
0x13: {  	s13 =	sadd.s32 s9, s13;
	s14 =	sadd.s32 s8, s3;
	(pc) =	sbr.rel .LBB2_1-.Ltmp0, $4  }
0x14: {  	s15 =	sadd.s32 s9, s3;
	s23 =	simm.s32 $0x80;
	s3 =	simm.s32 $0x0  }
0x15: {  	s0 =	sadd.s32 s4, s0;
	s4 =	ssub.s32 s19, s20;
	[dreg:$0x6] =	wrdreg s24  }
0x16: {  	[dreg:$0x7] =	wrdreg s25;
	s20 =	simm.s32 $0x3;
	s24 =	simm.s32 $0x16800  }
0x17: {  	s18 =	sadd.s32 $0x41000, s0;
	s19 =	smax.u32 s4, $0x1;
	s0 =	simm.s32 $0x16780  }
.LBB2_12:
0x18: {  	[tilespmem:s21], [sflag:$0x3] =	stream.linear.gather [hbm4b:s16+s4], $0x400, $0x38;
	[tilespmem:$0x1E800] =	vst v63  }
0x19: {  	_ =	swait.ge [sflag:s20], $0x400  }
0x1a: {  	[sflag:s20] =	ssyncset.done $0x0  }
0x1b: {  	[sflag:s20] =	ssyncadd.s32 $0xFFFFFC00  }
0x1c: {  	[tilespmem:s22], [sflag:$0x3] =	stream.linear.gather [hbm4b:s17+s4], $0x400, $0x38;
	[tilespmem:$0x1E800] =	vst v63  }
0x1d: {  	_ =	swait.ge [sflag:s20], $0x400  }
0x1e: {  	[sflag:s20] =	ssyncset.done $0x0  }
0x1f: {  	[sflag:s20] =	ssyncadd.s32 $0xFFFFFC00  }
0x20: {  	[tilespmem:s24], [sflag:$0x1] =	stream.indirect.gather [hbm4b:s1+s23], $0x80, s21, s23, $0xb8;
	[tilespmem:$0x1E800] =	vst v63  }
0x21: {  	s9 =	simm.s32 $0x14080  }
0x22: {  	[tilespmem:s26], [sflag:$0x2] =	stream.indirect.gather [hbm4b:s1+s23], $0x80, s9, s23, $0xb8;
	[tilespmem:$0x1E800] =	vst v63  }
0x23: {  	_ =	swait.ge [sflag:s28], $0x4000  }
0x24: {  	[sflag:s28] =	ssyncset.done $0x0  }
0x25: {  	[sflag:s28] =	ssyncadd.s32 $0xFFFFC000  }
0x26: {  	[spmem:s2] =	stream.indirect.scatter.add.f32 [tilespmem:s24], [sflag:$0x3], $0x80, s22, s23, $0xb8;
	[tilespmem:$0x1E800] =	vst v63  }
0x27: {  	_ =	swait.ge [sflag:s20], $0x4000  }
0x28: {  	[sflag:s20] =	ssyncset.done $0x0  }
0x29: {  	s10 =	simm.s32 $0x14100;
	[sflag:s20] =	ssyncadd.s32 $0xFFFFC000  }
0x2a: {  	[tilespmem:s24], [sflag:$0x1] =	stream.indirect.gather [hbm4b:s1+s23], $0x80, s10, s23, $0xb8;
	[tilespmem:$0x1E800] =	vst v63  }
0x2b: {  	_ =	swait.ge [sflag:s30], $0x4000  }
0x2c: {  	[sflag:s30] =	ssyncset.done $0x0  }
0x2d: {  	s11 =	simm.s32 $0x15480;
	[sflag:s30] =	ssyncadd.s32 $0xFFFFC000  }
0x2e: {  	[spmem:s2] =	stream.indirect.scatter.add.f32 [tilespmem:s26], [sflag:$0x3], $0x80, s11, s23, $0xb8;
	[tilespmem:$0x1E800] =	vst v63  }
0x2f: {  	_ =	swait.ge [sflag:s20], $0x4000  }
0x30: {  	[sflag:s20] =	ssyncset.done $0x0  }
0x31: {  	s8 =	simm.s32 $0x14180;
	[sflag:s20] =	ssyncadd.s32 $0xFFFFC000  }
0x32: {  	[tilespmem:s26], [sflag:$0x2] =	stream.indirect.gather [hbm4b:s1+s23], $0x80, s8, s23, $0xb8;
	[tilespmem:$0x1E800] =	vst v63  }
0x33: {  	_ =	swait.ge [sflag:s28], $0x4000  }
0x34: {  	[sflag:s28] =	ssyncset.done $0x0  }
0x35: {  	s9 =	simm.s32 $0x15500;
	[sflag:s28] =	ssyncadd.s32 $0xFFFFC000  }
0x36: {  	[spmem:s2] =	stream.indirect.scatter.add.f32 [tilespmem:s24], [sflag:$0x3], $0x80, s9, s23, $0xb8;
	[tilespmem:$0x1E800] =	vst v63  }
0x37: {  	_ =	swait.ge [sflag:s20], $0x4000  }
0x38: {  	[sflag:s20] =	ssyncset.done $0x0  }
0x39: {  	s10 =	simm.s32 $0x14200;
	[sflag:s20] =	ssyncadd.s32 $0xFFFFC000  }
0x3a: {  	[tilespmem:s24], [sflag:$0x1] =	stream.indirect.gather [hbm4b:s1+s23], $0x80, s10, s23, $0xb8;
	[tilespmem:$0x1E800] =	vst v63  }
0x3b: {  	_ =	swait.ge [sflag:s30], $0x4000  }
0x3c: {  	[sflag:s30] =	ssyncset.done $0x0  }
0x3d: {  	s11 =	simm.s32 $0x15580;
	[sflag:s30] =	ssyncadd.s32 $0xFFFFC000  }
0x3e: {  	[spmem:s2] =	stream.indirect.scatter.add.f32 [tilespmem:s26], [sflag:$0x3], $0x80, s11, s23, $0xb8;
	[tilespmem:$0x1E800] =	vst v63  }
0x3f: {  	_ =	swait.ge [sflag:s20], $0x4000  }
0x40: {  	[sflag:s20] =	ssyncset.done $0x0  }
0x41: {  	s8 =	simm.s32 $0x14280;
	[sflag:s20] =	ssyncadd.s32 $0xFFFFC000  }
0x42: {  	[tilespmem:s26], [sflag:$0x2] =	stream.indirect.gather [hbm4b:s1+s23], $0x80, s8, s23, $0xb8;
	[tilespmem:$0x1E800] =	vst v63  }
0x43: {  	_ =	swait.ge [sflag:s28], $0x4000  }
0x44: {  	[sflag:s28] =	ssyncset.done $0x0  }
0x45: {  	s9 =	simm.s32 $0x15600;
	[sflag:s28] =	ssyncadd.s32 $0xFFFFC000  }
0x46: {  	[spmem:s2] =	stream.indirect.scatter.add.f32 [tilespmem:s24], [sflag:$0x3], $0x80, s9, s23, $0xb8;
	[tilespmem:$0x1E800] =	vst v63  }
0x47: {  	_ =	swait.ge [sflag:s20], $0x4000  }
0x48: {  	[sflag:s20] =	ssyncset.done $0x0  }
0x49: {  	s10 =	simm.s32 $0x14300;
	[sflag:s20] =	ssyncadd.s32 $0xFFFFC000  }
0x4a: {  	[tilespmem:s24], [sflag:$0x1] =	stream.indirect.gather [hbm4b:s1+s23], $0x80, s10, s23, $0xb8;
	[tilespmem:$0x1E800] =	vst v63  }
0x4b: {  	_ =	swait.ge [sflag:s30], $0x4000  }
0x4c: {  	[sflag:s30] =	ssyncset.done $0x0  }
0x4d: {  	s11 =	simm.s32 $0x15680;
	[sflag:s30] =	ssyncadd.s32 $0xFFFFC000  }
0x4e: {  	[spmem:s2] =	stream.indirect.scatter.add.f32 [tilespmem:s26], [sflag:$0x3], $0x80, s11, s23, $0xb8;
	[tilespmem:$0x1E800] =	vst v63  }
0x4f: {  	_ =	swait.ge [sflag:s20], $0x4000  }
0x50: {  	s4 =	simm.s32 $0x15780;
	[sflag:s20] =	ssyncset.done $0x0  }
0x51: {  	s8 =	simm.s32 $0x15700;
	s9 =	simm.s32 $0x14380;
	[sflag:s20] =	ssyncadd.s32 $0xFFFFC000  }
.LBB2_13:
0x52: {  	[tilespmem:s26], [sflag:$0x2] =	stream.indirect.gather [hbm4b:s1+s23], $0x80, s9, s23, $0xb8;
	[tilespmem:$0x1E800] =	vst v63  }
0x53: {  	_ =	swait.ge [sflag:s28], $0x4000  }
0x54: {  	[sflag:s28] =	ssyncset.done $0x0  }
0x55: {  	[sflag:s28] =	ssyncadd.s32 $0xFFFFC000  }
0x56: {  	[spmem:s2] =	stream.indirect.scatter.add.f32 [tilespmem:s24], [sflag:$0x3], $0x80, s8, s23, $0xb8;
	[tilespmem:$0x1E800] =	vst v63  }
0x57: {  	_ =	swait.ge [sflag:s20], $0x4000  }
0x58: {  	[sflag:s20] =	ssyncset.done $0x0  }
0x59: {  	[sflag:s20] =	ssyncadd.s32 $0xFFFFC000  }
0x5a: {  	_ =	swait.ge [sflag:s30], $0x4000  }
0x5b: {  	[sflag:s30] =	ssyncset.done $0x0  }
0x5c: {  	[sflag:s30] =	ssyncadd.s32 $0xFFFFC000  }
0x5d: {  	[spmem:s2] =	stream.indirect.scatter.add.f32 [tilespmem:s26], [sflag:$0x3], $0x80, s4, s23, $0xb8;
	[tilespmem:$0x1E800] =	vst v63  }
0x5e: {  	_ =	swait.ge [sflag:s20], $0x4000  }
0x5f: {  	s3 =	sadd.s32 $0x1, s3;
	[sflag:s20] =	ssyncset.done $0x0  }
0x60: {  	p1 =	sne.s32 s3, s19;
	[sflag:s20] =	ssyncadd.s32 $0xFFFFC000  }
.Ltmp1:
0x61: {  	[bflag:$0x0] =	sbarrier.arrive $0xFFFF;
	(pc) =	sbr.rel @!p1 .LBB2_14-.Ltmp1, $4  }
0x62: {  	[hbm:s18], [sflag:s7] =	dma.local [spmem:s25], $0x2800  }
0x63: {  	_ =	swait.ge [sflag:s20], $0x2800  }
0x64: {  	[sflag:s20] =	ssyncset.done $0x0  }
0x65: {  	[sflag:s20] =	ssyncadd.s32 $0xFFFFD800  }
.LBB2_1:
0x66: {  	s25 =	sshrl.u32 s6, $0x3  }
0x67: {  	[spmem:s25], [sflag:s7] =	dma.local [hbm:s5], $0x2800  }
.Ltmp2:
0x68: {  	_ =	swait.ge [sflag:s20], $0x2800;
	(pc) =	sbr.rel @p0 .LBB2_12-.Ltmp2, $4  }
0x69: {  	[sflag:s20] =	ssyncset.done $0x0  }
0x6a: {  	[sflag:s20] =	ssyncadd.s32 $0xFFFFD800  }
0x6b: {  	[bflag:$0x0] =	sbarrier.arrive $0xFFFF  }
0x6c: {  	s4 =	simm.s32 $0x0  }
0x6d: {  	s8 =	rddreg [dreg:$0x4]  }
0x6e: {  	[tilespmem:s21], [sflag:$0x3] =	stream.linear.gather [hbm4b:s8+s4], $0x1400, $0x38;
	[tilespmem:$0x1E800] =	vst v63  }
0x6f: {  	_ =	swait.ge [sflag:s20], $0x1400  }
0x70: {  	[sflag:s20] =	ssyncset.done $0x0  }
0x71: {  	s11 =	rddreg [dreg:$0x5];
	[sflag:s20] =	ssyncadd.s32 $0xFFFFEC00  }
0x72: {  	[tilespmem:s22], [sflag:$0x3] =	stream.linear.gather [hbm4b:s11+s4], $0x1400, $0x38;
	[tilespmem:$0x1E800] =	vst v63  }
0x73: {  	_ =	swait.ge [sflag:s20], $0x1400  }
0x74: {  	[sflag:s20] =	ssyncset.done $0x0  }
0x75: {  	[sflag:s20] =	ssyncadd.s32 $0xFFFFEC00  }
0x76: {  	[tilespmem:s24], [sflag:$0x1] =	stream.indirect.gather [hbm4b:s1+s23], $0x80, s21, s23, $0xb8;
	[tilespmem:$0x1E800] =	vst v63  }
0x77: {  	s8 =	simm.s32 $0x14080  }
0x78: {  	[tilespmem:s26], [sflag:$0x2] =	stream.indirect.gather [hbm4b:s1+s23], $0x80, s8, s23, $0xb8;
	[tilespmem:$0x1E800] =	vst v63  }
0x79: {  	_ =	swait.ge [sflag:s28], $0x4000  }
0x7a: {  	[sflag:s28] =	ssyncset.done $0x0  }
0x7b: {  	s9 =	simm.s32 $0x15400;
	[sflag:s28] =	ssyncadd.s32 $0xFFFFC000  }
0x7c: {  	[spmem:s2] =	stream.indirect.scatter.add.f32 [tilespmem:s24], [sflag:$0x3], $0x80, s9, s23, $0xb8;
	[tilespmem:$0x1E800] =	vst v63  }
0x7d: {  	_ =	swait.ge [sflag:s20], $0x4000  }
0x7e: {  	[sflag:s20] =	ssyncset.done $0x0  }
0x7f: {  	s10 =	simm.s32 $0x14100;
	[sflag:s20] =	ssyncadd.s32 $0xFFFFC000  }
0x80: {  	[tilespmem:s24], [sflag:$0x1] =	stream.indirect.gather [hbm4b:s1+s23], $0x80, s10, s23, $0xb8;
	[tilespmem:$0x1E800] =	vst v63  }
0x81: {  	_ =	swait.ge [sflag:s30], $0x4000  }
0x82: {  	[sflag:s30] =	ssyncset.done $0x0  }
0x83: {  	s11 =	simm.s32 $0x15480;
	[sflag:s30] =	ssyncadd.s32 $0xFFFFC000  }
0x84: {  	[spmem:s2] =	stream.indirect.scatter.add.f32 [tilespmem:s26], [sflag:$0x3], $0x80, s11, s23, $0xb8;
	[tilespmem:$0x1E800] =	vst v63  }
0x85: {  	_ =	swait.ge [sflag:s20], $0x4000  }
0x86: {  	s4 =	simm.s32 $0x100;
	s8 =	simm.s32 $0x800;
	[sflag:s20] =	ssyncset.done $0x0  }
.LBB2_3:
0x87: {  	s9 =	sadd.s32 $0x14080, s4  }
0x88: {  	[sflag:s20] =	ssyncadd.s32 $0xFFFFC000;
	s10 =	smov.u32 s8;
	s11 =	sadd.s32 $0x400, s8  }
0x89: {  	[tilespmem:s26], [sflag:$0x2] =	stream.indirect.gather [hbm4b:s1+s23], $0x80, s9, s23, $0xb8;
	[tilespmem:$0x1E800] =	vst v63  }
0x8a: {  	p1 =	sne.s32 s8, $0x4800;
	_ =	swait.ge [sflag:s28], $0x4000  }
0x8b: {  	[sflag:s28] =	ssyncset.done $0x0  }
0x8c: {  	s8 =	sadd.s32 $0x15400, s4;
	[sflag:s28] =	ssyncadd.s32 $0xFFFFC000  }
0x8d: {  	[spmem:s2] =	stream.indirect.scatter.add.f32 [tilespmem:s24], [sflag:$0x3], $0x80, s8, s23, $0xb8;
	[tilespmem:$0x1E800] =	vst v63  }
0x8e: {  	_ =	swait.ge [sflag:s20], $0x4000  }
0x8f: {  	[sflag:s20] =	ssyncset.done $0x0  }
0x90: {  	s8 =	sadd.s32 $0x14100, s4;
	[sflag:s20] =	ssyncadd.s32 $0xFFFFC000  }
0x91: {  	[tilespmem:s24], [sflag:$0x1] =	stream.indirect.gather [hbm4b:s1+s23], $0x80, s8, s23, $0xb8;
	[tilespmem:$0x1E800] =	vst v63  }
0x92: {  	_ =	swait.ge [sflag:s30], $0x4000  }
.Ltmp3:
0x93: {  	[sflag:s30] =	ssyncset.done $0x0;
	(pc) =	sbr.rel @p1 .LBB2_3-.Ltmp3, $4  }
0x94: {  	s4 =	sadd.s32 $0x15480, s4;
	[sflag:s30] =	ssyncadd.s32 $0xFFFFC000  }
0x95: {  	[spmem:s2] =	stream.indirect.scatter.add.f32 [tilespmem:s26], [sflag:$0x3], $0x80, s4, s23, $0xb8;
	[tilespmem:$0x1E800] =	vst v63  }
0x96: {  	_ =	swait.ge [sflag:s20], $0x4000  }
0x97: {  	s8 =	smov.u32 s11;
	s4 =	sshra.s32 s10, $0x2;
	[sflag:s20] =	ssyncset.done $0x0  }
0x98: {  	s8 =	sadd.s32 $0x14080, s4;
	[sflag:s20] =	ssyncadd.s32 $0xFFFFC000  }
0x99: {  	[tilespmem:s26], [sflag:$0x2] =	stream.indirect.gather [hbm4b:s1+s23], $0x80, s8, s23, $0xb8;
	[tilespmem:$0x1E800] =	vst v63  }
0x9a: {  	_ =	swait.ge [sflag:s28], $0x4000  }
0x9b: {  	[sflag:s28] =	ssyncset.done $0x0  }
0x9c: {  	s10 =	sadd.s32 $0x15400, s4;
	[sflag:s28] =	ssyncadd.s32 $0xFFFFC000  }
0x9d: {  	[spmem:s2] =	stream.indirect.scatter.add.f32 [tilespmem:s24], [sflag:$0x3], $0x80, s10, s23, $0xb8;
	[tilespmem:$0x1E800] =	vst v63  }
0x9e: {  	_ =	swait.ge [sflag:s20], $0x4000  }
0x9f: {  	[sflag:s20] =	ssyncset.done $0x0  }
0xa0: {  	s11 =	sadd.s32 $0x14100, s4;
	[sflag:s20] =	ssyncadd.s32 $0xFFFFC000  }
0xa1: {  	[tilespmem:s24], [sflag:$0x1] =	stream.indirect.gather [hbm4b:s1+s23], $0x80, s11, s23, $0xb8;
	[tilespmem:$0x1E800] =	vst v63  }
0xa2: {  	_ =	swait.ge [sflag:s30], $0x4000  }
0xa3: {  	[sflag:s30] =	ssyncset.done $0x0  }
0xa4: {  	s8 =	sadd.s32 $0x15480, s4;
	[sflag:s30] =	ssyncadd.s32 $0xFFFFC000  }
0xa5: {  	[spmem:s2] =	stream.indirect.scatter.add.f32 [tilespmem:s26], [sflag:$0x3], $0x80, s8, s23, $0xb8;
	[tilespmem:$0x1E800] =	vst v63  }
0xa6: {  	_ =	swait.ge [sflag:s20], $0x4000  }
0xa7: {  	[sflag:s20] =	ssyncset.done $0x0  }
0xa8: {  	[sflag:s20] =	ssyncadd.s32 $0xFFFFC000  }
0xa9: {  	[tilespmem:s26], [sflag:$0x2] =	stream.indirect.gather [hbm4b:s1+s23], $0x80, s29, s23, $0xb8;
	[tilespmem:$0x1E800] =	vst v63  }
0xaa: {  	_ =	swait.ge [sflag:s28], $0x4000  }
0xab: {  	[sflag:s28] =	ssyncset.done $0x0  }
0xac: {  	[sflag:s28] =	ssyncadd.s32 $0xFFFFC000  }
0xad: {  	[spmem:s2] =	stream.indirect.scatter.add.f32 [tilespmem:s24], [sflag:$0x3], $0x80, s31, s23, $0xb8;
	[tilespmem:$0x1E800] =	vst v63  }
0xae: {  	_ =	swait.ge [sflag:s20], $0x4000  }
0xaf: {  	[sflag:s20] =	ssyncset.done $0x0  }
0xb0: {  	[sflag:s20] =	ssyncadd.s32 $0xFFFFC000  }
0xb1: {  	_ =	swait.ge [sflag:s30], $0x4000  }
0xb2: {  	[sflag:s30] =	ssyncset.done $0x0  }
0xb3: {  	[sflag:s30] =	ssyncadd.s32 $0xFFFFC000  }
0xb4: {  	[spmem:s2] =	stream.indirect.scatter.add.f32 [tilespmem:s26], [sflag:$0x3], $0x80, s0, s23, $0xb8;
	[tilespmem:$0x1E800] =	vst v63  }
0xb5: {  	_ =	swait.ge [sflag:s20], $0x4000  }
0xb6: {  	[sflag:s20] =	ssyncset.done $0x0  }
0xb7: {  	s9 =	simm.s32 $0x0;
	s10 =	rddreg [dreg:$0x6];
	[sflag:s20] =	ssyncadd.s32 $0xFFFFC000  }
0xb8: {  	[tilespmem:s21], [sflag:$0x3] =	stream.linear.gather [hbm4b:s10+s9], $0x1400, $0x38;
	[tilespmem:$0x1E800] =	vst v63  }
0xb9: {  	_ =	swait.ge [sflag:s20], $0x1400  }
0xba: {  	[sflag:s20] =	ssyncset.done $0x0  }
0xbb: {  	s11 =	rddreg [dreg:$0x7];
	[sflag:s20] =	ssyncadd.s32 $0xFFFFEC00  }
0xbc: {  	[tilespmem:s22], [sflag:$0x3] =	stream.linear.gather [hbm4b:s11+s9], $0x1400, $0x38;
	[tilespmem:$0x1E800] =	vst v63  }
0xbd: {  	_ =	swait.ge [sflag:s20], $0x1400  }
0xbe: {  	[sflag:s20] =	ssyncset.done $0x0  }
0xbf: {  	[sflag:s20] =	ssyncadd.s32 $0xFFFFEC00  }
0xc0: {  	[tilespmem:s24], [sflag:$0x1] =	stream.indirect.gather [hbm4b:s1+s23], $0x80, s21, s23, $0xb8;
	[tilespmem:$0x1E800] =	vst v63  }
0xc1: {  	s8 =	simm.s32 $0x14080  }
0xc2: {  	[tilespmem:s26], [sflag:$0x2] =	stream.indirect.gather [hbm4b:s1+s23], $0x80, s8, s23, $0xb8;
	[tilespmem:$0x1E800] =	vst v63  }
0xc3: {  	_ =	swait.ge [sflag:s28], $0x4000  }
0xc4: {  	[sflag:s28] =	ssyncset.done $0x0  }
0xc5: {  	s9 =	simm.s32 $0x15400;
	[sflag:s28] =	ssyncadd.s32 $0xFFFFC000  }
0xc6: {  	[spmem:s2] =	stream.indirect.scatter.add.f32 [tilespmem:s24], [sflag:$0x3], $0x80, s9, s23, $0xb8;
	[tilespmem:$0x1E800] =	vst v63  }
0xc7: {  	_ =	swait.ge [sflag:s20], $0x4000  }
0xc8: {  	[sflag:s20] =	ssyncset.done $0x0  }
0xc9: {  	s10 =	simm.s32 $0x14100;
	[sflag:s20] =	ssyncadd.s32 $0xFFFFC000  }
0xca: {  	[tilespmem:s24], [sflag:$0x1] =	stream.indirect.gather [hbm4b:s1+s23], $0x80, s10, s23, $0xb8;
	[tilespmem:$0x1E800] =	vst v63  }
0xcb: {  	_ =	swait.ge [sflag:s30], $0x4000  }
0xcc: {  	[sflag:s30] =	ssyncset.done $0x0  }
0xcd: {  	s11 =	simm.s32 $0x15480;
	[sflag:s30] =	ssyncadd.s32 $0xFFFFC000  }
0xce: {  	[spmem:s2] =	stream.indirect.scatter.add.f32 [tilespmem:s26], [sflag:$0x3], $0x80, s11, s23, $0xb8;
	[tilespmem:$0x1E800] =	vst v63  }
0xcf: {  	_ =	swait.ge [sflag:s20], $0x4000  }
0xd0: {  	s4 =	simm.s32 $0x100;
	s8 =	simm.s32 $0x800;
	[sflag:s20] =	ssyncset.done $0x0  }
.LBB2_5:
0xd1: {  	s9 =	sadd.s32 $0x14080, s4  }
0xd2: {  	[sflag:s20] =	ssyncadd.s32 $0xFFFFC000;
	s10 =	smov.u32 s8;
	s11 =	sadd.s32 $0x400, s8  }
0xd3: {  	[tilespmem:s26], [sflag:$0x2] =	stream.indirect.gather [hbm4b:s1+s23], $0x80, s9, s23, $0xb8;
	[tilespmem:$0x1E800] =	vst v63  }
0xd4: {  	p1 =	sne.s32 s8, $0x4800;
	_ =	swait.ge [sflag:s28], $0x4000  }
0xd5: {  	[sflag:s28] =	ssyncset.done $0x0  }
0xd6: {  	s8 =	sadd.s32 $0x15400, s4;
	[sflag:s28] =	ssyncadd.s32 $0xFFFFC000  }
0xd7: {  	[spmem:s2] =	stream.indirect.scatter.add.f32 [tilespmem:s24], [sflag:$0x3], $0x80, s8, s23, $0xb8;
	[tilespmem:$0x1E800] =	vst v63  }
0xd8: {  	_ =	swait.ge [sflag:s20], $0x4000  }
0xd9: {  	[sflag:s20] =	ssyncset.done $0x0  }
0xda: {  	s8 =	sadd.s32 $0x14100, s4;
	[sflag:s20] =	ssyncadd.s32 $0xFFFFC000  }
0xdb: {  	[tilespmem:s24], [sflag:$0x1] =	stream.indirect.gather [hbm4b:s1+s23], $0x80, s8, s23, $0xb8;
	[tilespmem:$0x1E800] =	vst v63  }
0xdc: {  	_ =	swait.ge [sflag:s30], $0x4000  }
.Ltmp4:
0xdd: {  	[sflag:s30] =	ssyncset.done $0x0;
	(pc) =	sbr.rel @p1 .LBB2_5-.Ltmp4, $4  }
0xde: {  	s4 =	sadd.s32 $0x15480, s4;
	[sflag:s30] =	ssyncadd.s32 $0xFFFFC000  }
0xdf: {  	[spmem:s2] =	stream.indirect.scatter.add.f32 [tilespmem:s26], [sflag:$0x3], $0x80, s4, s23, $0xb8;
	[tilespmem:$0x1E800] =	vst v63  }
0xe0: {  	_ =	swait.ge [sflag:s20], $0x4000  }
0xe1: {  	s8 =	smov.u32 s11;
	s4 =	sshra.s32 s10, $0x2;
	[sflag:s20] =	ssyncset.done $0x0  }
0xe2: {  	s8 =	sadd.s32 $0x14080, s4;
	[sflag:s20] =	ssyncadd.s32 $0xFFFFC000  }
0xe3: {  	[tilespmem:s26], [sflag:$0x2] =	stream.indirect.gather [hbm4b:s1+s23], $0x80, s8, s23, $0xb8;
	[tilespmem:$0x1E800] =	vst v63  }
0xe4: {  	_ =	swait.ge [sflag:s28], $0x4000  }
0xe5: {  	[sflag:s28] =	ssyncset.done $0x0  }
0xe6: {  	s11 =	sadd.s32 $0x15400, s4;
	[sflag:s28] =	ssyncadd.s32 $0xFFFFC000  }
0xe7: {  	[spmem:s2] =	stream.indirect.scatter.add.f32 [tilespmem:s24], [sflag:$0x3], $0x80, s11, s23, $0xb8;
	[tilespmem:$0x1E800] =	vst v63  }
0xe8: {  	_ =	swait.ge [sflag:s20], $0x4000  }
0xe9: {  	[sflag:s20] =	ssyncset.done $0x0  }
0xea: {  	s9 =	sadd.s32 $0x14100, s4;
	[sflag:s20] =	ssyncadd.s32 $0xFFFFC000  }
0xeb: {  	[tilespmem:s24], [sflag:$0x1] =	stream.indirect.gather [hbm4b:s1+s23], $0x80, s9, s23, $0xb8;
	[tilespmem:$0x1E800] =	vst v63  }
0xec: {  	_ =	swait.ge [sflag:s30], $0x4000  }
0xed: {  	[sflag:s30] =	ssyncset.done $0x0  }
0xee: {  	s10 =	sadd.s32 $0x15480, s4;
	[sflag:s30] =	ssyncadd.s32 $0xFFFFC000  }
0xef: {  	[spmem:s2] =	stream.indirect.scatter.add.f32 [tilespmem:s26], [sflag:$0x3], $0x80, s10, s23, $0xb8;
	[tilespmem:$0x1E800] =	vst v63  }
0xf0: {  	_ =	swait.ge [sflag:s20], $0x4000  }
0xf1: {  	[sflag:s20] =	ssyncset.done $0x0  }
0xf2: {  	[sflag:s20] =	ssyncadd.s32 $0xFFFFC000  }
0xf3: {  	[tilespmem:s26], [sflag:$0x2] =	stream.indirect.gather [hbm4b:s1+s23], $0x80, s29, s23, $0xb8;
	[tilespmem:$0x1E800] =	vst v63  }
0xf4: {  	_ =	swait.ge [sflag:s28], $0x4000  }
0xf5: {  	[sflag:s28] =	ssyncset.done $0x0  }
0xf6: {  	[sflag:s28] =	ssyncadd.s32 $0xFFFFC000  }
0xf7: {  	[spmem:s2] =	stream.indirect.scatter.add.f32 [tilespmem:s24], [sflag:$0x3], $0x80, s31, s23, $0xb8;
	[tilespmem:$0x1E800] =	vst v63  }
0xf8: {  	_ =	swait.ge [sflag:s20], $0x4000  }
0xf9: {  	[sflag:s20] =	ssyncset.done $0x0  }
0xfa: {  	[sflag:s20] =	ssyncadd.s32 $0xFFFFC000  }
0xfb: {  	_ =	swait.ge [sflag:s30], $0x4000  }
0xfc: {  	[sflag:s30] =	ssyncset.done $0x0  }
0xfd: {  	[sflag:s30] =	ssyncadd.s32 $0xFFFFC000  }
0xfe: {  	[spmem:s2] =	stream.indirect.scatter.add.f32 [tilespmem:s26], [sflag:$0x3], $0x80, s0, s23, $0xb8;
	[tilespmem:$0x1E800] =	vst v63  }
0xff: {  	_ =	swait.ge [sflag:s20], $0x4000  }
0x100: {  	[sflag:s20] =	ssyncset.done $0x0  }
0x101: {  	s11 =	simm.s32 $0x0;
	[sflag:s20] =	ssyncadd.s32 $0xFFFFC000  }
0x102: {  	[tilespmem:s21], [sflag:$0x3] =	stream.linear.gather [hbm4b:s12+s11], $0x1400, $0x38;
	[tilespmem:$0x1E800] =	vst v63  }
0x103: {  	_ =	swait.ge [sflag:s20], $0x1400  }
0x104: {  	[sflag:s20] =	ssyncset.done $0x0  }
0x105: {  	[sflag:s20] =	ssyncadd.s32 $0xFFFFEC00  }
0x106: {  	[tilespmem:s22], [sflag:$0x3] =	stream.linear.gather [hbm4b:s13+s11], $0x1400, $0x38;
	[tilespmem:$0x1E800] =	vst v63  }
0x107: {  	_ =	swait.ge [sflag:s20], $0x1400  }
0x108: {  	[sflag:s20] =	ssyncset.done $0x0  }
0x109: {  	[sflag:s20] =	ssyncadd.s32 $0xFFFFEC00  }
0x10a: {  	[tilespmem:s24], [sflag:$0x1] =	stream.indirect.gather [hbm4b:s1+s23], $0x80, s21, s23, $0xb8;
	[tilespmem:$0x1E800] =	vst v63  }
0x10b: {  	s8 =	simm.s32 $0x14080  }
0x10c: {  	[tilespmem:s26], [sflag:$0x2] =	stream.indirect.gather [hbm4b:s1+s23], $0x80, s8, s23, $0xb8;
	[tilespmem:$0x1E800] =	vst v63  }
0x10d: {  	_ =	swait.ge [sflag:s28], $0x4000  }
0x10e: {  	[sflag:s28] =	ssyncset.done $0x0  }
0x10f: {  	s9 =	simm.s32 $0x15400;
	[sflag:s28] =	ssyncadd.s32 $0xFFFFC000  }
0x110: {  	[spmem:s2] =	stream.indirect.scatter.add.f32 [tilespmem:s24], [sflag:$0x3], $0x80, s9, s23, $0xb8;
	[tilespmem:$0x1E800] =	vst v63  }
0x111: {  	_ =	swait.ge [sflag:s20], $0x4000  }
0x112: {  	[sflag:s20] =	ssyncset.done $0x0  }
0x113: {  	s10 =	simm.s32 $0x14100;
	[sflag:s20] =	ssyncadd.s32 $0xFFFFC000  }
0x114: {  	[tilespmem:s24], [sflag:$0x1] =	stream.indirect.gather [hbm4b:s1+s23], $0x80, s10, s23, $0xb8;
	[tilespmem:$0x1E800] =	vst v63  }
0x115: {  	_ =	swait.ge [sflag:s30], $0x4000  }
0x116: {  	[sflag:s30] =	ssyncset.done $0x0  }
0x117: {  	s11 =	simm.s32 $0x15480;
	[sflag:s30] =	ssyncadd.s32 $0xFFFFC000  }
0x118: {  	[spmem:s2] =	stream.indirect.scatter.add.f32 [tilespmem:s26], [sflag:$0x3], $0x80, s11, s23, $0xb8;
	[tilespmem:$0x1E800] =	vst v63  }
0x119: {  	_ =	swait.ge [sflag:s20], $0x4000  }
0x11a: {  	s4 =	simm.s32 $0x100;
	s8 =	simm.s32 $0x800;
	[sflag:s20] =	ssyncset.done $0x0  }
.LBB2_7:
0x11b: {  	s9 =	sadd.s32 $0x14080, s4  }
0x11c: {  	[sflag:s20] =	ssyncadd.s32 $0xFFFFC000;
	s10 =	smov.u32 s8;
	s11 =	sadd.s32 $0x400, s8  }
0x11d: {  	[tilespmem:s26], [sflag:$0x2] =	stream.indirect.gather [hbm4b:s1+s23], $0x80, s9, s23, $0xb8;
	[tilespmem:$0x1E800] =	vst v63  }
0x11e: {  	p1 =	sne.s32 s8, $0x4800;
	_ =	swait.ge [sflag:s28], $0x4000  }
0x11f: {  	[sflag:s28] =	ssyncset.done $0x0  }
0x120: {  	s8 =	sadd.s32 $0x15400, s4;
	[sflag:s28] =	ssyncadd.s32 $0xFFFFC000  }
0x121: {  	[spmem:s2] =	stream.indirect.scatter.add.f32 [tilespmem:s24], [sflag:$0x3], $0x80, s8, s23, $0xb8;
	[tilespmem:$0x1E800] =	vst v63  }
0x122: {  	_ =	swait.ge [sflag:s20], $0x4000  }
0x123: {  	[sflag:s20] =	ssyncset.done $0x0  }
0x124: {  	s8 =	sadd.s32 $0x14100, s4;
	[sflag:s20] =	ssyncadd.s32 $0xFFFFC000  }
0x125: {  	[tilespmem:s24], [sflag:$0x1] =	stream.indirect.gather [hbm4b:s1+s23], $0x80, s8, s23, $0xb8;
	[tilespmem:$0x1E800] =	vst v63  }
0x126: {  	_ =	swait.ge [sflag:s30], $0x4000  }
.Ltmp5:
0x127: {  	[sflag:s30] =	ssyncset.done $0x0;
	(pc) =	sbr.rel @p1 .LBB2_7-.Ltmp5, $4  }
0x128: {  	s4 =	sadd.s32 $0x15480, s4;
	[sflag:s30] =	ssyncadd.s32 $0xFFFFC000  }
0x129: {  	[spmem:s2] =	stream.indirect.scatter.add.f32 [tilespmem:s26], [sflag:$0x3], $0x80, s4, s23, $0xb8;
	[tilespmem:$0x1E800] =	vst v63  }
0x12a: {  	_ =	swait.ge [sflag:s20], $0x4000  }
0x12b: {  	s8 =	smov.u32 s11;
	s4 =	sshra.s32 s10, $0x2;
	[sflag:s20] =	ssyncset.done $0x0  }
0x12c: {  	s8 =	sadd.s32 $0x14080, s4;
	[sflag:s20] =	ssyncadd.s32 $0xFFFFC000  }
0x12d: {  	[tilespmem:s26], [sflag:$0x2] =	stream.indirect.gather [hbm4b:s1+s23], $0x80, s8, s23, $0xb8;
	[tilespmem:$0x1E800] =	vst v63  }
0x12e: {  	_ =	swait.ge [sflag:s28], $0x4000  }
0x12f: {  	[sflag:s28] =	ssyncset.done $0x0  }
0x130: {  	s11 =	sadd.s32 $0x15400, s4;
	[sflag:s28] =	ssyncadd.s32 $0xFFFFC000  }
0x131: {  	[spmem:s2] =	stream.indirect.scatter.add.f32 [tilespmem:s24], [sflag:$0x3], $0x80, s11, s23, $0xb8;
	[tilespmem:$0x1E800] =	vst v63  }
0x132: {  	_ =	swait.ge [sflag:s20], $0x4000  }
0x133: {  	[sflag:s20] =	ssyncset.done $0x0  }
0x134: {  	s9 =	sadd.s32 $0x14100, s4;
	[sflag:s20] =	ssyncadd.s32 $0xFFFFC000  }
0x135: {  	[tilespmem:s24], [sflag:$0x1] =	stream.indirect.gather [hbm4b:s1+s23], $0x80, s9, s23, $0xb8;
	[tilespmem:$0x1E800] =	vst v63  }
0x136: {  	_ =	swait.ge [sflag:s30], $0x4000  }
0x137: {  	[sflag:s30] =	ssyncset.done $0x0  }
0x138: {  	s10 =	sadd.s32 $0x15480, s4;
	[sflag:s30] =	ssyncadd.s32 $0xFFFFC000  }
0x139: {  	[spmem:s2] =	stream.indirect.scatter.add.f32 [tilespmem:s26], [sflag:$0x3], $0x80, s10, s23, $0xb8;
	[tilespmem:$0x1E800] =	vst v63  }
0x13a: {  	_ =	swait.ge [sflag:s20], $0x4000  }
0x13b: {  	[sflag:s20] =	ssyncset.done $0x0  }
0x13c: {  	[sflag:s20] =	ssyncadd.s32 $0xFFFFC000  }
0x13d: {  	[tilespmem:s26], [sflag:$0x2] =	stream.indirect.gather [hbm4b:s1+s23], $0x80, s29, s23, $0xb8;
	[tilespmem:$0x1E800] =	vst v63  }
0x13e: {  	_ =	swait.ge [sflag:s28], $0x4000  }
0x13f: {  	[sflag:s28] =	ssyncset.done $0x0  }
0x140: {  	[sflag:s28] =	ssyncadd.s32 $0xFFFFC000  }
0x141: {  	[spmem:s2] =	stream.indirect.scatter.add.f32 [tilespmem:s24], [sflag:$0x3], $0x80, s31, s23, $0xb8;
	[tilespmem:$0x1E800] =	vst v63  }
0x142: {  	_ =	swait.ge [sflag:s20], $0x4000  }
0x143: {  	[sflag:s20] =	ssyncset.done $0x0  }
0x144: {  	[sflag:s20] =	ssyncadd.s32 $0xFFFFC000  }
0x145: {  	_ =	swait.ge [sflag:s30], $0x4000  }
0x146: {  	[sflag:s30] =	ssyncset.done $0x0  }
0x147: {  	[sflag:s30] =	ssyncadd.s32 $0xFFFFC000  }
0x148: {  	[spmem:s2] =	stream.indirect.scatter.add.f32 [tilespmem:s26], [sflag:$0x3], $0x80, s0, s23, $0xb8;
	[tilespmem:$0x1E800] =	vst v63  }
0x149: {  	_ =	swait.ge [sflag:s20], $0x4000  }
0x14a: {  	[sflag:s20] =	ssyncset.done $0x0  }
0x14b: {  	s11 =	simm.s32 $0x0;
	[sflag:s20] =	ssyncadd.s32 $0xFFFFC000  }
0x14c: {  	[tilespmem:s21], [sflag:$0x3] =	stream.linear.gather [hbm4b:s14+s11], $0x1000, $0x38;
	[tilespmem:$0x1E800] =	vst v63  }
0x14d: {  	_ =	swait.ge [sflag:s20], $0x1000  }
0x14e: {  	[sflag:s20] =	ssyncset.done $0x0  }
0x14f: {  	p2 =	por $0x0, $0x0;
	[sflag:s20] =	ssyncadd.s32 $0xFFFFF000  }
0x150: {  	[tilespmem:s22], [sflag:$0x3] =	stream.linear.gather [hbm4b:s15+s11], $0x1000, $0x38;
	[tilespmem:$0x1E800] =	vst v63  }
.Ltmp6:
0x151: {  	_ = 	snop;
	(pc) =	sbr.rel @p2 .LBB2_11-.Ltmp6, $4  }
0x152: {  	_ =	swait.ge [sflag:s20], $0x1000  }
0x153: {  	[sflag:s20] =	ssyncset.done $0x0  }
0x154: {  	s4 =	simm.s32 $0x0;
	p1 =	por $0x0, $0x0;
	[sflag:s20] =	ssyncadd.s32 $0xFFFFF000  }
0x155: {  	[tilespmem:s24], [sflag:$0x1] =	stream.indirect.gather [hbm4b:s1+s23], $0x80, s21, s23, $0xb8;
	[tilespmem:$0x1E800] =	vst v63  }
0x156: {  	s4 =	simm.s32 $0x14080  }
0x157: {  	[tilespmem:s26], [sflag:$0x2] =	stream.indirect.gather [hbm4b:s1+s23], $0x80, s4, s23, $0xb8;
	[tilespmem:$0x1E800] =	vst v63  }
0x158: {  	_ =	swait.ge [sflag:s28], $0x4000  }
0x159: {  	[sflag:s28] =	ssyncset.done $0x0  }
0x15a: {  	s9 =	simm.s32 $0x15400;
	[sflag:s28] =	ssyncadd.s32 $0xFFFFC000  }
0x15b: {  	[spmem:s2] =	stream.indirect.scatter.add.f32 [tilespmem:s24], [sflag:$0x3], $0x80, s9, s23, $0xb8;
	[tilespmem:$0x1E800] =	vst v63  }
0x15c: {  	_ =	swait.ge [sflag:s20], $0x4000  }
0x15d: {  	[sflag:s20] =	ssyncset.done $0x0  }
0x15e: {  	s10 =	simm.s32 $0x14100;
	[sflag:s20] =	ssyncadd.s32 $0xFFFFC000  }
0x15f: {  	[tilespmem:s24], [sflag:$0x1] =	stream.indirect.gather [hbm4b:s1+s23], $0x80, s10, s23, $0xb8;
	[tilespmem:$0x1E800] =	vst v63  }
0x160: {  	p2 =	por $0x0, $0x0;
	_ =	swait.ge [sflag:s30], $0x4000  }
.Ltmp7:
0x161: {  	[sflag:s30] =	ssyncset.done $0x0;
	(pc) =	sbr.rel @p2 .LBB2_11-.Ltmp7, $4  }
0x162: {  	s11 =	simm.s32 $0x15480;
	[sflag:s30] =	ssyncadd.s32 $0xFFFFC000  }
0x163: {  	[spmem:s2] =	stream.indirect.scatter.add.f32 [tilespmem:s26], [sflag:$0x3], $0x80, s11, s23, $0xb8;
	[tilespmem:$0x1E800] =	vst v63  }
0x164: {  	s8 =	simm.s32 $0x800;
	_ =	swait.ge [sflag:s20], $0x4000  }
0x165: {  	p1 =	por $0x1, $0x1;
	s4 =	simm.s32 $0x100;
	[sflag:s20] =	ssyncset.done $0x0  }
.LBB2_10:
0x166: {  	s9 =	sadd.s32 $0x14080, s4  }
0x167: {  	[sflag:s20] =	ssyncadd.s32 $0xFFFFC000;
	s10 =	smov.u32 s8;
	s11 =	sadd.s32 $0x400, s8  }
0x168: {  	[tilespmem:s26], [sflag:$0x2] =	stream.indirect.gather [hbm4b:s1+s23], $0x80, s9, s23, $0xb8;
	[tilespmem:$0x1E800] =	vst v63  }
0x169: {  	p2 =	seq.s32 s8, $0x3800;
	_ =	swait.ge [sflag:s28], $0x4000  }
0x16a: {  	[sflag:s28] =	ssyncset.done $0x0  }
0x16b: {  	s8 =	sadd.s32 $0x15400, s4;
	[sflag:s28] =	ssyncadd.s32 $0xFFFFC000  }
0x16c: {  	[spmem:s2] =	stream.indirect.scatter.add.f32 [tilespmem:s24], [sflag:$0x3], $0x80, s8, s23, $0xb8;
	[tilespmem:$0x1E800] =	vst v63  }
0x16d: {  	_ =	swait.ge [sflag:s20], $0x4000  }
0x16e: {  	[sflag:s20] =	ssyncset.done $0x0  }
0x16f: {  	s8 =	sadd.s32 $0x14100, s4;
	[sflag:s20] =	ssyncadd.s32 $0xFFFFC000  }
0x170: {  	[tilespmem:s24], [sflag:$0x1] =	stream.indirect.gather [hbm4b:s1+s23], $0x80, s8, s23, $0xb8;
	[tilespmem:$0x1E800] =	vst v63  }
0x171: {  	_ =	swait.ge [sflag:s30], $0x4000  }
.Ltmp8:
0x172: {  	[sflag:s30] =	ssyncset.done $0x0;
	(pc) =	sbr.rel @!p2 .LBB2_10-.Ltmp8, $4  }
0x173: {  	s4 =	sadd.s32 $0x15480, s4;
	[sflag:s30] =	ssyncadd.s32 $0xFFFFC000  }
0x174: {  	[spmem:s2] =	stream.indirect.scatter.add.f32 [tilespmem:s26], [sflag:$0x3], $0x80, s4, s23, $0xb8;
	[tilespmem:$0x1E800] =	vst v63  }
0x175: {  	_ =	swait.ge [sflag:s20], $0x4000  }
0x176: {  	s8 =	smov.u32 s11;
	s4 =	sshra.s32 s10, $0x2;
	[sflag:s20] =	ssyncset.done $0x0  }
.LBB2_11:
0x177: {  	s8 =	sadd.s32 $0x14080, s4;
	[sflag:s20] =	ssyncadd.s32 @p1 $0xFFFFC000  }
0x178: {  	[tilespmem:s26], [sflag:$0x2] =	stream.indirect.gather [hbm4b:s1+s23], $0x80, s8, s23, $0xb8;
	[tilespmem:$0x1E800] =	vst v63  }
0x179: {  	_ =	swait.ge [sflag:s28], $0x4000  }
0x17a: {  	[sflag:s28] =	ssyncset.done $0x0  }
0x17b: {  	s9 =	sadd.s32 $0x15400, s4;
	[sflag:s28] =	ssyncadd.s32 $0xFFFFC000  }
0x17c: {  	[spmem:s2] =	stream.indirect.scatter.add.f32 [tilespmem:s24], [sflag:$0x3], $0x80, s9, s23, $0xb8;
	[tilespmem:$0x1E800] =	vst v63  }
0x17d: {  	_ =	swait.ge [sflag:s20], $0x4000  }
0x17e: {  	[sflag:s20] =	ssyncset.done $0x0  }
0x17f: {  	s10 =	sadd.s32 $0x14100, s4;
	[sflag:s20] =	ssyncadd.s32 $0xFFFFC000  }
0x180: {  	[tilespmem:s24], [sflag:$0x1] =	stream.indirect.gather [hbm4b:s1+s23], $0x80, s10, s23, $0xb8;
	[tilespmem:$0x1E800] =	vst v63  }
0x181: {  	_ =	swait.ge [sflag:s30], $0x4000  }
0x182: {  	[sflag:s30] =	ssyncset.done $0x0  }
.Ltmp9:
0x183: {  	s11 =	sadd.s32 $0x15480, s4;
	[sflag:s30] =	ssyncadd.s32 $0xFFFFC000;
	(pc) =	sbr.rel .LBB2_13-.Ltmp9, $4  }
0x184: {  	[spmem:s2] =	stream.indirect.scatter.add.f32 [tilespmem:s26], [sflag:$0x3], $0x80, s11, s23, $0xb8;
	[tilespmem:$0x1E800] =	vst v63  }
0x185: {  	_ =	swait.ge [sflag:s20], $0x4000  }
0x186: {  	s4 =	simm.s32 $0x16380;
	[sflag:s20] =	ssyncset.done $0x0  }
0x187: {  	s8 =	simm.s32 $0x16300;
	s9 =	simm.s32 $0x14F80;
	[sflag:s20] =	ssyncadd.s32 $0xFFFFC000  }
.LBB2_14:
0x188: {  	_ =	sfence.sel $0x180000  }
0x189: {  	[bflag:$0x0] =	sbarrier.arrive $0xFFFF  }
0x18a: {  	_ =	strace $0x9000004A  }
0x18b: {  	s0 =	stileid.u32;
	[bflag:$0x2] =	sbarrier.arrive $0xFFFF  }
0x18c: {  	p0 =	sne.s32 s0, $0x0;
	s0 =	rddreg [dreg:$0x3]  }
0x18d: {  	s0 =	sadd.s32 @!p0 $0x100000, s0  }
0x18e: {  	[sflag:s0] =	ssyncadd.tile.s32 @!p0 $0x1;
	_ =	shalt  }
.Lfunc_end2:
_tile_overlayer_lowered:
.L_overlay_start_2:
0x18f: {  	(tag) =	ssettag $0x2  }
0x190: {  	s0 =	rddreg [dreg:$0x0];
	s2 =	stileid.u32  }
0x191: {  	s1 =	rddreg [dreg:$0x1];
	p0 =	sne.s32 s2, $0x0  }
0x192: {  	s3 =	rddreg [dreg:$0x2];
	[bflag:$0x3] =	sbarrier.arrive $0xFFFF;
	s2 =	simm.s32 @!p0 $0x1C03  }
0x193: {  	[timem:s3], [sflag:s2] =	dma.local @!p0 [hbm:s0], s1  }
0x194: {  	s0 =	simm.s32 @!p0 $0x3  }
0x195: {  	_ =	swait.ge @!p0 [sflag:s0], s1  }
0x196: {  	s1 =	ssub.s32 @!p0 $0x0, s1;
	[sflag:s0] =	ssyncset.done @!p0 $0x0  }
0x197: {  	[sflag:s0] =	ssyncadd.s32 @!p0 s1  }
0x198: {  	[bflag:$0x3] =	sbarrier.arrive $0xFFFF  }
0x199: {  	_ =	shalt  }

// kernel: kernel.14.cloned.1.call-start
scs
__scs_entry_jumppad:
0x0: {  	(pc) =	sbr.rel $0x88, $3  }
0x1: {  	(tag) =	ssettag $0x0;
	lr =	simm.s32 $0x1  }
0x2: {  	[smem:$0x3F9B] =	sst lr;
	_ =	strace $0xD0000000  }
0x3: {  	_ = 	snop  }
0x4: {  	_ = 	snop  }
0x5: {  	_ = 	snop  }
0x6: {  	_ = 	snop  }
0x7: {  	_ = 	snop  }
__scs_overlays_trampoline_lowered:
0x8: {  	[smem:$0x3FAA] =	sst s0  }
0x9: {  	[smem:$0x3FAB] =	sst s1  }
0xa: {  	[smem:$0x3FAC] =	sst s2  }
0xb: {  	[smem:$0x3FAD] =	sst s3  }
0xc: {  	[smem:$0x3FAE] =	sst s4  }
0xd: {  	[smem:$0x3FAF] =	sst s5  }
0xe: {  	[smem:$0x3FB0] =	sst s6  }
0xf: {  	[smem:$0x3FB1] =	sst s7  }
0x10: {  	[smem:$0x3FB2] =	sst s8  }
0x11: {  	[smem:$0x3FB3] =	sst s9;
	s0 =	simm.s32 @!p0 $0x0  }
0x12: {  	s1 =	sld [smem:$0x3F99];
	s0 =	simm.s32 @p0 $0x1  }
0x13: {  	[smem:$0x3FB4] =	sst s0;
	s0 =	simm.s32 @!p1 $0x0  }
0x14: {  	s2 =	sld [smem:$0x3F98];
	s0 =	simm.s32 @p1 $0x1  }
0x15: {  	[smem:$0x3FB5] =	sst s0;
	s0 =	simm.s32 @!p2 $0x0  }
0x16: {  	s3 =	sld [smem:$0x3FDB];
	s0 =	simm.s32 @p2 $0x1  }
0x17: {  	s4 =	simm.s32 $0x1BF5;
	[smem:$0x3FB7] =	sst s0  }
0x18: {  	s0 =	sld [smem:$0x3F9A];
	_ =	swait.ge [sflag:s4], $0x0  }
0x19: {  	s7 =	sld [smem:$0x3F9B]  }
0x1a: {  	s8 =	sadd.s32 $0xFFFFE003, lr  }
0x1b: {  	s9 =	sadd.s32 $0xFFFFFEF7, lr;
	s5 =	simm.s32 $0xFFFFFFFF;
	p2 =	slt.u32 s8, $0xFFFFF086  }
0x1c: {  	p1 =	slt.u32 s9, $0xF7A;
	s5 =	simm.s32 @!p2 $0x0  }
0x1d: {  	s5 =	simm.s32 @p1 $0x1;
	p0 =	seq.s32 s7, s2  }
0x1e: {  	s7 =	smul.u32 @!p0 $0xF7A, s2;
	p2 =	seq.s32 @!p0 s5, $0x0  }
0x1f: {  	s9 =	smul.u32 $0xF7A, s1;
	s8 =	simm.s32 @!p0 $0x1BF5;
	p2 =	por !p2, p0  }
0x20: {  	[sflag:s8] =	ssyncset.s32 @!p0 $0xFFFFF086;
	s6 =	sadd.s32 @!p0 s3, s7;
	s7 =	simm.s32 @!p0 $0x108  }
0x21: {  	s3 =	sadd.s32 s3, s9;
	s6 =	sadd.s32 @!p0 $0x88, s6;
	s7 =	simm.s32 @p2 $0x1082  }
0x22: {  	[simem:s7], [sflag:s8] =	dma.local @!p0 [hbm:s6], $0xF7A  }
0x23: {  	s9 =	sor.u32 $0xD0000000, s2;
	s6 =	simm.s32 $0x108;
	_ =	swait.ge @!p0 [sflag:s8], $0x0  }
0x24: {  	s3 =	sadd.s32 $0x88, s3;
	s6 =	simm.s32 @!p1 $0x1082;
	[sflag:s4] =	ssyncset.s32 $0xFFFFF086  }
0x25: {  	[simem:s6], [sflag:s4] =	dma.local [hbm:s3], $0xF7A  }
0x26: {  	[smem:$0x3F9B] =	sst s1;
	(tag) =	ssettag s2;
	_ =	strace s9  }
0x27: {  	s1 =	sld [smem:$0x3FAB]  }
0x28: {  	s2 =	sld [smem:$0x3FAC]  }
0x29: {  	s4 =	sld [smem:$0x3FAE]  }
0x2a: {  	p0 =	seq.s32 s5, $0x0;
	s5 =	sld [smem:$0x3FAF]  }
0x2b: {  	s6 =	sld [smem:$0x3FB0]  }
0x2c: {  	s7 =	sld [smem:$0x3FB1]  }
0x2d: {  	s3 =	simm.s32 $0x108;
	s8 =	sld [smem:$0x3FB2]  }
0x2e: {  	s3 =	simm.s32 @!p0 $0x1082;
	s9 =	sld [smem:$0x3FB3]  }
0x2f: {  	lr =	sadd.s32 s0, s3;
	s0 =	sld [smem:$0x3FAA]  }
0x30: {  	s3 =	sld [smem:$0x3FAD]  }
0x31: {  	[smem:$0x3FB6] =	sst s10  }
0x32: {  	s10 =	sld [smem:$0x3FB4];
	_ =	sdelay $0x3  }
0x33: {  	p0 =	seq.s32 s10, $0x1;
	s10 =	sld [smem:$0x3FB6];
	_ =	sdelay $0x3  }
0x34: {  	[smem:$0x3FB6] =	sst s10  }
0x35: {  	s10 =	sld [smem:$0x3FB5];
	_ =	sdelay $0x3  }
0x36: {  	p1 =	seq.s32 s10, $0x1;
	s10 =	sld [smem:$0x3FB6];
	_ =	sdelay $0x3  }
0x37: {  	[smem:$0x3FB6] =	sst s10  }
0x38: {  	s10 =	sld [smem:$0x3FB7]  }
0x39: {  	_ = 	snop;
	(pc) =	sbr.ind lr, $3  }
0x3a: {  	_ = 	snop  }
0x3b: {  	_ = 	snop  }
0x3c: {  	p2 =	seq.s32 s10, $0x1;
	s10 =	sld [smem:$0x3FB6]  }
0x3d: {  	_ =	shalt  }
0x3e: {  	_ =	shalt  }
0x3f: {  	_ =	shalt  }
0x40: {  	_ =	shalt  }
0x41: {  	_ =	shalt  }
0x42: {  	_ =	shalt  }
0x43: {  	_ =	shalt  }
0x44: {  	_ =	shalt  }
0x45: {  	_ =	shalt  }
0x46: {  	_ =	shalt  }
0x47: {  	_ =	shalt  }
0x48: {  	_ =	shalt  }
0x49: {  	_ =	shalt  }
0x4a: {  	_ =	shalt  }
0x4b: {  	_ =	shalt  }
0x4c: {  	_ =	shalt  }
0x4d: {  	_ =	shalt  }
0x4e: {  	_ =	shalt  }
0x4f: {  	_ =	shalt  }
0x50: {  	_ =	shalt  }
0x51: {  	_ =	shalt  }
0x52: {  	_ =	shalt  }
0x53: {  	_ =	shalt  }
0x54: {  	_ =	shalt  }
0x55: {  	_ =	shalt  }
0x56: {  	_ =	shalt  }
0x57: {  	_ =	shalt  }
0x58: {  	_ =	shalt  }
0x59: {  	_ =	shalt  }
0x5a: {  	_ =	shalt  }
0x5b: {  	_ =	shalt  }
0x5c: {  	_ =	shalt  }
0x5d: {  	_ =	shalt  }
0x5e: {  	_ =	shalt  }
0x5f: {  	_ =	shalt  }
0x60: {  	_ =	shalt  }
0x61: {  	_ =	shalt  }
0x62: {  	_ =	shalt  }
0x63: {  	_ =	shalt  }
0x64: {  	_ =	shalt  }
0x65: {  	_ =	shalt  }
0x66: {  	_ =	shalt  }
0x67: {  	_ =	shalt  }
0x68: {  	_ =	shalt  }
0x69: {  	_ =	shalt  }
0x6a: {  	_ =	shalt  }
0x6b: {  	_ =	shalt  }
0x6c: {  	_ =	shalt  }
0x6d: {  	_ =	shalt  }
0x6e: {  	_ =	shalt  }
0x6f: {  	_ =	shalt  }
0x70: {  	_ =	shalt  }
0x71: {  	_ =	shalt  }
0x72: {  	_ =	shalt  }
0x73: {  	_ =	shalt  }
0x74: {  	_ =	shalt  }
0x75: {  	_ =	shalt  }
0x76: {  	_ =	shalt  }
0x77: {  	_ =	shalt  }
0x78: {  	_ =	shalt  }
0x79: {  	_ =	shalt  }
0x7a: {  	_ =	shalt  }
0x7b: {  	_ =	shalt  }
0x7c: {  	_ =	shalt  }
0x7d: {  	_ =	shalt  }
0x7e: {  	_ =	shalt  }
0x7f: {  	_ =	shalt  }
0x80: {  	_ =	shalt  }
0x81: {  	_ =	shalt  }
0x82: {  	_ =	shalt  }
0x83: {  	_ =	shalt  }
0x84: {  	_ =	shalt  }
0x85: {  	_ =	shalt  }
0x86: {  	_ =	shalt  }
0x87: {  	_ =	shalt  }
.Lfunc_end0:
.L_simem_size_0:
called_computation.2_lowered:
.L_overlay_start_0:
0x88: {  	s2 =	sld [smem:$0x3FD9]  }
0x89: {  	s3 =	sld [smem:$0x3FFE];
	_ =	sdelay $0x1  }
0x8a: {  	s1 =	srdreg.scid  }
0x8b: {  	s0 =	sand.u32 $0x1, s1  }
0x8c: {  	s17 =	sshll.u32 s0, $0xA;
	s2 =	sadd.s32 s3, s2  }
0x8d: {  	s2 =	sadd.s32 s2, s17  }
0x8e: {  	[smem:$0x3FC2] =	sst s2  }
0x8f: {  	_ = 	snop  }
0x90: {  	s2 =	sld [smem:$0x3FD0];
	(tm) =	ssettm $0x1  }
0x91: {  	s18 =	sld [smem:$0x3FFB];
	_ =	sdelay $0x3  }
0x92: {  	_ =	strace s18  }
0x93: {  	s3 =	sld [smem:$0x3FFC];
	_ =	sdelay $0x3  }
0x94: {  	_ =	strace s3  }
0x95: {  	s3 =	sld [smem:$0x3FFD];
	_ =	sdelay $0x3  }
0x96: {  	_ =	strace s3  }
0x97: {  	_ =	strace $0x8FFFFFFF  }
0x98: {  	s19 =	sld [smem:$0x3FDB];
	_ =	sdelay $0x1  }
0x99: {  	s4 =	simm.s32 $_scs_section_size  }
0x9a: {  	s5 =	simm.s32 $_size__tile_overlayer_lowered;
	s6 =	simm.s32 $_tile_overlayer_lowered  }
0x9b: {  	s22 =	simm.s32 $0x1BFF;
	s21 =	sshll.u32 s6, $0x1;
	s3 =	sadd.s32 s4, s19  }
0x9c: {  	s7 =	simm.s32 $0x0;
	s20 =	sshll.u32 s5, $0x1;
	s5 =	sadd.s32 s21, s3  }
0x9d: {  	[timem:s7], [sflag:s22] =	dma.local [hbm:s5], s20  }
0x9e: {  	_ =	swait.ge [sflag:s22], s20  }
0x9f: {  	s4 =	ssub.s32 $0x0, s20;
	[sflag:s22] =	ssyncset.done $0x0  }
0xa0: {  	[sflag:s22] =	ssyncadd.s32 s4;
	_ =	sdelay $0x1  }
0xa1: {  	s23 =	simm.s32 $0x1B8B  }
0xa2: {  	_ =	swait.ge [sflag:s23], $0x1  }
0xa3: {  	[sflag:s23] =	ssyncset.done $0x0  }
0xa4: {  	s25 =	simm.s32 $0x1B8E;
	s24 =	sld [smem:$0x3FFE];
	[sflag:s23] =	ssyncadd.s32 $0xFFFFFFFF  }
0xa5: {  	s26 =	simm.s32 $execute0_lowered;
	[smem:$0x3FD2] =	sst s25  }
0xa6: {  	s5 =	sshll.u32 s26, $0x1;
	_ =	strace $0x8000004C;
	[dreg:$0x1] =	wrdreg $0xFFFFFFFF  }
0xa7: {  	s28 =	simm.s32 $_size_execute0_lowered;
	s3 =	sadd.s32 s3, s5;
	[dreg:$0x0] =	wrdreg $0x0  }
0xa8: {  	s5 =	sshll.u32 s28, $0x1;
	[dreg:$0x2] =	wrdreg s3  }
0xa9: {  	[dreg:$0x3] =	wrdreg s5  }
0xaa: {  	[dreg:$0x4] =	wrdreg $0xC0  }
0xab: {  	_ =	task [dreg:s7], $0x5FFFF  }
0xac: {  	[dreg:$0x1] =	wrdreg $0xFFFFFFFF  }
0xad: {  	[dreg:$0x0] =	wrdreg $0x60  }
0xae: {  	[dreg:$0x2] =	wrdreg s2  }
0xaf: {  	[dreg:$0x3] =	wrdreg s24  }
0xb0: {  	[dreg:$0x4] =	wrdreg $0x0  }
0xb1: {  	[dreg:$0x5] =	wrdreg $0x9  }
0xb2: {  	_ =	task.clear_ibuf [dreg:s7], $0x6FFFF;
	_ =	strace $0x9000004C  }
0xb3: {  	s29 =	simm.s32 $0x9;
	_ =	strace $0x8000004E  }
0xb4: {  	_ =	swait.ge [sflag:s29], $0x1  }
0xb5: {  	[sflag:s29] =	ssyncadd.s32 $0xFFFFFFFF  }
0xb6: {  	_ =	strace $0x9000004E  }
0xb7: {  	_ =	sfence  }
0xb8: {  	s30 =	sld [smem:$0x0];
	_ =	sdelay $0x2  }
0xb9: {  	s31 =	sshll.u32 s1, $0xD;
	s1 =	sshrl.u32 s1, $0x2  }
0xba: {  	s3 =	sand.u32 $0x4000, s31;
	s1 =	sadd.s32 s1, s30  }
0xbb: {  	s0 =	sor.u32 s3, s0;
	s1 =	sshll.u32 s1, $0x11  }
0xbc: {  	s0 =	sor.u32 s1, s0  }
0xbd: {  	s0 =	sadd.s32 $0x8F2B, s0  }
0xbe: {  	[sflag:s0] =	ssyncadd.remote.s32 $0x1  }
0xbf: {  	_ =	sfence.sel $0xFFFF  }
0xc0: {  	[dreg:$0x0] =	wrdreg $0xFFFFFFFF;
	(pc) =	sbr.abs _section_cstart, $3  }
0xc1: {  	[dreg:$0x1] =	wrdreg $0xFFFFFFFF  }
0xc2: {  	_ =	task.clear_ibuf [dreg:s7], $0x2FFFF;
	_ =	strace $0x9FFFFFFF  }
0xc3: {  	(tm) =	ssettm $0x7FFFFFFF  }
tec
execute0_lowered:
.L_overlay_start_1:
0x0: {  	(tag) =	ssettag $0x1  }
0x1: {  	s1 =	rddreg [dreg:$0x0]  }
0x2: {  	s0 =	rddreg [dreg:$0x1]  }
0x3: {  	s2 =	rddreg [dreg:$0x2]  }
0x4: {  	s3 =	srdreg.scid;
	s5 =	simm.s32 $0x0;
	s14 =	stileid.u32  }
0x5: {  	s28 =	simm.s32 $0x1;
	s30 =	simm.s32 $0x2;
	s29 =	simm.s32 $0x15380  }
0x6: {  	s31 =	simm.s32 $0x16700;
	s3 =	sand.u32 $0x1, s3;
	s6 =	smul.u32 $0x14000, s14  }
0x7: {  	[smem:$0x7FF] =	sst s5;
	s8 =	sadd.s32 $0x3600, s0;
	s7 =	smul.u32 $0x50000, s14  }
0x8: {  	s9 =	sadd.s32 $0xD600, s0;
	s5 =	sadd.s32 $0x17600, s0;
	s10 =	smul.u32 $0x980, s14  }
0x9: {  	s11 =	sshll.u32 s14, $0x6;
	s12 =	smul.u32 $0x4C00, s14;
	s16 =	sshll.u32 s14, $0x7  }
0xa: {  	s4 =	smul.u32 $0x140000, s3;
	_ =	strace $0x8000004D;
	s19 =	ssub.s32 $0x2, s3  }
0xb: {  	p0 =	seq.s32 s3, $0x1;
	s26 =	sor.u32 $0x9800, s16;
	s20 =	sshrl.u32 s19, $0x1  }
0xc: {  	s7 =	sshrl.u32 s7, $0x2;
	s21 =	sadd.s32 s8, s10;
	s22 =	sshrl.u32 s12, $0x3  }
0xd: {  	s10 =	sadd.s32 s9, s10;
	s16 =	sadd.s32 s8, s26;
	s17 =	sadd.s32 s9, s26  }
0xe: {  	s26 =	simm.s32 $0x1A800;
	s4 =	sadd.s32 s6, s4;
	[dreg:$0x4] =	wrdreg s21  }
0xf: {  	s6 =	sadd.s32 s7, s2;
	s7 =	sor.u32 $0x1C03, s11;
	[dreg:$0x5] =	wrdreg s10  }
0x10: {  	s23 =	sadd.s32 $0x280, s22;
	s13 =	sadd.s32 $0x500, s22;
	s3 =	sadd.s32 $0x780, s22  }
0x11: {  	s21 =	simm.s32 $0x14000;
	s22 =	simm.s32 $0x15400;
	s4 =	sshrl.u32 s4, $0x3  }
0x12: {  	s24 =	sadd.s32 s8, s23;
	s25 =	sadd.s32 s9, s23;
	s12 =	sadd.s32 s8, s13  }
.Ltmp0:
0x13: {  	s13 =	sadd.s32 s9, s13;
	s14 =	sadd.s32 s8, s3;
	(pc) =	sbr.rel .LBB2_1-.Ltmp0, $4  }
0x14: {  	s15 =	sadd.s32 s9, s3;
	s23 =	simm.s32 $0x80;
	s3 =	simm.s32 $0x0  }
0x15: {  	s0 =	sadd.s32 s4, s0;
	s4 =	ssub.s32 s19, s20;
	[dreg:$0x6] =	wrdreg s24  }
0x16: {  	[dreg:$0x7] =	wrdreg s25;
	s20 =	simm.s32 $0x3;
	s24 =	simm.s32 $0x16800  }
0x17: {  	s18 =	sadd.s32 $0x41000, s0;
	s19 =	smax.u32 s4, $0x1;
	s0 =	simm.s32 $0x16780  }
.LBB2_12:
0x18: {  	[tilespmem:s21], [sflag:$0x3] =	stream.linear.gather [hbm4b:s16+s4], $0x400, $0x38;
	[tilespmem:$0x1E800] =	vst v63  }
0x19: {  	_ =	swait.ge [sflag:s20], $0x400  }
0x1a: {  	[sflag:s20] =	ssyncset.done $0x0  }
0x1b: {  	[sflag:s20] =	ssyncadd.s32 $0xFFFFFC00  }
0x1c: {  	[tilespmem:s22], [sflag:$0x3] =	stream.linear.gather [hbm4b:s17+s4], $0x400, $0x38;
	[tilespmem:$0x1E800] =	vst v63  }
0x1d: {  	_ =	swait.ge [sflag:s20], $0x400  }
0x1e: {  	[sflag:s20] =	ssyncset.done $0x0  }
0x1f: {  	[sflag:s20] =	ssyncadd.s32 $0xFFFFFC00  }
0x20: {  	[tilespmem:s24], [sflag:$0x1] =	stream.indirect.gather [hbm4b:s1+s23], $0x80, s21, s23, $0xb8;
	[tilespmem:$0x1E800] =	vst v63  }
0x21: {  	s9 =	simm.s32 $0x14080  }
0x22: {  	[tilespmem:s26], [sflag:$0x2] =	stream.indirect.gather [hbm4b:s1+s23], $0x80, s9, s23, $0xb8;
	[tilespmem:$0x1E800] =	vst v63  }
0x23: {  	_ =	swait.ge [sflag:s28], $0x4000  }
0x24: {  	[sflag:s28] =	ssyncset.done $0x0  }
0x25: {  	[sflag:s28] =	ssyncadd.s32 $0xFFFFC000  }
0x26: {  	[spmem:s2] =	stream.indirect.scatter.add.f32 [tilespmem:s24], [sflag:$0x3], $0x80, s22, s23, $0xb8;
	[tilespmem:$0x1E800] =	vst v63  }
0x27: {  	_ =	swait.ge [sflag:s20], $0x4000  }
0x28: {  	[sflag:s20] =	ssyncset.done $0x0  }
0x29: {  	s10 =	simm.s32 $0x14100;
	[sflag:s20] =	ssyncadd.s32 $0xFFFFC000  }
0x2a: {  	[tilespmem:s24], [sflag:$0x1] =	stream.indirect.gather [hbm4b:s1+s23], $0x80, s10, s23, $0xb8;
	[tilespmem:$0x1E800] =	vst v63  }
0x2b: {  	_ =	swait.ge [sflag:s30], $0x4000  }
0x2c: {  	[sflag:s30] =	ssyncset.done $0x0  }
0x2d: {  	s11 =	simm.s32 $0x15480;
	[sflag:s30] =	ssyncadd.s32 $0xFFFFC000  }
0x2e: {  	[spmem:s2] =	stream.indirect.scatter.add.f32 [tilespmem:s26], [sflag:$0x3], $0x80, s11, s23, $0xb8;
	[tilespmem:$0x1E800] =	vst v63  }
0x2f: {  	_ =	swait.ge [sflag:s20], $0x4000  }
0x30: {  	[sflag:s20] =	ssyncset.done $0x0  }
0x31: {  	s8 =	simm.s32 $0x14180;
	[sflag:s20] =	ssyncadd.s32 $0xFFFFC000  }
0x32: {  	[tilespmem:s26], [sflag:$0x2] =	stream.indirect.gather [hbm4b:s1+s23], $0x80, s8, s23, $0xb8;
	[tilespmem:$0x1E800] =	vst v63  }
0x33: {  	_ =	swait.ge [sflag:s28], $0x4000  }
0x34: {  	[sflag:s28] =	ssyncset.done $0x0  }
0x35: {  	s9 =	simm.s32 $0x15500;
	[sflag:s28] =	ssyncadd.s32 $0xFFFFC000  }
0x36: {  	[spmem:s2] =	stream.indirect.scatter.add.f32 [tilespmem:s24], [sflag:$0x3], $0x80, s9, s23, $0xb8;
	[tilespmem:$0x1E800] =	vst v63  }
0x37: {  	_ =	swait.ge [sflag:s20], $0x4000  }
0x38: {  	[sflag:s20] =	ssyncset.done $0x0  }
0x39: {  	s10 =	simm.s32 $0x14200;
	[sflag:s20] =	ssyncadd.s32 $0xFFFFC000  }
0x3a: {  	[tilespmem:s24], [sflag:$0x1] =	stream.indirect.gather [hbm4b:s1+s23], $0x80, s10, s23, $0xb8;
	[tilespmem:$0x1E800] =	vst v63  }
0x3b: {  	_ =	swait.ge [sflag:s30], $0x4000  }
0x3c: {  	[sflag:s30] =	ssyncset.done $0x0  }
0x3d: {  	s11 =	simm.s32 $0x15580;
	[sflag:s30] =	ssyncadd.s32 $0xFFFFC000  }
0x3e: {  	[spmem:s2] =	stream.indirect.scatter.add.f32 [tilespmem:s26], [sflag:$0x3], $0x80, s11, s23, $0xb8;
	[tilespmem:$0x1E800] =	vst v63  }
0x3f: {  	_ =	swait.ge [sflag:s20], $0x4000  }
0x40: {  	[sflag:s20] =	ssyncset.done $0x0  }
0x41: {  	s8 =	simm.s32 $0x14280;
	[sflag:s20] =	ssyncadd.s32 $0xFFFFC000  }
0x42: {  	[tilespmem:s26], [sflag:$0x2] =	stream.indirect.gather [hbm4b:s1+s23], $0x80, s8, s23, $0xb8;
	[tilespmem:$0x1E800] =	vst v63  }
0x43: {  	_ =	swait.ge [sflag:s28], $0x4000  }
0x44: {  	[sflag:s28] =	ssyncset.done $0x0  }
0x45: {  	s9 =	simm.s32 $0x15600;
	[sflag:s28] =	ssyncadd.s32 $0xFFFFC000  }
0x46: {  	[spmem:s2] =	stream.indirect.scatter.add.f32 [tilespmem:s24], [sflag:$0x3], $0x80, s9, s23, $0xb8;
	[tilespmem:$0x1E800] =	vst v63  }
0x47: {  	_ =	swait.ge [sflag:s20], $0x4000  }
0x48: {  	[sflag:s20] =	ssyncset.done $0x0  }
0x49: {  	s10 =	simm.s32 $0x14300;
	[sflag:s20] =	ssyncadd.s32 $0xFFFFC000  }
0x4a: {  	[tilespmem:s24], [sflag:$0x1] =	stream.indirect.gather [hbm4b:s1+s23], $0x80, s10, s23, $0xb8;
	[tilespmem:$0x1E800] =	vst v63  }
0x4b: {  	_ =	swait.ge [sflag:s30], $0x4000  }
0x4c: {  	[sflag:s30] =	ssyncset.done $0x0  }
0x4d: {  	s11 =	simm.s32 $0x15680;
	[sflag:s30] =	ssyncadd.s32 $0xFFFFC000  }
0x4e: {  	[spmem:s2] =	stream.indirect.scatter.add.f32 [tilespmem:s26], [sflag:$0x3], $0x80, s11, s23, $0xb8;
	[tilespmem:$0x1E800] =	vst v63  }
0x4f: {  	_ =	swait.ge [sflag:s20], $0x4000  }
0x50: {  	s4 =	simm.s32 $0x15780;
	[sflag:s20] =	ssyncset.done $0x0  }
0x51: {  	s8 =	simm.s32 $0x15700;
	s9 =	simm.s32 $0x14380;
	[sflag:s20] =	ssyncadd.s32 $0xFFFFC000  }
.LBB2_13:
0x52: {  	[tilespmem:s26], [sflag:$0x2] =	stream.indirect.gather [hbm4b:s1+s23], $0x80, s9, s23, $0xb8;
	[tilespmem:$0x1E800] =	vst v63  }
0x53: {  	_ =	swait.ge [sflag:s28], $0x4000  }
0x54: {  	[sflag:s28] =	ssyncset.done $0x0  }
0x55: {  	[sflag:s28] =	ssyncadd.s32 $0xFFFFC000  }
0x56: {  	[spmem:s2] =	stream.indirect.scatter.add.f32 [tilespmem:s24], [sflag:$0x3], $0x80, s8, s23, $0xb8;
	[tilespmem:$0x1E800] =	vst v63  }
0x57: {  	_ =	swait.ge [sflag:s20], $0x4000  }
0x58: {  	[sflag:s20] =	ssyncset.done $0x0  }
0x59: {  	[sflag:s20] =	ssyncadd.s32 $0xFFFFC000  }
0x5a: {  	_ =	swait.ge [sflag:s30], $0x4000  }
0x5b: {  	[sflag:s30] =	ssyncset.done $0x0  }
0x5c: {  	[sflag:s30] =	ssyncadd.s32 $0xFFFFC000  }
0x5d: {  	[spmem:s2] =	stream.indirect.scatter.add.f32 [tilespmem:s26], [sflag:$0x3], $0x80, s4, s23, $0xb8;
	[tilespmem:$0x1E800] =	vst v63  }
0x5e: {  	_ =	swait.ge [sflag:s20], $0x4000  }
0x5f: {  	s3 =	sadd.s32 $0x1, s3;
	[sflag:s20] =	ssyncset.done $0x0  }
0x60: {  	p1 =	sne.s32 s3, s19;
	[sflag:s20] =	ssyncadd.s32 $0xFFFFC000  }
.Ltmp1:
0x61: {  	[bflag:$0x0] =	sbarrier.arrive $0xFFFF;
	(pc) =	sbr.rel @!p1 .LBB2_14-.Ltmp1, $4  }
0x62: {  	[hbm:s18], [sflag:s7] =	dma.local [spmem:s25], $0x2800  }
0x63: {  	_ =	swait.ge [sflag:s20], $0x2800  }
0x64: {  	[sflag:s20] =	ssyncset.done $0x0  }
0x65: {  	[sflag:s20] =	ssyncadd.s32 $0xFFFFD800  }
.LBB2_1:
0x66: {  	s25 =	sshrl.u32 s6, $0x3  }
0x67: {  	[spmem:s25], [sflag:s7] =	dma.local [hbm:s5], $0x2800  }
.Ltmp2:
0x68: {  	_ =	swait.ge [sflag:s20], $0x2800;
	(pc) =	sbr.rel @p0 .LBB2_12-.Ltmp2, $4  }
0x69: {  	[sflag:s20] =	ssyncset.done $0x0  }
0x6a: {  	[sflag:s20] =	ssyncadd.s32 $0xFFFFD800  }
0x6b: {  	[bflag:$0x0] =	sbarrier.arrive $0xFFFF  }
0x6c: {  	s4 =	simm.s32 $0x0  }
0x6d: {  	s8 =	rddreg [dreg:$0x4]  }
0x6e: {  	[tilespmem:s21], [sflag:$0x3] =	stream.linear.gather [hbm4b:s8+s4], $0x1400, $0x38;
	[tilespmem:$0x1E800] =	vst v63  }
0x6f: {  	_ =	swait.ge [sflag:s20], $0x1400  }
0x70: {  	[sflag:s20] =	ssyncset.done $0x0  }
0x71: {  	s11 =	rddreg [dreg:$0x5];
	[sflag:s20] =	ssyncadd.s32 $0xFFFFEC00  }
0x72: {  	[tilespmem:s22], [sflag:$0x3] =	stream.linear.gather [hbm4b:s11+s4], $0x1400, $0x38;
	[tilespmem:$0x1E800] =	vst v63  }
0x73: {  	_ =	swait.ge [sflag:s20], $0x1400  }
0x74: {  	[sflag:s20] =	ssyncset.done $0x0  }
0x75: {  	[sflag:s20] =	ssyncadd.s32 $0xFFFFEC00  }
0x76: {  	[tilespmem:s24], [sflag:$0x1] =	stream.indirect.gather [hbm4b:s1+s23], $0x80, s21, s23, $0xb8;
	[tilespmem:$0x1E800] =	vst v63  }
0x77: {  	s8 =	simm.s32 $0x14080  }
0x78: {  	[tilespmem:s26], [sflag:$0x2] =	stream.indirect.gather [hbm4b:s1+s23], $0x80, s8, s23, $0xb8;
	[tilespmem:$0x1E800] =	vst v63  }
0x79: {  	_ =	swait.ge [sflag:s28], $0x4000  }
0x7a: {  	[sflag:s28] =	ssyncset.done $0x0  }
0x7b: {  	s9 =	simm.s32 $0x15400;
	[sflag:s28] =	ssyncadd.s32 $0xFFFFC000  }
0x7c: {  	[spmem:s2] =	stream.indirect.scatter.add.f32 [tilespmem:s24], [sflag:$0x3], $0x80, s9, s23, $0xb8;
	[tilespmem:$0x1E800] =	vst v63  }
0x7d: {  	_ =	swait.ge [sflag:s20], $0x4000  }
0x7e: {  	[sflag:s20] =	ssyncset.done $0x0  }
0x7f: {  	s10 =	simm.s32 $0x14100;
	[sflag:s20] =	ssyncadd.s32 $0xFFFFC000  }
0x80: {  	[tilespmem:s24], [sflag:$0x1] =	stream.indirect.gather [hbm4b:s1+s23], $0x80, s10, s23, $0xb8;
	[tilespmem:$0x1E800] =	vst v63  }
0x81: {  	_ =	swait.ge [sflag:s30], $0x4000  }
0x82: {  	[sflag:s30] =	ssyncset.done $0x0  }
0x83: {  	s11 =	simm.s32 $0x15480;
	[sflag:s30] =	ssyncadd.s32 $0xFFFFC000  }
0x84: {  	[spmem:s2] =	stream.indirect.scatter.add.f32 [tilespmem:s26], [sflag:$0x3], $0x80, s11, s23, $0xb8;
	[tilespmem:$0x1E800] =	vst v63  }
0x85: {  	_ =	swait.ge [sflag:s20], $0x4000  }
0x86: {  	s4 =	simm.s32 $0x100;
	s8 =	simm.s32 $0x800;
	[sflag:s20] =	ssyncset.done $0x0  }
.LBB2_3:
0x87: {  	s9 =	sadd.s32 $0x14080, s4  }
0x88: {  	[sflag:s20] =	ssyncadd.s32 $0xFFFFC000;
	s10 =	smov.u32 s8;
	s11 =	sadd.s32 $0x400, s8  }
0x89: {  	[tilespmem:s26], [sflag:$0x2] =	stream.indirect.gather [hbm4b:s1+s23], $0x80, s9, s23, $0xb8;
	[tilespmem:$0x1E800] =	vst v63  }
0x8a: {  	p1 =	sne.s32 s8, $0x4800;
	_ =	swait.ge [sflag:s28], $0x4000  }
0x8b: {  	[sflag:s28] =	ssyncset.done $0x0  }
0x8c: {  	s8 =	sadd.s32 $0x15400, s4;
	[sflag:s28] =	ssyncadd.s32 $0xFFFFC000  }
0x8d: {  	[spmem:s2] =	stream.indirect.scatter.add.f32 [tilespmem:s24], [sflag:$0x3], $0x80, s8, s23, $0xb8;
	[tilespmem:$0x1E800] =	vst v63  }
0x8e: {  	_ =	swait.ge [sflag:s20], $0x4000  }
0x8f: {  	[sflag:s20] =	ssyncset.done $0x0  }
0x90: {  	s8 =	sadd.s32 $0x14100, s4;
	[sflag:s20] =	ssyncadd.s32 $0xFFFFC000  }
0x91: {  	[tilespmem:s24], [sflag:$0x1] =	stream.indirect.gather [hbm4b:s1+s23], $0x80, s8, s23, $0xb8;
	[tilespmem:$0x1E800] =	vst v63  }
0x92: {  	_ =	swait.ge [sflag:s30], $0x4000  }
.Ltmp3:
0x93: {  	[sflag:s30] =	ssyncset.done $0x0;
	(pc) =	sbr.rel @p1 .LBB2_3-.Ltmp3, $4  }
0x94: {  	s4 =	sadd.s32 $0x15480, s4;
	[sflag:s30] =	ssyncadd.s32 $0xFFFFC000  }
0x95: {  	[spmem:s2] =	stream.indirect.scatter.add.f32 [tilespmem:s26], [sflag:$0x3], $0x80, s4, s23, $0xb8;
	[tilespmem:$0x1E800] =	vst v63  }
0x96: {  	_ =	swait.ge [sflag:s20], $0x4000  }
0x97: {  	s8 =	smov.u32 s11;
	s4 =	sshra.s32 s10, $0x2;
	[sflag:s20] =	ssyncset.done $0x0  }
0x98: {  	s8 =	sadd.s32 $0x14080, s4;
	[sflag:s20] =	ssyncadd.s32 $0xFFFFC000  }
0x99: {  	[tilespmem:s26], [sflag:$0x2] =	stream.indirect.gather [hbm4b:s1+s23], $0x80, s8, s23, $0xb8;
	[tilespmem:$0x1E800] =	vst v63  }
0x9a: {  	_ =	swait.ge [sflag:s28], $0x4000  }
0x9b: {  	[sflag:s28] =	ssyncset.done $0x0  }
0x9c: {  	s10 =	sadd.s32 $0x15400, s4;
	[sflag:s28] =	ssyncadd.s32 $0xFFFFC000  }
0x9d: {  	[spmem:s2] =	stream.indirect.scatter.add.f32 [tilespmem:s24], [sflag:$0x3], $0x80, s10, s23, $0xb8;
	[tilespmem:$0x1E800] =	vst v63  }
0x9e: {  	_ =	swait.ge [sflag:s20], $0x4000  }
0x9f: {  	[sflag:s20] =	ssyncset.done $0x0  }
0xa0: {  	s11 =	sadd.s32 $0x14100, s4;
	[sflag:s20] =	ssyncadd.s32 $0xFFFFC000  }
0xa1: {  	[tilespmem:s24], [sflag:$0x1] =	stream.indirect.gather [hbm4b:s1+s23], $0x80, s11, s23, $0xb8;
	[tilespmem:$0x1E800] =	vst v63  }
0xa2: {  	_ =	swait.ge [sflag:s30], $0x4000  }
0xa3: {  	[sflag:s30] =	ssyncset.done $0x0  }
0xa4: {  	s8 =	sadd.s32 $0x15480, s4;
	[sflag:s30] =	ssyncadd.s32 $0xFFFFC000  }
0xa5: {  	[spmem:s2] =	stream.indirect.scatter.add.f32 [tilespmem:s26], [sflag:$0x3], $0x80, s8, s23, $0xb8;
	[tilespmem:$0x1E800] =	vst v63  }
0xa6: {  	_ =	swait.ge [sflag:s20], $0x4000  }
0xa7: {  	[sflag:s20] =	ssyncset.done $0x0  }
0xa8: {  	[sflag:s20] =	ssyncadd.s32 $0xFFFFC000  }
0xa9: {  	[tilespmem:s26], [sflag:$0x2] =	stream.indirect.gather [hbm4b:s1+s23], $0x80, s29, s23, $0xb8;
	[tilespmem:$0x1E800] =	vst v63  }
0xaa: {  	_ =	swait.ge [sflag:s28], $0x4000  }
0xab: {  	[sflag:s28] =	ssyncset.done $0x0  }
0xac: {  	[sflag:s28] =	ssyncadd.s32 $0xFFFFC000  }
0xad: {  	[spmem:s2] =	stream.indirect.scatter.add.f32 [tilespmem:s24], [sflag:$0x3], $0x80, s31, s23, $0xb8;
	[tilespmem:$0x1E800] =	vst v63  }
0xae: {  	_ =	swait.ge [sflag:s20], $0x4000  }
0xaf: {  	[sflag:s20] =	ssyncset.done $0x0  }
0xb0: {  	[sflag:s20] =	ssyncadd.s32 $0xFFFFC000  }
0xb1: {  	_ =	swait.ge [sflag:s30], $0x4000  }
0xb2: {  	[sflag:s30] =	ssyncset.done $0x0  }
0xb3: {  	[sflag:s30] =	ssyncadd.s32 $0xFFFFC000  }
0xb4: {  	[spmem:s2] =	stream.indirect.scatter.add.f32 [tilespmem:s26], [sflag:$0x3], $0x80, s0, s23, $0xb8;
	[tilespmem:$0x1E800] =	vst v63  }
0xb5: {  	_ =	swait.ge [sflag:s20], $0x4000  }
0xb6: {  	[sflag:s20] =	ssyncset.done $0x0  }
0xb7: {  	s9 =	simm.s32 $0x0;
	s10 =	rddreg [dreg:$0x6];
	[sflag:s20] =	ssyncadd.s32 $0xFFFFC000  }
0xb8: {  	[tilespmem:s21], [sflag:$0x3] =	stream.linear.gather [hbm4b:s10+s9], $0x1400, $0x38;
	[tilespmem:$0x1E800] =	vst v63  }
0xb9: {  	_ =	swait.ge [sflag:s20], $0x1400  }
0xba: {  	[sflag:s20] =	ssyncset.done $0x0  }
0xbb: {  	s11 =	rddreg [dreg:$0x7];
	[sflag:s20] =	ssyncadd.s32 $0xFFFFEC00  }
0xbc: {  	[tilespmem:s22], [sflag:$0x3] =	stream.linear.gather [hbm4b:s11+s9], $0x1400, $0x38;
	[tilespmem:$0x1E800] =	vst v63  }
0xbd: {  	_ =	swait.ge [sflag:s20], $0x1400  }
0xbe: {  	[sflag:s20] =	ssyncset.done $0x0  }
0xbf: {  	[sflag:s20] =	ssyncadd.s32 $0xFFFFEC00  }
0xc0: {  	[tilespmem:s24], [sflag:$0x1] =	stream.indirect.gather [hbm4b:s1+s23], $0x80, s21, s23, $0xb8;
	[tilespmem:$0x1E800] =	vst v63  }
0xc1: {  	s8 =	simm.s32 $0x14080  }
0xc2: {  	[tilespmem:s26], [sflag:$0x2] =	stream.indirect.gather [hbm4b:s1+s23], $0x80, s8, s23, $0xb8;
	[tilespmem:$0x1E800] =	vst v63  }
0xc3: {  	_ =	swait.ge [sflag:s28], $0x4000  }
0xc4: {  	[sflag:s28] =	ssyncset.done $0x0  }
0xc5: {  	s9 =	simm.s32 $0x15400;
	[sflag:s28] =	ssyncadd.s32 $0xFFFFC000  }
0xc6: {  	[spmem:s2] =	stream.indirect.scatter.add.f32 [tilespmem:s24], [sflag:$0x3], $0x80, s9, s23, $0xb8;
	[tilespmem:$0x1E800] =	vst v63  }
0xc7: {  	_ =	swait.ge [sflag:s20], $0x4000  }
0xc8: {  	[sflag:s20] =	ssyncset.done $0x0  }
0xc9: {  	s10 =	simm.s32 $0x14100;
	[sflag:s20] =	ssyncadd.s32 $0xFFFFC000  }
0xca: {  	[tilespmem:s24], [sflag:$0x1] =	stream.indirect.gather [hbm4b:s1+s23], $0x80, s10, s23, $0xb8;
	[tilespmem:$0x1E800] =	vst v63  }
0xcb: {  	_ =	swait.ge [sflag:s30], $0x4000  }
0xcc: {  	[sflag:s30] =	ssyncset.done $0x0  }
0xcd: {  	s11 =	simm.s32 $0x15480;
	[sflag:s30] =	ssyncadd.s32 $0xFFFFC000  }
0xce: {  	[spmem:s2] =	stream.indirect.scatter.add.f32 [tilespmem:s26], [sflag:$0x3], $0x80, s11, s23, $0xb8;
	[tilespmem:$0x1E800] =	vst v63  }
0xcf: {  	_ =	swait.ge [sflag:s20], $0x4000  }
0xd0: {  	s4 =	simm.s32 $0x100;
	s8 =	simm.s32 $0x800;
	[sflag:s20] =	ssyncset.done $0x0  }
.LBB2_5:
0xd1: {  	s9 =	sadd.s32 $0x14080, s4  }
0xd2: {  	[sflag:s20] =	ssyncadd.s32 $0xFFFFC000;
	s10 =	smov.u32 s8;
	s11 =	sadd.s32 $0x400, s8  }
0xd3: {  	[tilespmem:s26], [sflag:$0x2] =	stream.indirect.gather [hbm4b:s1+s23], $0x80, s9, s23, $0xb8;
	[tilespmem:$0x1E800] =	vst v63  }
0xd4: {  	p1 =	sne.s32 s8, $0x4800;
	_ =	swait.ge [sflag:s28], $0x4000  }
0xd5: {  	[sflag:s28] =	ssyncset.done $0x0  }
0xd6: {  	s8 =	sadd.s32 $0x15400, s4;
	[sflag:s28] =	ssyncadd.s32 $0xFFFFC000  }
0xd7: {  	[spmem:s2] =	stream.indirect.scatter.add.f32 [tilespmem:s24], [sflag:$0x3], $0x80, s8, s23, $0xb8;
	[tilespmem:$0x1E800] =	vst v63  }
0xd8: {  	_ =	swait.ge [sflag:s20], $0x4000  }
0xd9: {  	[sflag:s20] =	ssyncset.done $0x0  }
0xda: {  	s8 =	sadd.s32 $0x14100, s4;
	[sflag:s20] =	ssyncadd.s32 $0xFFFFC000  }
0xdb: {  	[tilespmem:s24], [sflag:$0x1] =	stream.indirect.gather [hbm4b:s1+s23], $0x80, s8, s23, $0xb8;
	[tilespmem:$0x1E800] =	vst v63  }
0xdc: {  	_ =	swait.ge [sflag:s30], $0x4000  }
.Ltmp4:
0xdd: {  	[sflag:s30] =	ssyncset.done $0x0;
	(pc) =	sbr.rel @p1 .LBB2_5-.Ltmp4, $4  }
0xde: {  	s4 =	sadd.s32 $0x15480, s4;
	[sflag:s30] =	ssyncadd.s32 $0xFFFFC000  }
0xdf: {  	[spmem:s2] =	stream.indirect.scatter.add.f32 [tilespmem:s26], [sflag:$0x3], $0x80, s4, s23, $0xb8;
	[tilespmem:$0x1E800] =	vst v63  }
0xe0: {  	_ =	swait.ge [sflag:s20], $0x4000  }
0xe1: {  	s8 =	smov.u32 s11;
	s4 =	sshra.s32 s10, $0x2;
	[sflag:s20] =	ssyncset.done $0x0  }
0xe2: {  	s8 =	sadd.s32 $0x14080, s4;
	[sflag:s20] =	ssyncadd.s32 $0xFFFFC000  }
0xe3: {  	[tilespmem:s26], [sflag:$0x2] =	stream.indirect.gather [hbm4b:s1+s23], $0x80, s8, s23, $0xb8;
	[tilespmem:$0x1E800] =	vst v63  }
0xe4: {  	_ =	swait.ge [sflag:s28], $0x4000  }
0xe5: {  	[sflag:s28] =	ssyncset.done $0x0  }
0xe6: {  	s11 =	sadd.s32 $0x15400, s4;
	[sflag:s28] =	ssyncadd.s32 $0xFFFFC000  }
0xe7: {  	[spmem:s2] =	stream.indirect.scatter.add.f32 [tilespmem:s24], [sflag:$0x3], $0x80, s11, s23, $0xb8;
	[tilespmem:$0x1E800] =	vst v63  }
0xe8: {  	_ =	swait.ge [sflag:s20], $0x4000  }
0xe9: {  	[sflag:s20] =	ssyncset.done $0x0  }
0xea: {  	s9 =	sadd.s32 $0x14100, s4;
	[sflag:s20] =	ssyncadd.s32 $0xFFFFC000  }
0xeb: {  	[tilespmem:s24], [sflag:$0x1] =	stream.indirect.gather [hbm4b:s1+s23], $0x80, s9, s23, $0xb8;
	[tilespmem:$0x1E800] =	vst v63  }
0xec: {  	_ =	swait.ge [sflag:s30], $0x4000  }
0xed: {  	[sflag:s30] =	ssyncset.done $0x0  }
0xee: {  	s10 =	sadd.s32 $0x15480, s4;
	[sflag:s30] =	ssyncadd.s32 $0xFFFFC000  }
0xef: {  	[spmem:s2] =	stream.indirect.scatter.add.f32 [tilespmem:s26], [sflag:$0x3], $0x80, s10, s23, $0xb8;
	[tilespmem:$0x1E800] =	vst v63  }
0xf0: {  	_ =	swait.ge [sflag:s20], $0x4000  }
0xf1: {  	[sflag:s20] =	ssyncset.done $0x0  }
0xf2: {  	[sflag:s20] =	ssyncadd.s32 $0xFFFFC000  }
0xf3: {  	[tilespmem:s26], [sflag:$0x2] =	stream.indirect.gather [hbm4b:s1+s23], $0x80, s29, s23, $0xb8;
	[tilespmem:$0x1E800] =	vst v63  }
0xf4: {  	_ =	swait.ge [sflag:s28], $0x4000  }
0xf5: {  	[sflag:s28] =	ssyncset.done $0x0  }
0xf6: {  	[sflag:s28] =	ssyncadd.s32 $0xFFFFC000  }
0xf7: {  	[spmem:s2] =	stream.indirect.scatter.add.f32 [tilespmem:s24], [sflag:$0x3], $0x80, s31, s23, $0xb8;
	[tilespmem:$0x1E800] =	vst v63  }
0xf8: {  	_ =	swait.ge [sflag:s20], $0x4000  }
0xf9: {  	[sflag:s20] =	ssyncset.done $0x0  }
0xfa: {  	[sflag:s20] =	ssyncadd.s32 $0xFFFFC000  }
0xfb: {  	_ =	swait.ge [sflag:s30], $0x4000  }
0xfc: {  	[sflag:s30] =	ssyncset.done $0x0  }
0xfd: {  	[sflag:s30] =	ssyncadd.s32 $0xFFFFC000  }
0xfe: {  	[spmem:s2] =	stream.indirect.scatter.add.f32 [tilespmem:s26], [sflag:$0x3], $0x80, s0, s23, $0xb8;
	[tilespmem:$0x1E800] =	vst v63  }
0xff: {  	_ =	swait.ge [sflag:s20], $0x4000  }
0x100: {  	[sflag:s20] =	ssyncset.done $0x0  }
0x101: {  	s11 =	simm.s32 $0x0;
	[sflag:s20] =	ssyncadd.s32 $0xFFFFC000  }
0x102: {  	[tilespmem:s21], [sflag:$0x3] =	stream.linear.gather [hbm4b:s12+s11], $0x1400, $0x38;
	[tilespmem:$0x1E800] =	vst v63  }
0x103: {  	_ =	swait.ge [sflag:s20], $0x1400  }
0x104: {  	[sflag:s20] =	ssyncset.done $0x0  }
0x105: {  	[sflag:s20] =	ssyncadd.s32 $0xFFFFEC00  }
0x106: {  	[tilespmem:s22], [sflag:$0x3] =	stream.linear.gather [hbm4b:s13+s11], $0x1400, $0x38;
	[tilespmem:$0x1E800] =	vst v63  }
0x107: {  	_ =	swait.ge [sflag:s20], $0x1400  }
0x108: {  	[sflag:s20] =	ssyncset.done $0x0  }
0x109: {  	[sflag:s20] =	ssyncadd.s32 $0xFFFFEC00  }
0x10a: {  	[tilespmem:s24], [sflag:$0x1] =	stream.indirect.gather [hbm4b:s1+s23], $0x80, s21, s23, $0xb8;
	[tilespmem:$0x1E800] =	vst v63  }
0x10b: {  	s8 =	simm.s32 $0x14080  }
0x10c: {  	[tilespmem:s26], [sflag:$0x2] =	stream.indirect.gather [hbm4b:s1+s23], $0x80, s8, s23, $0xb8;
	[tilespmem:$0x1E800] =	vst v63  }
0x10d: {  	_ =	swait.ge [sflag:s28], $0x4000  }
0x10e: {  	[sflag:s28] =	ssyncset.done $0x0  }
0x10f: {  	s9 =	simm.s32 $0x15400;
	[sflag:s28] =	ssyncadd.s32 $0xFFFFC000  }
0x110: {  	[spmem:s2] =	stream.indirect.scatter.add.f32 [tilespmem:s24], [sflag:$0x3], $0x80, s9, s23, $0xb8;
	[tilespmem:$0x1E800] =	vst v63  }
0x111: {  	_ =	swait.ge [sflag:s20], $0x4000  }
0x112: {  	[sflag:s20] =	ssyncset.done $0x0  }
0x113: {  	s10 =	simm.s32 $0x14100;
	[sflag:s20] =	ssyncadd.s32 $0xFFFFC000  }
0x114: {  	[tilespmem:s24], [sflag:$0x1] =	stream.indirect.gather [hbm4b:s1+s23], $0x80, s10, s23, $0xb8;
	[tilespmem:$0x1E800] =	vst v63  }
0x115: {  	_ =	swait.ge [sflag:s30], $0x4000  }
0x116: {  	[sflag:s30] =	ssyncset.done $0x0  }
0x117: {  	s11 =	simm.s32 $0x15480;
	[sflag:s30] =	ssyncadd.s32 $0xFFFFC000  }
0x118: {  	[spmem:s2] =	stream.indirect.scatter.add.f32 [tilespmem:s26], [sflag:$0x3], $0x80, s11, s23, $0xb8;
	[tilespmem:$0x1E800] =	vst v63  }
0x119: {  	_ =	swait.ge [sflag:s20], $0x4000  }
0x11a: {  	s4 =	simm.s32 $0x100;
	s8 =	simm.s32 $0x800;
	[sflag:s20] =	ssyncset.done $0x0  }
.LBB2_7:
0x11b: {  	s9 =	sadd.s32 $0x14080, s4  }
0x11c: {  	[sflag:s20] =	ssyncadd.s32 $0xFFFFC000;
	s10 =	smov.u32 s8;
	s11 =	sadd.s32 $0x400, s8  }
0x11d: {  	[tilespmem:s26], [sflag:$0x2] =	stream.indirect.gather [hbm4b:s1+s23], $0x80, s9, s23, $0xb8;
	[tilespmem:$0x1E800] =	vst v63  }
0x11e: {  	p1 =	sne.s32 s8, $0x4800;
	_ =	swait.ge [sflag:s28], $0x4000  }
0x11f: {  	[sflag:s28] =	ssyncset.done $0x0  }
0x120: {  	s8 =	sadd.s32 $0x15400, s4;
	[sflag:s28] =	ssyncadd.s32 $0xFFFFC000  }
0x121: {  	[spmem:s2] =	stream.indirect.scatter.add.f32 [tilespmem:s24], [sflag:$0x3], $0x80, s8, s23, $0xb8;
	[tilespmem:$0x1E800] =	vst v63  }
0x122: {  	_ =	swait.ge [sflag:s20], $0x4000  }
0x123: {  	[sflag:s20] =	ssyncset.done $0x0  }
0x124: {  	s8 =	sadd.s32 $0x14100, s4;
	[sflag:s20] =	ssyncadd.s32 $0xFFFFC000  }
0x125: {  	[tilespmem:s24], [sflag:$0x1] =	stream.indirect.gather [hbm4b:s1+s23], $0x80, s8, s23, $0xb8;
	[tilespmem:$0x1E800] =	vst v63  }
0x126: {  	_ =	swait.ge [sflag:s30], $0x4000  }
.Ltmp5:
0x127: {  	[sflag:s30] =	ssyncset.done $0x0;
	(pc) =	sbr.rel @p1 .LBB2_7-.Ltmp5, $4  }
0x128: {  	s4 =	sadd.s32 $0x15480, s4;
	[sflag:s30] =	ssyncadd.s32 $0xFFFFC000  }
0x129: {  	[spmem:s2] =	stream.indirect.scatter.add.f32 [tilespmem:s26], [sflag:$0x3], $0x80, s4, s23, $0xb8;
	[tilespmem:$0x1E800] =	vst v63  }
0x12a: {  	_ =	swait.ge [sflag:s20], $0x4000  }
0x12b: {  	s8 =	smov.u32 s11;
	s4 =	sshra.s32 s10, $0x2;
	[sflag:s20] =	ssyncset.done $0x0  }
0x12c: {  	s8 =	sadd.s32 $0x14080, s4;
	[sflag:s20] =	ssyncadd.s32 $0xFFFFC000  }
0x12d: {  	[tilespmem:s26], [sflag:$0x2] =	stream.indirect.gather [hbm4b:s1+s23], $0x80, s8, s23, $0xb8;
	[tilespmem:$0x1E800] =	vst v63  }
0x12e: {  	_ =	swait.ge [sflag:s28], $0x4000  }
0x12f: {  	[sflag:s28] =	ssyncset.done $0x0  }
0x130: {  	s11 =	sadd.s32 $0x15400, s4;
	[sflag:s28] =	ssyncadd.s32 $0xFFFFC000  }
0x131: {  	[spmem:s2] =	stream.indirect.scatter.add.f32 [tilespmem:s24], [sflag:$0x3], $0x80, s11, s23, $0xb8;
	[tilespmem:$0x1E800] =	vst v63  }
0x132: {  	_ =	swait.ge [sflag:s20], $0x4000  }
0x133: {  	[sflag:s20] =	ssyncset.done $0x0  }
0x134: {  	s9 =	sadd.s32 $0x14100, s4;
	[sflag:s20] =	ssyncadd.s32 $0xFFFFC000  }
0x135: {  	[tilespmem:s24], [sflag:$0x1] =	stream.indirect.gather [hbm4b:s1+s23], $0x80, s9, s23, $0xb8;
	[tilespmem:$0x1E800] =	vst v63  }
0x136: {  	_ =	swait.ge [sflag:s30], $0x4000  }
0x137: {  	[sflag:s30] =	ssyncset.done $0x0  }
0x138: {  	s10 =	sadd.s32 $0x15480, s4;
	[sflag:s30] =	ssyncadd.s32 $0xFFFFC000  }
0x139: {  	[spmem:s2] =	stream.indirect.scatter.add.f32 [tilespmem:s26], [sflag:$0x3], $0x80, s10, s23, $0xb8;
	[tilespmem:$0x1E800] =	vst v63  }
0x13a: {  	_ =	swait.ge [sflag:s20], $0x4000  }
0x13b: {  	[sflag:s20] =	ssyncset.done $0x0  }
0x13c: {  	[sflag:s20] =	ssyncadd.s32 $0xFFFFC000  }
0x13d: {  	[tilespmem:s26], [sflag:$0x2] =	stream.indirect.gather [hbm4b:s1+s23], $0x80, s29, s23, $0xb8;
	[tilespmem:$0x1E800] =	vst v63  }
0x13e: {  	_ =	swait.ge [sflag:s28], $0x4000  }
0x13f: {  	[sflag:s28] =	ssyncset.done $0x0  }
0x140: {  	[sflag:s28] =	ssyncadd.s32 $0xFFFFC000  }
0x141: {  	[spmem:s2] =	stream.indirect.scatter.add.f32 [tilespmem:s24], [sflag:$0x3], $0x80, s31, s23, $0xb8;
	[tilespmem:$0x1E800] =	vst v63  }
0x142: {  	_ =	swait.ge [sflag:s20], $0x4000  }
0x143: {  	[sflag:s20] =	ssyncset.done $0x0  }
0x144: {  	[sflag:s20] =	ssyncadd.s32 $0xFFFFC000  }
0x145: {  	_ =	swait.ge [sflag:s30], $0x4000  }
0x146: {  	[sflag:s30] =	ssyncset.done $0x0  }
0x147: {  	[sflag:s30] =	ssyncadd.s32 $0xFFFFC000  }
0x148: {  	[spmem:s2] =	stream.indirect.scatter.add.f32 [tilespmem:s26], [sflag:$0x3], $0x80, s0, s23, $0xb8;
	[tilespmem:$0x1E800] =	vst v63  }
0x149: {  	_ =	swait.ge [sflag:s20], $0x4000  }
0x14a: {  	[sflag:s20] =	ssyncset.done $0x0  }
0x14b: {  	s11 =	simm.s32 $0x0;
	[sflag:s20] =	ssyncadd.s32 $0xFFFFC000  }
0x14c: {  	[tilespmem:s21], [sflag:$0x3] =	stream.linear.gather [hbm4b:s14+s11], $0x1000, $0x38;
	[tilespmem:$0x1E800] =	vst v63  }
0x14d: {  	_ =	swait.ge [sflag:s20], $0x1000  }
0x14e: {  	[sflag:s20] =	ssyncset.done $0x0  }
0x14f: {  	p2 =	por $0x0, $0x0;
	[sflag:s20] =	ssyncadd.s32 $0xFFFFF000  }
0x150: {  	[tilespmem:s22], [sflag:$0x3] =	stream.linear.gather [hbm4b:s15+s11], $0x1000, $0x38;
	[tilespmem:$0x1E800] =	vst v63  }
.Ltmp6:
0x151: {  	_ = 	snop;
	(pc) =	sbr.rel @p2 .LBB2_11-.Ltmp6, $4  }
0x152: {  	_ =	swait.ge [sflag:s20], $0x1000  }
0x153: {  	[sflag:s20] =	ssyncset.done $0x0  }
0x154: {  	s4 =	simm.s32 $0x0;
	p1 =	por $0x0, $0x0;
	[sflag:s20] =	ssyncadd.s32 $0xFFFFF000  }
0x155: {  	[tilespmem:s24], [sflag:$0x1] =	stream.indirect.gather [hbm4b:s1+s23], $0x80, s21, s23, $0xb8;
	[tilespmem:$0x1E800] =	vst v63  }
0x156: {  	s4 =	simm.s32 $0x14080  }
0x157: {  	[tilespmem:s26], [sflag:$0x2] =	stream.indirect.gather [hbm4b:s1+s23], $0x80, s4, s23, $0xb8;
	[tilespmem:$0x1E800] =	vst v63  }
0x158: {  	_ =	swait.ge [sflag:s28], $0x4000  }
0x159: {  	[sflag:s28] =	ssyncset.done $0x0  }
0x15a: {  	s9 =	simm.s32 $0x15400;
	[sflag:s28] =	ssyncadd.s32 $0xFFFFC000  }
0x15b: {  	[spmem:s2] =	stream.indirect.scatter.add.f32 [tilespmem:s24], [sflag:$0x3], $0x80, s9, s23, $0xb8;
	[tilespmem:$0x1E800] =	vst v63  }
0x15c: {  	_ =	swait.ge [sflag:s20], $0x4000  }
0x15d: {  	[sflag:s20] =	ssyncset.done $0x0  }
0x15e: {  	s10 =	simm.s32 $0x14100;
	[sflag:s20] =	ssyncadd.s32 $0xFFFFC000  }
0x15f: {  	[tilespmem:s24], [sflag:$0x1] =	stream.indirect.gather [hbm4b:s1+s23], $0x80, s10, s23, $0xb8;
	[tilespmem:$0x1E800] =	vst v63  }
0x160: {  	p2 =	por $0x0, $0x0;
	_ =	swait.ge [sflag:s30], $0x4000  }
.Ltmp7:
0x161: {  	[sflag:s30] =	ssyncset.done $0x0;
	(pc) =	sbr.rel @p2 .LBB2_11-.Ltmp7, $4  }
0x162: {  	s11 =	simm.s32 $0x15480;
	[sflag:s30] =	ssyncadd.s32 $0xFFFFC000  }
0x163: {  	[spmem:s2] =	stream.indirect.scatter.add.f32 [tilespmem:s26], [sflag:$0x3], $0x80, s11, s23, $0xb8;
	[tilespmem:$0x1E800] =	vst v63  }
0x164: {  	s8 =	simm.s32 $0x800;
	_ =	swait.ge [sflag:s20], $0x4000  }
0x165: {  	p1 =	por $0x1, $0x1;
	s4 =	simm.s32 $0x100;
	[sflag:s20] =	ssyncset.done $0x0  }
.LBB2_10:
0x166: {  	s9 =	sadd.s32 $0x14080, s4  }
0x167: {  	[sflag:s20] =	ssyncadd.s32 $0xFFFFC000;
	s10 =	smov.u32 s8;
	s11 =	sadd.s32 $0x400, s8  }
0x168: {  	[tilespmem:s26], [sflag:$0x2] =	stream.indirect.gather [hbm4b:s1+s23], $0x80, s9, s23, $0xb8;
	[tilespmem:$0x1E800] =	vst v63  }
0x169: {  	p2 =	seq.s32 s8, $0x3800;
	_ =	swait.ge [sflag:s28], $0x4000  }
0x16a: {  	[sflag:s28] =	ssyncset.done $0x0  }
0x16b: {  	s8 =	sadd.s32 $0x15400, s4;
	[sflag:s28] =	ssyncadd.s32 $0xFFFFC000  }
0x16c: {  	[spmem:s2] =	stream.indirect.scatter.add.f32 [tilespmem:s24], [sflag:$0x3], $0x80, s8, s23, $0xb8;
	[tilespmem:$0x1E800] =	vst v63  }
0x16d: {  	_ =	swait.ge [sflag:s20], $0x4000  }
0x16e: {  	[sflag:s20] =	ssyncset.done $0x0  }
0x16f: {  	s8 =	sadd.s32 $0x14100, s4;
	[sflag:s20] =	ssyncadd.s32 $0xFFFFC000  }
0x170: {  	[tilespmem:s24], [sflag:$0x1] =	stream.indirect.gather [hbm4b:s1+s23], $0x80, s8, s23, $0xb8;
	[tilespmem:$0x1E800] =	vst v63  }
0x171: {  	_ =	swait.ge [sflag:s30], $0x4000  }
.Ltmp8:
0x172: {  	[sflag:s30] =	ssyncset.done $0x0;
	(pc) =	sbr.rel @!p2 .LBB2_10-.Ltmp8, $4  }
0x173: {  	s4 =	sadd.s32 $0x15480, s4;
	[sflag:s30] =	ssyncadd.s32 $0xFFFFC000  }
0x174: {  	[spmem:s2] =	stream.indirect.scatter.add.f32 [tilespmem:s26], [sflag:$0x3], $0x80, s4, s23, $0xb8;
	[tilespmem:$0x1E800] =	vst v63  }
0x175: {  	_ =	swait.ge [sflag:s20], $0x4000  }
0x176: {  	s8 =	smov.u32 s11;
	s4 =	sshra.s32 s10, $0x2;
	[sflag:s20] =	ssyncset.done $0x0  }
.LBB2_11:
0x177: {  	s8 =	sadd.s32 $0x14080, s4;
	[sflag:s20] =	ssyncadd.s32 @p1 $0xFFFFC000  }
0x178: {  	[tilespmem:s26], [sflag:$0x2] =	stream.indirect.gather [hbm4b:s1+s23], $0x80, s8, s23, $0xb8;
	[tilespmem:$0x1E800] =	vst v63  }
0x179: {  	_ =	swait.ge [sflag:s28], $0x4000  }
0x17a: {  	[sflag:s28] =	ssyncset.done $0x0  }
0x17b: {  	s9 =	sadd.s32 $0x15400, s4;
	[sflag:s28] =	ssyncadd.s32 $0xFFFFC000  }
0x17c: {  	[spmem:s2] =	stream.indirect.scatter.add.f32 [tilespmem:s24], [sflag:$0x3], $0x80, s9, s23, $0xb8;
	[tilespmem:$0x1E800] =	vst v63  }
0x17d: {  	_ =	swait.ge [sflag:s20], $0x4000  }
0x17e: {  	[sflag:s20] =	ssyncset.done $0x0  }
0x17f: {  	s10 =	sadd.s32 $0x14100, s4;
	[sflag:s20] =	ssyncadd.s32 $0xFFFFC000  }
0x180: {  	[tilespmem:s24], [sflag:$0x1] =	stream.indirect.gather [hbm4b:s1+s23], $0x80, s10, s23, $0xb8;
	[tilespmem:$0x1E800] =	vst v63  }
0x181: {  	_ =	swait.ge [sflag:s30], $0x4000  }
0x182: {  	[sflag:s30] =	ssyncset.done $0x0  }
.Ltmp9:
0x183: {  	s11 =	sadd.s32 $0x15480, s4;
	[sflag:s30] =	ssyncadd.s32 $0xFFFFC000;
	(pc) =	sbr.rel .LBB2_13-.Ltmp9, $4  }
0x184: {  	[spmem:s2] =	stream.indirect.scatter.add.f32 [tilespmem:s26], [sflag:$0x3], $0x80, s11, s23, $0xb8;
	[tilespmem:$0x1E800] =	vst v63  }
0x185: {  	_ =	swait.ge [sflag:s20], $0x4000  }
0x186: {  	s4 =	simm.s32 $0x16380;
	[sflag:s20] =	ssyncset.done $0x0  }
0x187: {  	s8 =	simm.s32 $0x16300;
	s9 =	simm.s32 $0x14F80;
	[sflag:s20] =	ssyncadd.s32 $0xFFFFC000  }
.LBB2_14:
0x188: {  	_ =	sfence.sel $0x180000  }
0x189: {  	[bflag:$0x0] =	sbarrier.arrive $0xFFFF  }
0x18a: {  	_ =	strace $0x9000004D  }
0x18b: {  	s0 =	stileid.u32;
	[bflag:$0x2] =	sbarrier.arrive $0xFFFF  }
0x18c: {  	p0 =	sne.s32 s0, $0x0;
	s0 =	rddreg [dreg:$0x3]  }
0x18d: {  	s0 =	sadd.s32 @!p0 $0x100000, s0  }
0x18e: {  	[sflag:s0] =	ssyncadd.tile.s32 @!p0 $0x1;
	_ =	shalt  }
.Lfunc_end2:
_tile_overlayer_lowered:
.L_overlay_start_2:
0x18f: {  	(tag) =	ssettag $0x2  }
0x190: {  	s0 =	rddreg [dreg:$0x0];
	s2 =	stileid.u32  }
0x191: {  	s1 =	rddreg [dreg:$0x1];
	p0 =	sne.s32 s2, $0x0  }
0x192: {  	s3 =	rddreg [dreg:$0x2];
	[bflag:$0x3] =	sbarrier.arrive $0xFFFF;
	s2 =	simm.s32 @!p0 $0x1C03  }
0x193: {  	[timem:s3], [sflag:s2] =	dma.local @!p0 [hbm:s0], s1  }
0x194: {  	s0 =	simm.s32 @!p0 $0x3  }
0x195: {  	_ =	swait.ge @!p0 [sflag:s0], s1  }
0x196: {  	s1 =	ssub.s32 @!p0 $0x0, s1;
	[sflag:s0] =	ssyncset.done @!p0 $0x0  }
0x197: {  	[sflag:s0] =	ssyncadd.s32 @!p0 s1  }
0x198: {  	[bflag:$0x3] =	sbarrier.arrive $0xFFFF  }
0x199: {  	_ =	shalt  }

// kernel: kernel.8.cloned.1.call-start
scs
__scs_entry_jumppad:
0x0: {  	(pc) =	sbr.rel $0x88, $3  }
0x1: {  	(tag) =	ssettag $0x0;
	lr =	simm.s32 $0x1  }
0x2: {  	[smem:$0x3F9B] =	sst lr;
	_ =	strace $0xD0000000  }
0x3: {  	_ = 	snop  }
0x4: {  	_ = 	snop  }
0x5: {  	_ = 	snop  }
0x6: {  	_ = 	snop  }
0x7: {  	_ = 	snop  }
__scs_overlays_trampoline_lowered:
0x8: {  	[smem:$0x3FAA] =	sst s0  }
0x9: {  	[smem:$0x3FAB] =	sst s1  }
0xa: {  	[smem:$0x3FAC] =	sst s2  }
0xb: {  	[smem:$0x3FAD] =	sst s3  }
0xc: {  	[smem:$0x3FAE] =	sst s4  }
0xd: {  	[smem:$0x3FAF] =	sst s5  }
0xe: {  	[smem:$0x3FB0] =	sst s6  }
0xf: {  	[smem:$0x3FB1] =	sst s7  }
0x10: {  	[smem:$0x3FB2] =	sst s8  }
0x11: {  	[smem:$0x3FB3] =	sst s9;
	s0 =	simm.s32 @!p0 $0x0  }
0x12: {  	s1 =	sld [smem:$0x3F99];
	s0 =	simm.s32 @p0 $0x1  }
0x13: {  	[smem:$0x3FB4] =	sst s0;
	s0 =	simm.s32 @!p1 $0x0  }
0x14: {  	s2 =	sld [smem:$0x3F98];
	s0 =	simm.s32 @p1 $0x1  }
0x15: {  	[smem:$0x3FB5] =	sst s0;
	s0 =	simm.s32 @!p2 $0x0  }
0x16: {  	s3 =	sld [smem:$0x3FDB];
	s0 =	simm.s32 @p2 $0x1  }
0x17: {  	s4 =	simm.s32 $0x1BF5;
	[smem:$0x3FB7] =	sst s0  }
0x18: {  	s0 =	sld [smem:$0x3F9A];
	_ =	swait.ge [sflag:s4], $0x0  }
0x19: {  	s7 =	sld [smem:$0x3F9B]  }
0x1a: {  	s8 =	sadd.s32 $0xFFFFE003, lr  }
0x1b: {  	s9 =	sadd.s32 $0xFFFFFEF7, lr;
	s5 =	simm.s32 $0xFFFFFFFF;
	p2 =	slt.u32 s8, $0xFFFFF086  }
0x1c: {  	p1 =	slt.u32 s9, $0xF7A;
	s5 =	simm.s32 @!p2 $0x0  }
0x1d: {  	s5 =	simm.s32 @p1 $0x1;
	p0 =	seq.s32 s7, s2  }
0x1e: {  	s7 =	smul.u32 @!p0 $0xF7A, s2;
	p2 =	seq.s32 @!p0 s5, $0x0  }
0x1f: {  	s9 =	smul.u32 $0xF7A, s1;
	s8 =	simm.s32 @!p0 $0x1BF5;
	p2 =	por !p2, p0  }
0x20: {  	[sflag:s8] =	ssyncset.s32 @!p0 $0xFFFFF086;
	s6 =	sadd.s32 @!p0 s3, s7;
	s7 =	simm.s32 @!p0 $0x108  }
0x21: {  	s3 =	sadd.s32 s3, s9;
	s6 =	sadd.s32 @!p0 $0x88, s6;
	s7 =	simm.s32 @p2 $0x1082  }
0x22: {  	[simem:s7], [sflag:s8] =	dma.local @!p0 [hbm:s6], $0xF7A  }
0x23: {  	s9 =	sor.u32 $0xD0000000, s2;
	s6 =	simm.s32 $0x108;
	_ =	swait.ge @!p0 [sflag:s8], $0x0  }
0x24: {  	s3 =	sadd.s32 $0x88, s3;
	s6 =	simm.s32 @!p1 $0x1082;
	[sflag:s4] =	ssyncset.s32 $0xFFFFF086  }
0x25: {  	[simem:s6], [sflag:s4] =	dma.local [hbm:s3], $0xF7A  }
0x26: {  	[smem:$0x3F9B] =	sst s1;
	(tag) =	ssettag s2;
	_ =	strace s9  }
0x27: {  	s1 =	sld [smem:$0x3FAB]  }
0x28: {  	s2 =	sld [smem:$0x3FAC]  }
0x29: {  	s4 =	sld [smem:$0x3FAE]  }
0x2a: {  	p0 =	seq.s32 s5, $0x0;
	s5 =	sld [smem:$0x3FAF]  }
0x2b: {  	s6 =	sld [smem:$0x3FB0]  }
0x2c: {  	s7 =	sld [smem:$0x3FB1]  }
0x2d: {  	s3 =	simm.s32 $0x108;
	s8 =	sld [smem:$0x3FB2]  }
0x2e: {  	s3 =	simm.s32 @!p0 $0x1082;
	s9 =	sld [smem:$0x3FB3]  }
0x2f: {  	lr =	sadd.s32 s0, s3;
	s0 =	sld [smem:$0x3FAA]  }
0x30: {  	s3 =	sld [smem:$0x3FAD]  }
0x31: {  	[smem:$0x3FB6] =	sst s10  }
0x32: {  	s10 =	sld [smem:$0x3FB4];
	_ =	sdelay $0x3  }
0x33: {  	p0 =	seq.s32 s10, $0x1;
	s10 =	sld [smem:$0x3FB6];
	_ =	sdelay $0x3  }
0x34: {  	[smem:$0x3FB6] =	sst s10  }
0x35: {  	s10 =	sld [smem:$0x3FB5];
	_ =	sdelay $0x3  }
0x36: {  	p1 =	seq.s32 s10, $0x1;
	s10 =	sld [smem:$0x3FB6];
	_ =	sdelay $0x3  }
0x37: {  	[smem:$0x3FB6] =	sst s10  }
0x38: {  	s10 =	sld [smem:$0x3FB7]  }
0x39: {  	_ = 	snop;
	(pc) =	sbr.ind lr, $3  }
0x3a: {  	_ = 	snop  }
0x3b: {  	_ = 	snop  }
0x3c: {  	p2 =	seq.s32 s10, $0x1;
	s10 =	sld [smem:$0x3FB6]  }
0x3d: {  	_ =	shalt  }
0x3e: {  	_ =	shalt  }
0x3f: {  	_ =	shalt  }
0x40: {  	_ =	shalt  }
0x41: {  	_ =	shalt  }
0x42: {  	_ =	shalt  }
0x43: {  	_ =	shalt  }
0x44: {  	_ =	shalt  }
0x45: {  	_ =	shalt  }
0x46: {  	_ =	shalt  }
0x47: {  	_ =	shalt  }
0x48: {  	_ =	shalt  }
0x49: {  	_ =	shalt  }
0x4a: {  	_ =	shalt  }
0x4b: {  	_ =	shalt  }
0x4c: {  	_ =	shalt  }
0x4d: {  	_ =	shalt  }
0x4e: {  	_ =	shalt  }
0x4f: {  	_ =	shalt  }
0x50: {  	_ =	shalt  }
0x51: {  	_ =	shalt  }
0x52: {  	_ =	shalt  }
0x53: {  	_ =	shalt  }
0x54: {  	_ =	shalt  }
0x55: {  	_ =	shalt  }
0x56: {  	_ =	shalt  }
0x57: {  	_ =	shalt  }
0x58: {  	_ =	shalt  }
0x59: {  	_ =	shalt  }
0x5a: {  	_ =	shalt  }
0x5b: {  	_ =	shalt  }
0x5c: {  	_ =	shalt  }
0x5d: {  	_ =	shalt  }
0x5e: {  	_ =	shalt  }
0x5f: {  	_ =	shalt  }
0x60: {  	_ =	shalt  }
0x61: {  	_ =	shalt  }
0x62: {  	_ =	shalt  }
0x63: {  	_ =	shalt  }
0x64: {  	_ =	shalt  }
0x65: {  	_ =	shalt  }
0x66: {  	_ =	shalt  }
0x67: {  	_ =	shalt  }
0x68: {  	_ =	shalt  }
0x69: {  	_ =	shalt  }
0x6a: {  	_ =	shalt  }
0x6b: {  	_ =	shalt  }
0x6c: {  	_ =	shalt  }
0x6d: {  	_ =	shalt  }
0x6e: {  	_ =	shalt  }
0x6f: {  	_ =	shalt  }
0x70: {  	_ =	shalt  }
0x71: {  	_ =	shalt  }
0x72: {  	_ =	shalt  }
0x73: {  	_ =	shalt  }
0x74: {  	_ =	shalt  }
0x75: {  	_ =	shalt  }
0x76: {  	_ =	shalt  }
0x77: {  	_ =	shalt  }
0x78: {  	_ =	shalt  }
0x79: {  	_ =	shalt  }
0x7a: {  	_ =	shalt  }
0x7b: {  	_ =	shalt  }
0x7c: {  	_ =	shalt  }
0x7d: {  	_ =	shalt  }
0x7e: {  	_ =	shalt  }
0x7f: {  	_ =	shalt  }
0x80: {  	_ =	shalt  }
0x81: {  	_ =	shalt  }
0x82: {  	_ =	shalt  }
0x83: {  	_ =	shalt  }
0x84: {  	_ =	shalt  }
0x85: {  	_ =	shalt  }
0x86: {  	_ =	shalt  }
0x87: {  	_ =	shalt  }
.Lfunc_end0:
.L_simem_size_0:
called_computation_lowered:
.L_overlay_start_0:
0x88: {  	s2 =	sld [smem:$0x3FD9]  }
0x89: {  	s3 =	sld [smem:$0x3FFE];
	_ =	sdelay $0x1  }
0x8a: {  	s1 =	srdreg.scid  }
0x8b: {  	s0 =	sand.u32 $0x1, s1  }
0x8c: {  	s17 =	sshll.u32 s0, $0xA;
	s2 =	sadd.s32 s3, s2  }
0x8d: {  	s2 =	sadd.s32 s2, s17  }
0x8e: {  	[smem:$0x3FC2] =	sst s2  }
0x8f: {  	_ = 	snop  }
0x90: {  	s2 =	sld [smem:$0x3FD0];
	(tm) =	ssettm $0x1  }
0x91: {  	s18 =	sld [smem:$0x3FFB];
	_ =	sdelay $0x3  }
0x92: {  	_ =	strace s18  }
0x93: {  	s3 =	sld [smem:$0x3FFC];
	_ =	sdelay $0x3  }
0x94: {  	_ =	strace s3  }
0x95: {  	s3 =	sld [smem:$0x3FFD];
	_ =	sdelay $0x3  }
0x96: {  	_ =	strace s3  }
0x97: {  	_ =	strace $0x8FFFFFFF  }
0x98: {  	s19 =	sld [smem:$0x3FDB];
	_ =	sdelay $0x1  }
0x99: {  	s4 =	simm.s32 $_scs_section_size  }
0x9a: {  	s5 =	simm.s32 $_size__tile_overlayer_lowered;
	s6 =	simm.s32 $_tile_overlayer_lowered  }
0x9b: {  	s22 =	simm.s32 $0x1BFF;
	s21 =	sshll.u32 s6, $0x1;
	s3 =	sadd.s32 s4, s19  }
0x9c: {  	s7 =	simm.s32 $0x0;
	s20 =	sshll.u32 s5, $0x1;
	s5 =	sadd.s32 s21, s3  }
0x9d: {  	[timem:s7], [sflag:s22] =	dma.local [hbm:s5], s20  }
0x9e: {  	_ =	swait.ge [sflag:s22], s20  }
0x9f: {  	s4 =	ssub.s32 $0x0, s20;
	[sflag:s22] =	ssyncset.done $0x0  }
0xa0: {  	[sflag:s22] =	ssyncadd.s32 s4;
	_ =	sdelay $0x1  }
0xa1: {  	s23 =	simm.s32 $0x1B8B  }
0xa2: {  	_ =	swait.ge [sflag:s23], $0x1  }
0xa3: {  	[sflag:s23] =	ssyncset.done $0x0  }
0xa4: {  	s25 =	simm.s32 $0x1B8E;
	s24 =	sld [smem:$0x3FFE];
	[sflag:s23] =	ssyncadd.s32 $0xFFFFFFFF  }
0xa5: {  	s26 =	simm.s32 $execute0_lowered;
	[smem:$0x3FD2] =	sst s25  }
0xa6: {  	s5 =	sshll.u32 s26, $0x1;
	_ =	strace $0x80000046;
	[dreg:$0x1] =	wrdreg $0xFFFFFFFF  }
0xa7: {  	s28 =	simm.s32 $_size_execute0_lowered;
	s3 =	sadd.s32 s3, s5;
	[dreg:$0x0] =	wrdreg $0x0  }
0xa8: {  	s5 =	sshll.u32 s28, $0x1;
	[dreg:$0x2] =	wrdreg s3  }
0xa9: {  	[dreg:$0x3] =	wrdreg s5  }
0xaa: {  	[dreg:$0x4] =	wrdreg $0xC0  }
0xab: {  	_ =	task [dreg:s7], $0x5FFFF  }
0xac: {  	[dreg:$0x1] =	wrdreg $0xFFFFFFFF  }
0xad: {  	[dreg:$0x0] =	wrdreg $0x60  }
0xae: {  	[dreg:$0x2] =	wrdreg s24  }
0xaf: {  	[dreg:$0x3] =	wrdreg s2  }
0xb0: {  	[dreg:$0x4] =	wrdreg $0x0  }
0xb1: {  	[dreg:$0x5] =	wrdreg $0x9  }
0xb2: {  	_ =	task.clear_ibuf [dreg:s7], $0x6FFFF;
	_ =	strace $0x90000046  }
0xb3: {  	s29 =	simm.s32 $0x9;
	_ =	strace $0x80000048  }
0xb4: {  	_ =	swait.ge [sflag:s29], $0x1  }
0xb5: {  	[sflag:s29] =	ssyncadd.s32 $0xFFFFFFFF  }
0xb6: {  	_ =	strace $0x90000048  }
0xb7: {  	_ =	sfence  }
0xb8: {  	s30 =	sld [smem:$0x0];
	_ =	sdelay $0x2  }
0xb9: {  	s31 =	sshll.u32 s1, $0xD;
	s1 =	sshrl.u32 s1, $0x2  }
0xba: {  	s3 =	sand.u32 $0x4000, s31;
	s1 =	sadd.s32 s1, s30  }
0xbb: {  	s0 =	sor.u32 s3, s0;
	s1 =	sshll.u32 s1, $0x11  }
0xbc: {  	s0 =	sor.u32 s1, s0  }
0xbd: {  	s0 =	sadd.s32 $0x8F2B, s0  }
0xbe: {  	[sflag:s0] =	ssyncadd.remote.s32 $0x1  }
0xbf: {  	_ =	sfence.sel $0xFFFF  }
0xc0: {  	[dreg:$0x0] =	wrdreg $0xFFFFFFFF;
	(pc) =	sbr.abs _section_cstart, $3  }
0xc1: {  	[dreg:$0x1] =	wrdreg $0xFFFFFFFF  }
0xc2: {  	_ =	task.clear_ibuf [dreg:s7], $0x2FFFF;
	_ =	strace $0x9FFFFFFF  }
0xc3: {  	(tm) =	ssettm $0x7FFFFFFF  }
tec
execute0_lowered:
.L_overlay_start_1:
0x0: {  	(tag) =	ssettag $0x1  }
0x1: {  	s6 =	rddreg [dreg:$0x0]  }
0x2: {  	s1 =	rddreg [dreg:$0x1]  }
0x3: {  	s3 =	rddreg [dreg:$0x2];
	s2 =	srdreg.scid  }
0x4: {  	s0 =	rddreg [dreg:$0x3];
	s4 =	simm.s32 $0x0;
	s13 =	simm.s32 $0x14000  }
0x5: {  	s14 =	simm.s32 $0x80;
	s7 =	sand.u32 $0x1, s2;
	s2 =	stileid.u32  }
0x6: {  	s15 =	simm.s32 $0x0;
	[smem:$0x7FF] =	sst s4;
	s8 =	smul.u32 $0x140000, s7  }
0x7: {  	s5 =	sshll.u32 s7, $0x4;
	s9 =	smul.u32 $0x14000, s2;
	_ =	strace $0x80000047  }
0x8: {  	s10 =	smul.u32 $0x50000, s2;
	s31 =	ssub.s32 $0x2, s7;
	s5 =	sor.u32 s2, s5  }
0x9: {  	s11 =	sshll.u32 s2, $0x6;
	s7 =	sshrl.u32 s31, $0x1;
	s5 =	smul.u32 $0x500, s5  }
0xa: {  	s8 =	sadd.s32 s9, s8;
	s10 =	sshrl.u32 s10, $0x2;
	s12 =	ssub.s32 s31, s7  }
0xb: {  	s8 =	sshrl.u32 s8, $0x3;
	s10 =	sadd.s32 s10, s3;
	s9 =	smax.u32 s12, $0x1  }
0xc: {  	s12 =	simm.s32 $0x16800;
	s30 =	sadd.s32 s5, s6;
	s5 =	sadd.s32 $0x17600, s6  }
0xd: {  	s8 =	sadd.s32 s8, s6;
	s6 =	sor.u32 $0x1C01, s11;
	s10 =	sshrl.u32 s10, $0x3  }
0xe: {  	s11 =	simm.s32 $0x1;
	s7 =	sadd.s32 $0xD600, s30;
	s8 =	sadd.s32 $0x19E00, s8  }
.LBB2_1:
0xf: {  	[spmem:s10], [sflag:s6] =	dma.local [hbm:s5], $0x2800  }
0x10: {  	_ =	swait.ge [sflag:s11], $0x2800  }
0x11: {  	[sflag:s11] =	ssyncset.done $0x0  }
0x12: {  	[sflag:s11] =	ssyncadd.s32 $0xFFFFD800  }
0x13: {  	[tilespmem:s12], [sflag:$0x1] =	stream.linear.gather [hbm4b:s1+s4], $0x4000, $0x38;
	[tilespmem:$0x1A800] =	vst v63  }
0x14: {  	_ =	swait.ge [sflag:s11], $0x4000  }
0x15: {  	[sflag:s11] =	ssyncset.done $0x0  }
0x16: {  	[sflag:s11] =	ssyncadd.s32 $0xFFFFC000  }
0x17: {  	[tilespmem:s13], [sflag:$0x1] =	stream.linear.gather [hbm4b:s7+s4], $0x2800, $0x38;
	[tilespmem:$0x1A800] =	vst v63  }
0x18: {  	_ =	swait.ge [sflag:s11], $0x2800  }
0x19: {  	[sflag:s11] =	ssyncset.done $0x0  }
0x1a: {  	[sflag:s11] =	ssyncadd.s32 $0xFFFFD800  }
0x1b: {  	s16 =	simm.s32 $0x14000;
	[bflag:$0x0] =	sbarrier.arrive $0xFFFF  }
0x1c: {  	[spmem:s3] =	stream.indirect.scatter.add.f32 [tilespmem:s12], [sflag:$0x1], $0x80, s16, s14, $0xb8;
	[tilespmem:$0x1A800] =	vst v63  }
0x1d: {  	s16 =	simm.s32 $0x200;
	_ =	swait.ge [sflag:s11], $0x4000  }
.LBB2_2:
0x1e: {  	s17 =	sshra.s32 s16, $0x2;
	[sflag:s11] =	ssyncset.done $0x0;
	p0 =	sne.s32 s16, $0x9E00  }
.Ltmp0:
0x1f: {  	s17 =	sadd.s32 $0x14000, s17;
	[sflag:s11] =	ssyncadd.s32 $0xFFFFC000;
	(pc) =	sbr.rel @p0 .LBB2_2-.Ltmp0, $3  }
0x20: {  	[spmem:s3] =	stream.indirect.scatter.add.f32 [tilespmem:s12], [sflag:$0x1], $0x80, s17, s14, $0xb8;
	[tilespmem:$0x1A800] =	vst v63  }
0x21: {  	s16 =	sadd.s32 $0x200, s16;
	_ =	sdelay $0x1  }
0x22: {  	_ =	swait.ge [sflag:s11], $0x4000  }
0x23: {  	[sflag:s11] =	ssyncset.done $0x0;
	s15 =	sadd.s32 $0x1, s15  }
0x24: {  	[sflag:s11] =	ssyncadd.s32 $0xFFFFC000;
	p0 =	sne.s32 s15, s9  }
.Ltmp1:
0x25: {  	[bflag:$0x0] =	sbarrier.arrive $0xFFFF;
	(pc) =	sbr.rel @p0 .LBB2_1-.Ltmp1, $4  }
0x26: {  	[hbm:s8], [sflag:s6] =	dma.local [spmem:s10], $0x2800  }
0x27: {  	_ =	swait.ge [sflag:s11], $0x2800  }
0x28: {  	[sflag:s11] =	ssyncset.done $0x0  }
0x29: {  	[sflag:s11] =	ssyncadd.s32 $0xFFFFD800  }
0x2a: {  	_ =	sfence.sel $0x180000  }
0x2b: {  	[bflag:$0x0] =	sbarrier.arrive $0xFFFF  }
0x2c: {  	p0 =	sne.s32 s2, $0x0;
	_ =	strace $0x90000047  }
0x2d: {  	s0 =	sadd.s32 @!p0 $0x100000, s0;
	[bflag:$0x2] =	sbarrier.arrive $0xFFFF  }
0x2e: {  	[sflag:s0] =	ssyncadd.tile.s32 @!p0 $0x1;
	_ =	shalt  }
.Lfunc_end2:
_tile_overlayer_lowered:
.L_overlay_start_2:
0x2f: {  	(tag) =	ssettag $0x2  }
0x30: {  	s0 =	rddreg [dreg:$0x0];
	s2 =	stileid.u32  }
0x31: {  	s1 =	rddreg [dreg:$0x1];
	p0 =	sne.s32 s2, $0x0  }
0x32: {  	s3 =	rddreg [dreg:$0x2];
	[bflag:$0x3] =	sbarrier.arrive $0xFFFF;
	s2 =	simm.s32 @!p0 $0x1C01  }
0x33: {  	[timem:s3], [sflag:s2] =	dma.local @!p0 [hbm:s0], s1  }
0x34: {  	s0 =	simm.s32 @!p0 $0x1  }
0x35: {  	_ =	swait.ge @!p0 [sflag:s0], s1  }
0x36: {  	s1 =	ssub.s32 @!p0 $0x0, s1;
	[sflag:s0] =	ssyncset.done @!p0 $0x0  }
0x37: {  	[sflag:s0] =	ssyncadd.s32 @!p0 s1  }
0x38: {  	[bflag:$0x3] =	sbarrier.arrive $0xFFFF  }
0x39: {  	_ =	shalt  }

</sc_bundles>
